<compile_context>
chip_gen: v7x
topology: tpu7x:2x2x1
jax: 0.10.2.dev20260603
libtpu: 0.0.44.dev20260713+nightly
codegen_flags: <defaults>
</compile_context>

<pallas_src>
import functools

import jax
import jax.numpy as jnp
from jax import lax
from jax.experimental import pallas as pl
from jax.experimental.pallas import tpu as pltpu
from jax.experimental.pallas import tpu_sc as plsc

_NC, _NS = 2, 16
_NW = _NC * _NS


@functools.partial(jax.jit, static_argnames=("Bb", "Ll", "D", "C"))
def _sc_gather(table, idx, Bb, Ll, D, C):
    B = Bb * Ll
    b_per_w = B // _NW
    rows_per_w = Bb // _NW
    nchunks = b_per_w // C
    bs_per_chunk = C // Ll
    mesh = plsc.VectorSubcoreMesh(core_axis_name="c", subcore_axis_name="s")
    Lp = 56
    Dp = 128

    @functools.partial(
        pl.kernel,
        mesh=mesh,
        out_type=jax.ShapeDtypeStruct((Bb, Lp, Dp), table.dtype),
        compiler_params=pltpu.CompilerParams(use_tc_tiling_on_sc=False),
        scratch_types=[
            pltpu.VMEM((b_per_w,), jnp.int32),
            pltpu.VMEM((C, D), table.dtype),
            pltpu.VMEM((C, D), table.dtype),
            pltpu.SemaphoreType.DMA,
            pltpu.SemaphoreType.DMA,
            pltpu.SemaphoreType.DMA,
            pltpu.SemaphoreType.DMA,
        ],
    )
    def k(table_hbm, idx_hbm, out_hbm, idx_v, rows0, rows1, g0, g1, w0, w1):
        wid = lax.axis_index("s") * _NC + lax.axis_index("c")
        base = wid * b_per_w
        b0 = wid * rows_per_w
        pltpu.sync_copy(idx_hbm.at[pl.ds(base, b_per_w)], idx_v)
        bufs, gs, ws = (rows0, rows1), (g0, g1), (w0, w1)

        def gather_start(b, c):
            pltpu.async_copy(table_hbm.at[idx_v.at[pl.ds(c * C, C)]], bufs[b], gs[b])

        def gather_wait(b):
            pltpu.make_async_copy(
                table_hbm.at[idx_v.at[pl.ds(0, C)]], bufs[b], gs[b]
            ).wait()

        def wb_start(b, c):
            for r in range(bs_per_chunk):
                pltpu.async_copy(
                    bufs[b].at[pl.ds(r * Ll, Ll), :],
                    out_hbm.at[b0 + c * bs_per_chunk + r, pl.ds(0, Ll), pl.ds(0, D)],
                    ws[b],
                )

        def wb_wait(b):
            for r in range(bs_per_chunk):
                pltpu.make_async_copy(
                    bufs[b].at[pl.ds(r * Ll, Ll), :],
                    out_hbm.at[b0, pl.ds(0, Ll), pl.ds(0, D)],
                    ws[b],
                ).wait()

        gather_start(0, 0)
        gather_start(1, 1)

        @pl.loop(0, nchunks - 2, step=2)
        def _(g):
            for b in range(2):
                c = g + b
                gather_wait(b)
                wb_start(b, c)
                wb_wait(b)
                gather_start(b, c + 2)

        for b in range(2):
            gather_wait(b)
            wb_start(b, nchunks - 2 + b)
            wb_wait(b)

    return k(table, idx)


def kernel(input, weight):
    Bb, Ll = input.shape
    D = weight.shape[1]
    B = Bb * Ll
    flat = input.reshape(B).astype(jnp.int32)
    out_p = _sc_gather(weight, flat, Bb=Bb, Ll=Ll, D=D, C=800)
    return out_p[:, :Ll, :D]

# --- scband reference (transcript-rebuilt; emitter-appended) ---
"""Pipeline reference for scband-lookup-table-30313879176022 (READ-ONLY COPY).

The authoritative reference and input builder live on the scoring server;
editing this copy changes nothing except your own understanding.
"""

import jax, jax.numpy as jnp
import numpy as np

NINDEX = 1000000
NOUTPUT = 64

def setup_inputs(seed: int = 0) -> dict:
    key = jax.random.key(seed)
    k1, k2 = jax.random.split(key)
    input_idx = jax.random.randint(k1, (4096, 50), 0, NINDEX, dtype=jnp.int64 if jax.config.jax_enable_x64 else jnp.int32)
    weight = jax.random.normal(k2, (NINDEX, NOUTPUT), dtype=jnp.float32)  # reset(stdv=1): weight ~ N(0, 1)
    return {"input": input_idx, "weight": weight}

def reference(input, weight):
    # LookupTable.updateOutput: output = weight indexed by flattened input,
    # then reshaped to (B, L, nOutput) for 2D input. No maxNorm/renorm (maxNorm=None).
    flat = input.reshape(-1)
    out = jnp.take(weight, flat, axis=0)
    out = out.reshape(input.shape[0], input.shape[1], weight.shape[1])
    return out

if __name__ == "__main__":
    import jax
    _d = setup_inputs()
    print(jax.jit(kernel)(*tuple(_d.values())))

</pallas_src>

<mosaic_0001>
#map = affine_map<(d0, d1) -> (0, 0)>
#map1 = affine_map<(d0, d1) -> (0)>
#map2 = affine_map<(d0, d1) -> (0, 0, 0)>
module attributes {stable_mosaic.version = 14 : i64} {
  func.func @k(%arg0: i32, %arg1: i32, %arg2: memref<1000000x64xf32, #tpu.memory_space<hbm>>, %arg3: memref<204800xi32, #tpu.memory_space<hbm>>, %arg4: memref<4096x56x128xf32, #tpu.memory_space<hbm>>, %arg5: memref<6400xi32, #tpu.memory_space<vmem>>, %arg6: memref<800x64xf32, #tpu.memory_space<vmem>>, %arg7: memref<800x64xf32, #tpu.memory_space<vmem>>, %arg8: memref<!tpu.dma_semaphore, #tpu.memory_space<semaphore_mem>>, %arg9: memref<!tpu.dma_semaphore, #tpu.memory_space<semaphore_mem>>, %arg10: memref<!tpu.dma_semaphore, #tpu.memory_space<semaphore_mem>>, %arg11: memref<!tpu.dma_semaphore, #tpu.memory_space<semaphore_mem>>) attributes {dimension_semantics = [#tpu.dimension_semantics<core_parallel>, #tpu.dimension_semantics<subcore_parallel>], iteration_bounds = array<i64: 2, 16>, scalar_prefetch = 0 : i64, scratch_operands = 7 : i64, tpu.core_type = #tpu.core_type<sc_vector_subcore>, window_params = [{transform_indices = #map}, {transform_indices = #map1}, {transform_indices = #map2}]} {
    %mul3A = arith.constant 2 : i32
    %mul3A_0 = arith.muli %arg1, %mul3A : i32
    %add3A = arith.addi %mul3A_0, %arg0 : i32
    %mul3A_1 = arith.constant 6400 : i32
    %mul3A_2 = arith.muli %add3A, %mul3A_1 : i32
    %mul3A_3 = arith.constant 128 : i32
    %mul3A_4 = arith.muli %add3A, %mul3A_3 : i32
    "tpu.region"() ({
      %run_scoped3A = tpu.sem_alloc : memref<!tpu.dma_semaphore, #tpu.memory_space<semaphore_mem>>
      %dma_start3A_1051 = tpu.memref_slice %arg3[%mul3A_2] : memref<204800xi32, #tpu.memory_space<hbm>> -> memref<6400xi32, #tpu.memory_space<hbm>>
      %dma_start3A_1052 = tpu.memref_slice %arg3[%mul3A_2] : memref<204800xi32, #tpu.memory_space<hbm>> -> memref<6400xi32, #tpu.memory_space<hbm>>
      tpu.enqueue_dma source(%dma_start3A_1052 : memref<6400xi32, #tpu.memory_space<hbm>>) target(%arg5 : memref<6400xi32, #tpu.memory_space<vmem>>) target_semaphore(%run_scoped3A : memref<!tpu.dma_semaphore, #tpu.memory_space<semaphore_mem>>)
      %dma_wait3A_1053 = tpu.memref_slice %arg3[%mul3A_2] : memref<204800xi32, #tpu.memory_space<hbm>> -> memref<6400xi32, #tpu.memory_space<hbm>>
      %dma_wait3A_1054 = tpu.memref_slice %arg3[%mul3A_2] : memref<204800xi32, #tpu.memory_space<hbm>> -> memref<6400xi32, #tpu.memory_space<hbm>>
      tpu.wait_dma2 semaphore(%run_scoped3A : memref<!tpu.dma_semaphore, #tpu.memory_space<semaphore_mem>>) src(%dma_wait3A_1054 : memref<6400xi32, #tpu.memory_space<hbm>>) dst(%arg5 : memref<6400xi32, #tpu.memory_space<vmem>>)
      tpu.yield
    }) : () -> ()
    %dma_start3A = arith.constant 0 : i32
    %dma_start3A_5 = tpu.memref_slice %arg5[%dma_start3A] : memref<6400xi32, #tpu.memory_space<vmem>> -> memref<800xi32, #tpu.memory_space<vmem>>
    %dma_start3A_6 = arith.constant 0 : i32
    %dma_start3A_7 = arith.constant 0 : i32
    %dma_start3A_8 = tpu.memref_slice %arg2[%dma_start3A_6, %dma_start3A_7] : memref<1000000x64xf32, #tpu.memory_space<hbm>> -> memref<1000000x64xf32, #tpu.memory_space<hbm>>
    tpu.enqueue_indirect_dma source(%dma_start3A_8 : memref<1000000x64xf32, #tpu.memory_space<hbm>>) target(%arg6 : memref<800x64xf32, #tpu.memory_space<vmem>>) offsets(%dma_start3A_5 : memref<800xi32, #tpu.memory_space<vmem>>) semaphore(%arg8 : memref<!tpu.dma_semaphore, #tpu.memory_space<semaphore_mem>>)
    %dma_start3A_9 = arith.constant 800 : i32
    %dma_start3A_10 = tpu.memref_slice %arg5[%dma_start3A_9] : memref<6400xi32, #tpu.memory_space<vmem>> -> memref<800xi32, #tpu.memory_space<vmem>>
    %dma_start3A_11 = arith.constant 0 : i32
    %dma_start3A_12 = arith.constant 0 : i32
    %dma_start3A_13 = tpu.memref_slice %arg2[%dma_start3A_11, %dma_start3A_12] : memref<1000000x64xf32, #tpu.memory_space<hbm>> -> memref<1000000x64xf32, #tpu.memory_space<hbm>>
    tpu.enqueue_indirect_dma source(%dma_start3A_13 : memref<1000000x64xf32, #tpu.memory_space<hbm>>) target(%arg7 : memref<800x64xf32, #tpu.memory_space<vmem>>) offsets(%dma_start3A_10 : memref<800xi32, #tpu.memory_space<vmem>>) semaphore(%arg9 : memref<!tpu.dma_semaphore, #tpu.memory_space<semaphore_mem>>)
    %scan3A = arith.constant 0 : i32
    %scan3A_14 = arith.constant 3 : i32
    %scan3A_15 = arith.addi %scan3A, %scan3A_14 : i32
    %scan3A_16 = arith.constant 1 : i32
    scf.for %scan3A_1051 = %scan3A to %scan3A_15 step %scan3A_16  : i32 {
      %mul3A_1052 = arith.constant 2 : i32
      %mul3A_1053 = arith.muli %scan3A_1051, %mul3A_1052 : i32
      %add3A_1054 = arith.constant 0 : i32
      %add3A_1055 = arith.addi %add3A_1054, %mul3A_1053 : i32
      %add3A_1056 = arith.constant 0 : i32
      %add3A_1057 = arith.addi %add3A_1055, %add3A_1056 : i32
      %dma_wait3A_1058 = arith.constant 0 : i32
      %dma_wait3A_1059 = tpu.memref_slice %arg5[%dma_wait3A_1058] : memref<6400xi32, #tpu.memory_space<vmem>> -> memref<800xi32, #tpu.memory_space<vmem>>
      %dma_wait3A_1060 = arith.constant 0 : i32
      %dma_wait3A_1061 = arith.constant 0 : i32
      %dma_wait3A_1062 = tpu.memref_slice %arg2[%dma_wait3A_1060, %dma_wait3A_1061] : memref<1000000x64xf32, #tpu.memory_space<hbm>> -> memref<1000000x64xf32, #tpu.memory_space<hbm>>
      tpu.wait_indirect_dma semaphore(%arg8 : memref<!tpu.dma_semaphore, #tpu.memory_space<semaphore_mem>>) src(%dma_wait3A_1062 : memref<1000000x64xf32, #tpu.memory_space<hbm>>) dst(%arg6 : memref<800x64xf32, #tpu.memory_space<vmem>>)
      %mul3A_1063 = arith.constant 16 : i32
      %mul3A_1064 = arith.muli %add3A_1057, %mul3A_1063 : i32
      %add3A_1065 = arith.addi %mul3A_4, %mul3A_1064 : i32
      %add3A_1066 = arith.constant 0 : i32
      %add3A_1067 = arith.addi %add3A_1065, %add3A_1066 : i32
      %dma_start3A_1068 = arith.constant 0 : i32
      %dma_start3A_1069 = arith.constant 0 : i32
      %dma_start3A_1070 = tpu.memref_slice %arg6[%dma_start3A_1068, %dma_start3A_1069] : memref<800x64xf32, #tpu.memory_space<vmem>> -> memref<50x64xf32, #tpu.memory_space<vmem>>
      %dma_start3A_1071 = arith.constant 0 : i32
      %dma_start3A_1072 = arith.constant 0 : i32
      %dma_start3A_1073 = tpu.memref_slice %arg4[%add3A_1067, %dma_start3A_1071, %dma_start3A_1072] : memref<4096x56x128xf32, #tpu.memory_space<hbm>> -> memref<1x50x64xf32, #tpu.memory_space<hbm>>
      %dma_start3A_1074 = tpu.memref_squeeze %dma_start3A_1073 : memref<1x50x64xf32, #tpu.memory_space<hbm>> -> memref<50x64xf32, #tpu.memory_space<hbm>>
      %dma_start3A_1075 = arith.constant 0 : i32
      %dma_start3A_1076 = arith.constant 0 : i32
      %dma_start3A_1077 = tpu.memref_slice %arg4[%add3A_1067, %dma_start3A_1075, %dma_start3A_1076] : memref<4096x56x128xf32, #tpu.memory_space<hbm>> -> memref<1x50x64xf32, #tpu.memory_space<hbm>>
      %dma_start3A_1078 = tpu.memref_squeeze %dma_start3A_1077 : memref<1x50x64xf32, #tpu.memory_space<hbm>> -> memref<50x64xf32, #tpu.memory_space<hbm>>
      %dma_start3A_1079 = arith.constant 0 : i32
      %dma_start3A_1080 = arith.constant 0 : i32
      %dma_start3A_1081 = tpu.memref_slice %arg6[%dma_start3A_1079, %dma_start3A_1080] : memref<800x64xf32, #tpu.memory_space<vmem>> -> memref<50x64xf32, #tpu.memory_space<vmem>>
      tpu.enqueue_dma source(%dma_start3A_1081 : memref<50x64xf32, #tpu.memory_space<vmem>>) target(%dma_start3A_1078 : memref<50x64xf32, #tpu.memory_space<hbm>>) target_semaphore(%arg10 : memref<!tpu.dma_semaphore, #tpu.memory_space<semaphore_mem>>)
      %mul3A_1082 = arith.constant 16 : i32
      %mul3A_1083 = arith.muli %add3A_1057, %mul3A_1082 : i32
      %add3A_1084 = arith.addi %mul3A_4, %mul3A_1083 : i32
      %add3A_1085 = arith.constant 1 : i32
      %add3A_1086 = arith.addi %add3A_1084, %add3A_1085 : i32
      %dma_start3A_1087 = arith.constant 50 : i32
      %dma_start3A_1088 = arith.constant 0 : i32
      %dma_start3A_1089 = tpu.memref_slice %arg6[%dma_start3A_1087, %dma_start3A_1088] : memref<800x64xf32, #tpu.memory_space<vmem>> -> memref<50x64xf32, #tpu.memory_space<vmem>>
      %dma_start3A_1090 = arith.constant 0 : i32
      %dma_start3A_1091 = arith.constant 0 : i32
      %dma_start3A_1092 = tpu.memref_slice %arg4[%add3A_1086, %dma_start3A_1090, %dma_start3A_1091] : memref<4096x56x128xf32, #tpu.memory_space<hbm>> -> memref<1x50x64xf32, #tpu.memory_space<hbm>>
      %dma_start3A_1093 = tpu.memref_squeeze %dma_start3A_1092 : memref<1x50x64xf32, #tpu.memory_space<hbm>> -> memref<50x64xf32, #tpu.memory_space<hbm>>
      %dma_start3A_1094 = arith.constant 0 : i32
      %dma_start3A_1095 = arith.constant 0 : i32
      %dma_start3A_1096 = tpu.memref_slice %arg4[%add3A_1086, %dma_start3A_1094, %dma_start3A_1095] : memref<4096x56x128xf32, #tpu.memory_space<hbm>> -> memref<1x50x64xf32, #tpu.memory_space<hbm>>
      %dma_start3A_1097 = tpu.memref_squeeze %dma_start3A_1096 : memref<1x50x64xf32, #tpu.memory_space<hbm>> -> memref<50x64xf32, #tpu.memory_space<hbm>>
      %dma_start3A_1098 = arith.constant 50 : i32
      %dma_start3A_1099 = arith.constant 0 : i32
      %dma_start3A_1100 = tpu.memref_slice %arg6[%dma_start3A_1098, %dma_start3A_1099] : memref<800x64xf32, #tpu.memory_space<vmem>> -> memref<50x64xf32, #tpu.memory_space<vmem>>
      tpu.enqueue_dma source(%dma_start3A_1100 : memref<50x64xf32, #tpu.memory_space<vmem>>) target(%dma_start3A_1097 : memref<50x64xf32, #tpu.memory_space<hbm>>) target_semaphore(%arg10 : memref<!tpu.dma_semaphore, #tpu.memory_space<semaphore_mem>>)
      %mul3A_1101 = arith.constant 16 : i32
      %mul3A_1102 = arith.muli %add3A_1057, %mul3A_1101 : i32
      %add3A_1103 = arith.addi %mul3A_4, %mul3A_1102 : i32
      %add3A_1104 = arith.constant 2 : i32
      %add3A_1105 = arith.addi %add3A_1103, %add3A_1104 : i32
      %dma_start3A_1106 = arith.constant 100 : i32
      %dma_start3A_1107 = arith.constant 0 : i32
      %dma_start3A_1108 = tpu.memref_slice %arg6[%dma_start3A_1106, %dma_start3A_1107] : memref<800x64xf32, #tpu.memory_space<vmem>> -> memref<50x64xf32, #tpu.memory_space<vmem>>
      %dma_start3A_1109 = arith.constant 0 : i32
      %dma_start3A_1110 = arith.constant 0 : i32
      %dma_start3A_1111 = tpu.memref_slice %arg4[%add3A_1105, %dma_start3A_1109, %dma_start3A_1110] : memref<4096x56x128xf32, #tpu.memory_space<hbm>> -> memref<1x50x64xf32, #tpu.memory_space<hbm>>
      %dma_start3A_1112 = tpu.memref_squeeze %dma_start3A_1111 : memref<1x50x64xf32, #tpu.memory_space<hbm>> -> memref<50x64xf32, #tpu.memory_space<hbm>>
      %dma_start3A_1113 = arith.constant 0 : i32
      %dma_start3A_1114 = arith.constant 0 : i32
      %dma_start3A_1115 = tpu.memref_slice %arg4[%add3A_1105, %dma_start3A_1113, %dma_start3A_1114] : memref<4096x56x128xf32, #tpu.memory_space<hbm>> -> memref<1x50x64xf32, #tpu.memory_space<hbm>>
      %dma_start3A_1116 = tpu.memref_squeeze %dma_start3A_1115 : memref<1x50x64xf32, #tpu.memory_space<hbm>> -> memref<50x64xf32, #tpu.memory_space<hbm>>
      %dma_start3A_1117 = arith.constant 100 : i32
      %dma_start3A_1118 = arith.constant 0 : i32
      %dma_start3A_1119 = tpu.memref_slice %arg6[%dma_start3A_1117, %dma_start3A_1118] : memref<800x64xf32, #tpu.memory_space<vmem>> -> memref<50x64xf32, #tpu.memory_space<vmem>>
      tpu.enqueue_dma source(%dma_start3A_1119 : memref<50x64xf32, #tpu.memory_space<vmem>>) target(%dma_start3A_1116 : memref<50x64xf32, #tpu.memory_space<hbm>>) target_semaphore(%arg10 : memref<!tpu.dma_semaphore, #tpu.memory_space<semaphore_mem>>)
      %mul3A_1120 = arith.constant 16 : i32
      %mul3A_1121 = arith.muli %add3A_1057, %mul3A_1120 : i32
      %add3A_1122 = arith.addi %mul3A_4, %mul3A_1121 : i32
      %add3A_1123 = arith.constant 3 : i32
      %add3A_1124 = arith.addi %add3A_1122, %add3A_1123 : i32
      %dma_start3A_1125 = arith.constant 150 : i32
      %dma_start3A_1126 = arith.constant 0 : i32
      %dma_start3A_1127 = tpu.memref_slice %arg6[%dma_start3A_1125, %dma_start3A_1126] : memref<800x64xf32, #tpu.memory_space<vmem>> -> memref<50x64xf32, #tpu.memory_space<vmem>>
      %dma_start3A_1128 = arith.constant 0 : i32
      %dma_start3A_1129 = arith.constant 0 : i32
      %dma_start3A_1130 = tpu.memref_slice %arg4[%add3A_1124, %dma_start3A_1128, %dma_start3A_1129] : memref<4096x56x128xf32, #tpu.memory_space<hbm>> -> memref<1x50x64xf32, #tpu.memory_space<hbm>>
      %dma_start3A_1131 = tpu.memref_squeeze %dma_start3A_1130 : memref<1x50x64xf32, #tpu.memory_space<hbm>> -> memref<50x64xf32, #tpu.memory_space<hbm>>
      %dma_start3A_1132 = arith.constant 0 : i32
      %dma_start3A_1133 = arith.constant 0 : i32
      %dma_start3A_1134 = tpu.memref_slice %arg4[%add3A_1124, %dma_start3A_1132, %dma_start3A_1133] : memref<4096x56x128xf32, #tpu.memory_space<hbm>> -> memref<1x50x64xf32, #tpu.memory_space<hbm>>
      %dma_start3A_1135 = tpu.memref_squeeze %dma_start3A_1134 : memref<1x50x64xf32, #tpu.memory_space<hbm>> -> memref<50x64xf32, #tpu.memory_space<hbm>>
      %dma_start3A_1136 = arith.constant 150 : i32
      %dma_start3A_1137 = arith.constant 0 : i32
      %dma_start3A_1138 = tpu.memref_slice %arg6[%dma_start3A_1136, %dma_start3A_1137] : memref<800x64xf32, #tpu.memory_space<vmem>> -> memref<50x64xf32, #tpu.memory_space<vmem>>
      tpu.enqueue_dma source(%dma_start3A_1138 : memref<50x64xf32, #tpu.memory_space<vmem>>) target(%dma_start3A_1135 : memref<50x64xf32, #tpu.memory_space<hbm>>) target_semaphore(%arg10 : memref<!tpu.dma_semaphore, #tpu.memory_space<semaphore_mem>>)
      %mul3A_1139 = arith.constant 16 : i32
      %mul3A_1140 = arith.muli %add3A_1057, %mul3A_1139 : i32
      %add3A_1141 = arith.addi %mul3A_4, %mul3A_1140 : i32
      %add3A_1142 = arith.constant 4 : i32
      %add3A_1143 = arith.addi %add3A_1141, %add3A_1142 : i32
      %dma_start3A_1144 = arith.constant 200 : i32
      %dma_start3A_1145 = arith.constant 0 : i32
      %dma_start3A_1146 = tpu.memref_slice %arg6[%dma_start3A_1144, %dma_start3A_1145] : memref<800x64xf32, #tpu.memory_space<vmem>> -> memref<50x64xf32, #tpu.memory_space<vmem>>
      %dma_start3A_1147 = arith.constant 0 : i32
      %dma_start3A_1148 = arith.constant 0 : i32
      %dma_start3A_1149 = tpu.memref_slice %arg4[%add3A_1143, %dma_start3A_1147, %dma_start3A_1148] : memref<4096x56x128xf32, #tpu.memory_space<hbm>> -> memref<1x50x64xf32, #tpu.memory_space<hbm>>
      %dma_start3A_1150 = tpu.memref_squeeze %dma_start3A_1149 : memref<1x50x64xf32, #tpu.memory_space<hbm>> -> memref<50x64xf32, #tpu.memory_space<hbm>>
      %dma_start3A_1151 = arith.constant 0 : i32
      %dma_start3A_1152 = arith.constant 0 : i32
      %dma_start3A_1153 = tpu.memref_slice %arg4[%add3A_1143, %dma_start3A_1151, %dma_start3A_1152] : memref<4096x56x128xf32, #tpu.memory_space<hbm>> -> memref<1x50x64xf32, #tpu.memory_space<hbm>>
      %dma_start3A_1154 = tpu.memref_squeeze %dma_start3A_1153 : memref<1x50x64xf32, #tpu.memory_space<hbm>> -> memref<50x64xf32, #tpu.memory_space<hbm>>
      %dma_start3A_1155 = arith.constant 200 : i32
      %dma_start3A_1156 = arith.constant 0 : i32
      %dma_start3A_1157 = tpu.memref_slice %arg6[%dma_start3A_1155, %dma_start3A_1156] : memref<800x64xf32, #tpu.memory_space<vmem>> -> memref<50x64xf32, #tpu.memory_space<vmem>>
      tpu.enqueue_dma source(%dma_start3A_1157 : memref<50x64xf32, #tpu.memory_space<vmem>>) target(%dma_start3A_1154 : memref<50x64xf32, #tpu.memory_space<hbm>>) target_semaphore(%arg10 : memref<!tpu.dma_semaphore, #tpu.memory_space<semaphore_mem>>)
      %mul3A_1158 = arith.constant 16 : i32
      %mul3A_1159 = arith.muli %add3A_1057, %mul3A_1158 : i32
      %add3A_1160 = arith.addi %mul3A_4, %mul3A_1159 : i32
      %add3A_1161 = arith.constant 5 : i32
      %add3A_1162 = arith.addi %add3A_1160, %add3A_1161 : i32
      %dma_start3A_1163 = arith.constant 250 : i32
      %dma_start3A_1164 = arith.constant 0 : i32
      %dma_start3A_1165 = tpu.memref_slice %arg6[%dma_start3A_1163, %dma_start3A_1164] : memref<800x64xf32, #tpu.memory_space<vmem>> -> memref<50x64xf32, #tpu.memory_space<vmem>>
      %dma_start3A_1166 = arith.constant 0 : i32
      %dma_start3A_1167 = arith.constant 0 : i32
      %dma_start3A_1168 = tpu.memref_slice %arg4[%add3A_1162, %dma_start3A_1166, %dma_start3A_1167] : memref<4096x56x128xf32, #tpu.memory_space<hbm>> -> memref<1x50x64xf32, #tpu.memory_space<hbm>>
      %dma_start3A_1169 = tpu.memref_squeeze %dma_start3A_1168 : memref<1x50x64xf32, #tpu.memory_space<hbm>> -> memref<50x64xf32, #tpu.memory_space<hbm>>
      %dma_start3A_1170 = arith.constant 0 : i32
      %dma_start3A_1171 = arith.constant 0 : i32
      %dma_start3A_1172 = tpu.memref_slice %arg4[%add3A_1162, %dma_start3A_1170, %dma_start3A_1171] : memref<4096x56x128xf32, #tpu.memory_space<hbm>> -> memref<1x50x64xf32, #tpu.memory_space<hbm>>
      %dma_start3A_1173 = tpu.memref_squeeze %dma_start3A_1172 : memref<1x50x64xf32, #tpu.memory_space<hbm>> -> memref<50x64xf32, #tpu.memory_space<hbm>>
      %dma_start3A_1174 = arith.constant 250 : i32
      %dma_start3A_1175 = arith.constant 0 : i32
      %dma_start3A_1176 = tpu.memref_slice %arg6[%dma_start3A_1174, %dma_start3A_1175] : memref<800x64xf32, #tpu.memory_space<vmem>> -> memref<50x64xf32, #tpu.memory_space<vmem>>
      tpu.enqueue_dma source(%dma_start3A_1176 : memref<50x64xf32, #tpu.memory_space<vmem>>) target(%dma_start3A_1173 : memref<50x64xf32, #tpu.memory_space<hbm>>) target_semaphore(%arg10 : memref<!tpu.dma_semaphore, #tpu.memory_space<semaphore_mem>>)
      %mul3A_1177 = arith.constant 16 : i32
      %mul3A_1178 = arith.muli %add3A_1057, %mul3A_1177 : i32
      %add3A_1179 = arith.addi %mul3A_4, %mul3A_1178 : i32
      %add3A_1180 = arith.constant 6 : i32
      %add3A_1181 = arith.addi %add3A_1179, %add3A_1180 : i32
      %dma_start3A_1182 = arith.constant 300 : i32
      %dma_start3A_1183 = arith.constant 0 : i32
      %dma_start3A_1184 = tpu.memref_slice %arg6[%dma_start3A_1182, %dma_start3A_1183] : memref<800x64xf32, #tpu.memory_space<vmem>> -> memref<50x64xf32, #tpu.memory_space<vmem>>
      %dma_start3A_1185 = arith.constant 0 : i32
      %dma_start3A_1186 = arith.constant 0 : i32
      %dma_start3A_1187 = tpu.memref_slice %arg4[%add3A_1181, %dma_start3A_1185, %dma_start3A_1186] : memref<4096x56x128xf32, #tpu.memory_space<hbm>> -> memref<1x50x64xf32, #tpu.memory_space<hbm>>
      %dma_start3A_1188 = tpu.memref_squeeze %dma_start3A_1187 : memref<1x50x64xf32, #tpu.memory_space<hbm>> -> memref<50x64xf32, #tpu.memory_space<hbm>>
      %dma_start3A_1189 = arith.constant 0 : i32
      %dma_start3A_1190 = arith.constant 0 : i32
      %dma_start3A_1191 = tpu.memref_slice %arg4[%add3A_1181, %dma_start3A_1189, %dma_start3A_1190] : memref<4096x56x128xf32, #tpu.memory_space<hbm>> -> memref<1x50x64xf32, #tpu.memory_space<hbm>>
      %dma_start3A_1192 = tpu.memref_squeeze %dma_start3A_1191 : memref<1x50x64xf32, #tpu.memory_space<hbm>> -> memref<50x64xf32, #tpu.memory_space<hbm>>
      %dma_start3A_1193 = arith.constant 300 : i32
      %dma_start3A_1194 = arith.constant 0 : i32
      %dma_start3A_1195 = tpu.memref_slice %arg6[%dma_start3A_1193, %dma_start3A_1194] : memref<800x64xf32, #tpu.memory_space<vmem>> -> memref<50x64xf32, #tpu.memory_space<vmem>>
      tpu.enqueue_dma source(%dma_start3A_1195 : memref<50x64xf32, #tpu.memory_space<vmem>>) target(%dma_start3A_1192 : memref<50x64xf32, #tpu.memory_space<hbm>>) target_semaphore(%arg10 : memref<!tpu.dma_semaphore, #tpu.memory_space<semaphore_mem>>)
      %mul3A_1196 = arith.constant 16 : i32
      %mul3A_1197 = arith.muli %add3A_1057, %mul3A_1196 : i32
      %add3A_1198 = arith.addi %mul3A_4, %mul3A_1197 : i32
      %add3A_1199 = arith.constant 7 : i32
      %add3A_1200 = arith.addi %add3A_1198, %add3A_1199 : i32
      %dma_start3A_1201 = arith.constant 350 : i32
      %dma_start3A_1202 = arith.constant 0 : i32
      %dma_start3A_1203 = tpu.memref_slice %arg6[%dma_start3A_1201, %dma_start3A_1202] : memref<800x64xf32, #tpu.memory_space<vmem>> -> memref<50x64xf32, #tpu.memory_space<vmem>>
      %dma_start3A_1204 = arith.constant 0 : i32
      %dma_start3A_1205 = arith.constant 0 : i32
      %dma_start3A_1206 = tpu.memref_slice %arg4[%add3A_1200, %dma_start3A_1204, %dma_start3A_1205] : memref<4096x56x128xf32, #tpu.memory_space<hbm>> -> memref<1x50x64xf32, #tpu.memory_space<hbm>>
      %dma_start3A_1207 = tpu.memref_squeeze %dma_start3A_1206 : memref<1x50x64xf32, #tpu.memory_space<hbm>> -> memref<50x64xf32, #tpu.memory_space<hbm>>
      %dma_start3A_1208 = arith.constant 0 : i32
      %dma_start3A_1209 = arith.constant 0 : i32
      %dma_start3A_1210 = tpu.memref_slice %arg4[%add3A_1200, %dma_start3A_1208, %dma_start3A_1209] : memref<4096x56x128xf32, #tpu.memory_space<hbm>> -> memref<1x50x64xf32, #tpu.memory_space<hbm>>
      %dma_start3A_1211 = tpu.memref_squeeze %dma_start3A_1210 : memref<1x50x64xf32, #tpu.memory_space<hbm>> -> memref<50x64xf32, #tpu.memory_space<hbm>>
      %dma_start3A_1212 = arith.constant 350 : i32
      %dma_start3A_1213 = arith.constant 0 : i32
      %dma_start3A_1214 = tpu.memref_slice %arg6[%dma_start3A_1212, %dma_start3A_1213] : memref<800x64xf32, #tpu.memory_space<vmem>> -> memref<50x64xf32, #tpu.memory_space<vmem>>
      tpu.enqueue_dma source(%dma_start3A_1214 : memref<50x64xf32, #tpu.memory_space<vmem>>) target(%dma_start3A_1211 : memref<50x64xf32, #tpu.memory_space<hbm>>) target_semaphore(%arg10 : memref<!tpu.dma_semaphore, #tpu.memory_space<semaphore_mem>>)
      %mul3A_1215 = arith.constant 16 : i32
      %mul3A_1216 = arith.muli %add3A_1057, %mul3A_1215 : i32
      %add3A_1217 = arith.addi %mul3A_4, %mul3A_1216 : i32
      %add3A_1218 = arith.constant 8 : i32
      %add3A_1219 = arith.addi %add3A_1217, %add3A_1218 : i32
      %dma_start3A_1220 = arith.constant 400 : i32
      %dma_start3A_1221 = arith.constant 0 : i32
      %dma_start3A_1222 = tpu.memref_slice %arg6[%dma_start3A_1220, %dma_start3A_1221] : memref<800x64xf32, #tpu.memory_space<vmem>> -> memref<50x64xf32, #tpu.memory_space<vmem>>
      %dma_start3A_1223 = arith.constant 0 : i32
      %dma_start3A_1224 = arith.constant 0 : i32
      %dma_start3A_1225 = tpu.memref_slice %arg4[%add3A_1219, %dma_start3A_1223, %dma_start3A_1224] : memref<4096x56x128xf32, #tpu.memory_space<hbm>> -> memref<1x50x64xf32, #tpu.memory_space<hbm>>
      %dma_start3A_1226 = tpu.memref_squeeze %dma_start3A_1225 : memref<1x50x64xf32, #tpu.memory_space<hbm>> -> memref<50x64xf32, #tpu.memory_space<hbm>>
      %dma_start3A_1227 = arith.constant 0 : i32
      %dma_start3A_1228 = arith.constant 0 : i32
      %dma_start3A_1229 = tpu.memref_slice %arg4[%add3A_1219, %dma_start3A_1227, %dma_start3A_1228] : memref<4096x56x128xf32, #tpu.memory_space<hbm>> -> memref<1x50x64xf32, #tpu.memory_space<hbm>>
      %dma_start3A_1230 = tpu.memref_squeeze %dma_start3A_1229 : memref<1x50x64xf32, #tpu.memory_space<hbm>> -> memref<50x64xf32, #tpu.memory_space<hbm>>
      %dma_start3A_1231 = arith.constant 400 : i32
      %dma_start3A_1232 = arith.constant 0 : i32
      %dma_start3A_1233 = tpu.memref_slice %arg6[%dma_start3A_1231, %dma_start3A_1232] : memref<800x64xf32, #tpu.memory_space<vmem>> -> memref<50x64xf32, #tpu.memory_space<vmem>>
      tpu.enqueue_dma source(%dma_start3A_1233 : memref<50x64xf32, #tpu.memory_space<vmem>>) target(%dma_start3A_1230 : memref<50x64xf32, #tpu.memory_space<hbm>>) target_semaphore(%arg10 : memref<!tpu.dma_semaphore, #tpu.memory_space<semaphore_mem>>)
      %mul3A_1234 = arith.constant 16 : i32
      %mul3A_1235 = arith.muli %add3A_1057, %mul3A_1234 : i32
      %add3A_1236 = arith.addi %mul3A_4, %mul3A_1235 : i32
      %add3A_1237 = arith.constant 9 : i32
      %add3A_1238 = arith.addi %add3A_1236, %add3A_1237 : i32
      %dma_start3A_1239 = arith.constant 450 : i32
      %dma_start3A_1240 = arith.constant 0 : i32
      %dma_start3A_1241 = tpu.memref_slice %arg6[%dma_start3A_1239, %dma_start3A_1240] : memref<800x64xf32, #tpu.memory_space<vmem>> -> memref<50x64xf32, #tpu.memory_space<vmem>>
      %dma_start3A_1242 = arith.constant 0 : i32
      %dma_start3A_1243 = arith.constant 0 : i32
      %dma_start3A_1244 = tpu.memref_slice %arg4[%add3A_1238, %dma_start3A_1242, %dma_start3A_1243] : memref<4096x56x128xf32, #tpu.memory_space<hbm>> -> memref<1x50x64xf32, #tpu.memory_space<hbm>>
      %dma_start3A_1245 = tpu.memref_squeeze %dma_start3A_1244 : memref<1x50x64xf32, #tpu.memory_space<hbm>> -> memref<50x64xf32, #tpu.memory_space<hbm>>
      %dma_start3A_1246 = arith.constant 0 : i32
      %dma_start3A_1247 = arith.constant 0 : i32
      %dma_start3A_1248 = tpu.memref_slice %arg4[%add3A_1238, %dma_start3A_1246, %dma_start3A_1247] : memref<4096x56x128xf32, #tpu.memory_space<hbm>> -> memref<1x50x64xf32, #tpu.memory_space<hbm>>
      %dma_start3A_1249 = tpu.memref_squeeze %dma_start3A_1248 : memref<1x50x64xf32, #tpu.memory_space<hbm>> -> memref<50x64xf32, #tpu.memory_space<hbm>>
      %dma_start3A_1250 = arith.constant 450 : i32
      %dma_start3A_1251 = arith.constant 0 : i32
      %dma_start3A_1252 = tpu.memref_slice %arg6[%dma_start3A_1250, %dma_start3A_1251] : memref<800x64xf32, #tpu.memory_space<vmem>> -> memref<50x64xf32, #tpu.memory_space<vmem>>
      tpu.enqueue_dma source(%dma_start3A_1252 : memref<50x64xf32, #tpu.memory_space<vmem>>) target(%dma_start3A_1249 : memref<50x64xf32, #tpu.memory_space<hbm>>) target_semaphore(%arg10 : memref<!tpu.dma_semaphore, #tpu.memory_space<semaphore_mem>>)
      %mul3A_1253 = arith.constant 16 : i32
      %mul3A_1254 = arith.muli %add3A_1057, %mul3A_1253 : i32
      %add3A_1255 = arith.addi %mul3A_4, %mul3A_1254 : i32
      %add3A_1256 = arith.constant 10 : i32
      %add3A_1257 = arith.addi %add3A_1255, %add3A_1256 : i32
      %dma_start3A_1258 = arith.constant 500 : i32
      %dma_start3A_1259 = arith.constant 0 : i32
      %dma_start3A_1260 = tpu.memref_slice %arg6[%dma_start3A_1258, %dma_start3A_1259] : memref<800x64xf32, #tpu.memory_space<vmem>> -> memref<50x64xf32, #tpu.memory_space<vmem>>
      %dma_start3A_1261 = arith.constant 0 : i32
      %dma_start3A_1262 = arith.constant 0 : i32
      %dma_start3A_1263 = tpu.memref_slice %arg4[%add3A_1257, %dma_start3A_1261, %dma_start3A_1262] : memref<4096x56x128xf32, #tpu.memory_space<hbm>> -> memref<1x50x64xf32, #tpu.memory_space<hbm>>
      %dma_start3A_1264 = tpu.memref_squeeze %dma_start3A_1263 : memref<1x50x64xf32, #tpu.memory_space<hbm>> -> memref<50x64xf32, #tpu.memory_space<hbm>>
      %dma_start3A_1265 = arith.constant 0 : i32
      %dma_start3A_1266 = arith.constant 0 : i32
      %dma_start3A_1267 = tpu.memref_slice %arg4[%add3A_1257, %dma_start3A_1265, %dma_start3A_1266] : memref<4096x56x128xf32, #tpu.memory_space<hbm>> -> memref<1x50x64xf32, #tpu.memory_space<hbm>>
      %dma_start3A_1268 = tpu.memref_squeeze %dma_start3A_1267 : memref<1x50x64xf32, #tpu.memory_space<hbm>> -> memref<50x64xf32, #tpu.memory_space<hbm>>
      %dma_start3A_1269 = arith.constant 500 : i32
      %dma_start3A_1270 = arith.constant 0 : i32
      %dma_start3A_1271 = tpu.memref_slice %arg6[%dma_start3A_1269, %dma_start3A_1270] : memref<800x64xf32, #tpu.memory_space<vmem>> -> memref<50x64xf32, #tpu.memory_space<vmem>>
      tpu.enqueue_dma source(%dma_start3A_1271 : memref<50x64xf32, #tpu.memory_space<vmem>>) target(%dma_start3A_1268 : memref<50x64xf32, #tpu.memory_space<hbm>>) target_semaphore(%arg10 : memref<!tpu.dma_semaphore, #tpu.memory_space<semaphore_mem>>)
      %mul3A_1272 = arith.constant 16 : i32
      %mul3A_1273 = arith.muli %add3A_1057, %mul3A_1272 : i32
      %add3A_1274 = arith.addi %mul3A_4, %mul3A_1273 : i32
      %add3A_1275 = arith.constant 11 : i32
      %add3A_1276 = arith.addi %add3A_1274, %add3A_1275 : i32
      %dma_start3A_1277 = arith.constant 550 : i32
      %dma_start3A_1278 = arith.constant 0 : i32
      %dma_start3A_1279 = tpu.memref_slice %arg6[%dma_start3A_1277, %dma_start3A_1278] : memref<800x64xf32, #tpu.memory_space<vmem>> -> memref<50x64xf32, #tpu.memory_space<vmem>>
      %dma_start3A_1280 = arith.constant 0 : i32
      %dma_start3A_1281 = arith.constant 0 : i32
      %dma_start3A_1282 = tpu.memref_slice %arg4[%add3A_1276, %dma_start3A_1280, %dma_start3A_1281] : memref<4096x56x128xf32, #tpu.memory_space<hbm>> -> memref<1x50x64xf32, #tpu.memory_space<hbm>>
      %dma_start3A_1283 = tpu.memref_squeeze %dma_start3A_1282 : memref<1x50x64xf32, #tpu.memory_space<hbm>> -> memref<50x64xf32, #tpu.memory_space<hbm>>
      %dma_start3A_1284 = arith.constant 0 : i32
      %dma_start3A_1285 = arith.constant 0 : i32
      %dma_start3A_1286 = tpu.memref_slice %arg4[%add3A_1276, %dma_start3A_1284, %dma_start3A_1285] : memref<4096x56x128xf32, #tpu.memory_space<hbm>> -> memref<1x50x64xf32, #tpu.memory_space<hbm>>
      %dma_start3A_1287 = tpu.memref_squeeze %dma_start3A_1286 : memref<1x50x64xf32, #tpu.memory_space<hbm>> -> memref<50x64xf32, #tpu.memory_space<hbm>>
      %dma_start3A_1288 = arith.constant 550 : i32
      %dma_start3A_1289 = arith.constant 0 : i32
      %dma_start3A_1290 = tpu.memref_slice %arg6[%dma_start3A_1288, %dma_start3A_1289] : memref<800x64xf32, #tpu.memory_space<vmem>> -> memref<50x64xf32, #tpu.memory_space<vmem>>
      tpu.enqueue_dma source(%dma_start3A_1290 : memref<50x64xf32, #tpu.memory_space<vmem>>) target(%dma_start3A_1287 : memref<50x64xf32, #tpu.memory_space<hbm>>) target_semaphore(%arg10 : memref<!tpu.dma_semaphore, #tpu.memory_space<semaphore_mem>>)
      %mul3A_1291 = arith.constant 16 : i32
      %mul3A_1292 = arith.muli %add3A_1057, %mul3A_1291 : i32
      %add3A_1293 = arith.addi %mul3A_4, %mul3A_1292 : i32
      %add3A_1294 = arith.constant 12 : i32
      %add3A_1295 = arith.addi %add3A_1293, %add3A_1294 : i32
      %dma_start3A_1296 = arith.constant 600 : i32
      %dma_start3A_1297 = arith.constant 0 : i32
      %dma_start3A_1298 = tpu.memref_slice %arg6[%dma_start3A_1296, %dma_start3A_1297] : memref<800x64xf32, #tpu.memory_space<vmem>> -> memref<50x64xf32, #tpu.memory_space<vmem>>
      %dma_start3A_1299 = arith.constant 0 : i32
      %dma_start3A_1300 = arith.constant 0 : i32
      %dma_start3A_1301 = tpu.memref_slice %arg4[%add3A_1295, %dma_start3A_1299, %dma_start3A_1300] : memref<4096x56x128xf32, #tpu.memory_space<hbm>> -> memref<1x50x64xf32, #tpu.memory_space<hbm>>
      %dma_start3A_1302 = tpu.memref_squeeze %dma_start3A_1301 : memref<1x50x64xf32, #tpu.memory_space<hbm>> -> memref<50x64xf32, #tpu.memory_space<hbm>>
      %dma_start3A_1303 = arith.constant 0 : i32
      %dma_start3A_1304 = arith.constant 0 : i32
      %dma_start3A_1305 = tpu.memref_slice %arg4[%add3A_1295, %dma_start3A_1303, %dma_start3A_1304] : memref<4096x56x128xf32, #tpu.memory_space<hbm>> -> memref<1x50x64xf32, #tpu.memory_space<hbm>>
      %dma_start3A_1306 = tpu.memref_squeeze %dma_start3A_1305 : memref<1x50x64xf32, #tpu.memory_space<hbm>> -> memref<50x64xf32, #tpu.memory_space<hbm>>
      %dma_start3A_1307 = arith.constant 600 : i32
      %dma_start3A_1308 = arith.constant 0 : i32
      %dma_start3A_1309 = tpu.memref_slice %arg6[%dma_start3A_1307, %dma_start3A_1308] : memref<800x64xf32, #tpu.memory_space<vmem>> -> memref<50x64xf32, #tpu.memory_space<vmem>>
      tpu.enqueue_dma source(%dma_start3A_1309 : memref<50x64xf32, #tpu.memory_space<vmem>>) target(%dma_start3A_1306 : memref<50x64xf32, #tpu.memory_space<hbm>>) target_semaphore(%arg10 : memref<!tpu.dma_semaphore, #tpu.memory_space<semaphore_mem>>)
      %mul3A_1310 = arith.constant 16 : i32
      %mul3A_1311 = arith.muli %add3A_1057, %mul3A_1310 : i32
      %add3A_1312 = arith.addi %mul3A_4, %mul3A_1311 : i32
      %add3A_1313 = arith.constant 13 : i32
      %add3A_1314 = arith.addi %add3A_1312, %add3A_1313 : i32
      %dma_start3A_1315 = arith.constant 650 : i32
      %dma_start3A_1316 = arith.constant 0 : i32
      %dma_start3A_1317 = tpu.memref_slice %arg6[%dma_start3A_1315, %dma_start3A_1316] : memref<800x64xf32, #tpu.memory_space<vmem>> -> memref<50x64xf32, #tpu.memory_space<vmem>>
      %dma_start3A_1318 = arith.constant 0 : i32
      %dma_start3A_1319 = arith.constant 0 : i32
      %dma_start3A_1320 = tpu.memref_slice %arg4[%add3A_1314, %dma_start3A_1318, %dma_start3A_1319] : memref<4096x56x128xf32, #tpu.memory_space<hbm>> -> memref<1x50x64xf32, #tpu.memory_space<hbm>>
      %dma_start3A_1321 = tpu.memref_squeeze %dma_start3A_1320 : memref<1x50x64xf32, #tpu.memory_space<hbm>> -> memref<50x64xf32, #tpu.memory_space<hbm>>
      %dma_start3A_1322 = arith.constant 0 : i32
      %dma_start3A_1323 = arith.constant 0 : i32
      %dma_start3A_1324 = tpu.memref_slice %arg4[%add3A_1314, %dma_start3A_1322, %dma_start3A_1323] : memref<4096x56x128xf32, #tpu.memory_space<hbm>> -> memref<1x50x64xf32, #tpu.memory_space<hbm>>
      %dma_start3A_1325 = tpu.memref_squeeze %dma_start3A_1324 : memref<1x50x64xf32, #tpu.memory_space<hbm>> -> memref<50x64xf32, #tpu.memory_space<hbm>>
      %dma_start3A_1326 = arith.constant 650 : i32
      %dma_start3A_1327 = arith.constant 0 : i32
      %dma_start3A_1328 = tpu.memref_slice %arg6[%dma_start3A_1326, %dma_start3A_1327] : memref<800x64xf32, #tpu.memory_space<vmem>> -> memref<50x64xf32, #tpu.memory_space<vmem>>
      tpu.enqueue_dma source(%dma_start3A_1328 : memref<50x64xf32, #tpu.memory_space<vmem>>) target(%dma_start3A_1325 : memref<50x64xf32, #tpu.memory_space<hbm>>) target_semaphore(%arg10 : memref<!tpu.dma_semaphore, #tpu.memory_space<semaphore_mem>>)
      %mul3A_1329 = arith.constant 16 : i32
      %mul3A_1330 = arith.muli %add3A_1057, %mul3A_1329 : i32
      %add3A_1331 = arith.addi %mul3A_4, %mul3A_1330 : i32
      %add3A_1332 = arith.constant 14 : i32
      %add3A_1333 = arith.addi %add3A_1331, %add3A_1332 : i32
      %dma_start3A_1334 = arith.constant 700 : i32
      %dma_start3A_1335 = arith.constant 0 : i32
      %dma_start3A_1336 = tpu.memref_slice %arg6[%dma_start3A_1334, %dma_start3A_1335] : memref<800x64xf32, #tpu.memory_space<vmem>> -> memref<50x64xf32, #tpu.memory_space<vmem>>
      %dma_start3A_1337 = arith.constant 0 : i32
      %dma_start3A_1338 = arith.constant 0 : i32
      %dma_start3A_1339 = tpu.memref_slice %arg4[%add3A_1333, %dma_start3A_1337, %dma_start3A_1338] : memref<4096x56x128xf32, #tpu.memory_space<hbm>> -> memref<1x50x64xf32, #tpu.memory_space<hbm>>
      %dma_start3A_1340 = tpu.memref_squeeze %dma_start3A_1339 : memref<1x50x64xf32, #tpu.memory_space<hbm>> -> memref<50x64xf32, #tpu.memory_space<hbm>>
      %dma_start3A_1341 = arith.constant 0 : i32
      %dma_start3A_1342 = arith.constant 0 : i32
      %dma_start3A_1343 = tpu.memref_slice %arg4[%add3A_1333, %dma_start3A_1341, %dma_start3A_1342] : memref<4096x56x128xf32, #tpu.memory_space<hbm>> -> memref<1x50x64xf32, #tpu.memory_space<hbm>>
      %dma_start3A_1344 = tpu.memref_squeeze %dma_start3A_1343 : memref<1x50x64xf32, #tpu.memory_space<hbm>> -> memref<50x64xf32, #tpu.memory_space<hbm>>
      %dma_start3A_1345 = arith.constant 700 : i32
      %dma_start3A_1346 = arith.constant 0 : i32
      %dma_start3A_1347 = tpu.memref_slice %arg6[%dma_start3A_1345, %dma_start3A_1346] : memref<800x64xf32, #tpu.memory_space<vmem>> -> memref<50x64xf32, #tpu.memory_space<vmem>>
      tpu.enqueue_dma source(%dma_start3A_1347 : memref<50x64xf32, #tpu.memory_space<vmem>>) target(%dma_start3A_1344 : memref<50x64xf32, #tpu.memory_space<hbm>>) target_semaphore(%arg10 : memref<!tpu.dma_semaphore, #tpu.memory_space<semaphore_mem>>)
      %mul3A_1348 = arith.constant 16 : i32
      %mul3A_1349 = arith.muli %add3A_1057, %mul3A_1348 : i32
      %add3A_1350 = arith.addi %mul3A_4, %mul3A_1349 : i32
      %add3A_1351 = arith.constant 15 : i32
      %add3A_1352 = arith.addi %add3A_1350, %add3A_1351 : i32
      %dma_start3A_1353 = arith.constant 750 : i32
      %dma_start3A_1354 = arith.constant 0 : i32
      %dma_start3A_1355 = tpu.memref_slice %arg6[%dma_start3A_1353, %dma_start3A_1354] : memref<800x64xf32, #tpu.memory_space<vmem>> -> memref<50x64xf32, #tpu.memory_space<vmem>>
      %dma_start3A_1356 = arith.constant 0 : i32
      %dma_start3A_1357 = arith.constant 0 : i32
      %dma_start3A_1358 = tpu.memref_slice %arg4[%add3A_1352, %dma_start3A_1356, %dma_start3A_1357] : memref<4096x56x128xf32, #tpu.memory_space<hbm>> -> memref<1x50x64xf32, #tpu.memory_space<hbm>>
      %dma_start3A_1359 = tpu.memref_squeeze %dma_start3A_1358 : memref<1x50x64xf32, #tpu.memory_space<hbm>> -> memref<50x64xf32, #tpu.memory_space<hbm>>
      %dma_start3A_1360 = arith.constant 0 : i32
      %dma_start3A_1361 = arith.constant 0 : i32
      %dma_start3A_1362 = tpu.memref_slice %arg4[%add3A_1352, %dma_start3A_1360, %dma_start3A_1361] : memref<4096x56x128xf32, #tpu.memory_space<hbm>> -> memref<1x50x64xf32, #tpu.memory_space<hbm>>
      %dma_start3A_1363 = tpu.memref_squeeze %dma_start3A_1362 : memref<1x50x64xf32, #tpu.memory_space<hbm>> -> memref<50x64xf32, #tpu.memory_space<hbm>>
      %dma_start3A_1364 = arith.constant 750 : i32
      %dma_start3A_1365 = arith.constant 0 : i32
      %dma_start3A_1366 = tpu.memref_slice %arg6[%dma_start3A_1364, %dma_start3A_1365] : memref<800x64xf32, #tpu.memory_space<vmem>> -> memref<50x64xf32, #tpu.memory_space<vmem>>
      tpu.enqueue_dma source(%dma_start3A_1366 : memref<50x64xf32, #tpu.memory_space<vmem>>) target(%dma_start3A_1363 : memref<50x64xf32, #tpu.memory_space<hbm>>) target_semaphore(%arg10 : memref<!tpu.dma_semaphore, #tpu.memory_space<semaphore_mem>>)
      %dma_wait3A_1367 = arith.constant 0 : i32
      %dma_wait3A_1368 = arith.constant 0 : i32
      %dma_wait3A_1369 = tpu.memref_slice %arg6[%dma_wait3A_1367, %dma_wait3A_1368] : memref<800x64xf32, #tpu.memory_space<vmem>> -> memref<50x64xf32, #tpu.memory_space<vmem>>
      %dma_wait3A_1370 = arith.constant 0 : i32
      %dma_wait3A_1371 = arith.constant 0 : i32
      %dma_wait3A_1372 = tpu.memref_slice %arg4[%mul3A_4, %dma_wait3A_1370, %dma_wait3A_1371] : memref<4096x56x128xf32, #tpu.memory_space<hbm>> -> memref<1x50x64xf32, #tpu.memory_space<hbm>>
      %dma_wait3A_1373 = tpu.memref_squeeze %dma_wait3A_1372 : memref<1x50x64xf32, #tpu.memory_space<hbm>> -> memref<50x64xf32, #tpu.memory_space<hbm>>
      %dma_wait3A_1374 = arith.constant 0 : i32
      %dma_wait3A_1375 = arith.constant 0 : i32
      %dma_wait3A_1376 = tpu.memref_slice %arg4[%mul3A_4, %dma_wait3A_1374, %dma_wait3A_1375] : memref<4096x56x128xf32, #tpu.memory_space<hbm>> -> memref<1x50x64xf32, #tpu.memory_space<hbm>>
      %dma_wait3A_1377 = tpu.memref_squeeze %dma_wait3A_1376 : memref<1x50x64xf32, #tpu.memory_space<hbm>> -> memref<50x64xf32, #tpu.memory_space<hbm>>
      %dma_wait3A_1378 = arith.constant 0 : i32
      %dma_wait3A_1379 = arith.constant 0 : i32
      %dma_wait3A_1380 = tpu.memref_slice %arg6[%dma_wait3A_1378, %dma_wait3A_1379] : memref<800x64xf32, #tpu.memory_space<vmem>> -> memref<50x64xf32, #tpu.memory_space<vmem>>
      tpu.wait_dma2 semaphore(%arg10 : memref<!tpu.dma_semaphore, #tpu.memory_space<semaphore_mem>>) src(%dma_wait3A_1380 : memref<50x64xf32, #tpu.memory_space<vmem>>) dst(%dma_wait3A_1377 : memref<50x64xf32, #tpu.memory_space<hbm>>)
      %dma_wait3A_1381 = arith.constant 50 : i32
      %dma_wait3A_1382 = arith.constant 0 : i32
      %dma_wait3A_1383 = tpu.memref_slice %arg6[%dma_wait3A_1381, %dma_wait3A_1382] : memref<800x64xf32, #tpu.memory_space<vmem>> -> memref<50x64xf32, #tpu.memory_space<vmem>>
      %dma_wait3A_1384 = arith.constant 0 : i32
      %dma_wait3A_1385 = arith.constant 0 : i32
      %dma_wait3A_1386 = tpu.memref_slice %arg4[%mul3A_4, %dma_wait3A_1384, %dma_wait3A_1385] : memref<4096x56x128xf32, #tpu.memory_space<hbm>> -> memref<1x50x64xf32, #tpu.memory_space<hbm>>
      %dma_wait3A_1387 = tpu.memref_squeeze %dma_wait3A_1386 : memref<1x50x64xf32, #tpu.memory_space<hbm>> -> memref<50x64xf32, #tpu.memory_space<hbm>>
      %dma_wait3A_1388 = arith.constant 0 : i32
      %dma_wait3A_1389 = arith.constant 0 : i32
      %dma_wait3A_1390 = tpu.memref_slice %arg4[%mul3A_4, %dma_wait3A_1388, %dma_wait3A_1389] : memref<4096x56x128xf32, #tpu.memory_space<hbm>> -> memref<1x50x64xf32, #tpu.memory_space<hbm>>
      %dma_wait3A_1391 = tpu.memref_squeeze %dma_wait3A_1390 : memref<1x50x64xf32, #tpu.memory_space<hbm>> -> memref<50x64xf32, #tpu.memory_space<hbm>>
      %dma_wait3A_1392 = arith.constant 50 : i32
      %dma_wait3A_1393 = arith.constant 0 : i32
      %dma_wait3A_1394 = tpu.memref_slice %arg6[%dma_wait3A_1392, %dma_wait3A_1393] : memref<800x64xf32, #tpu.memory_space<vmem>> -> memref<50x64xf32, #tpu.memory_space<vmem>>
      tpu.wait_dma2 semaphore(%arg10 : memref<!tpu.dma_semaphore, #tpu.memory_space<semaphore_mem>>) src(%dma_wait3A_1394 : memref<50x64xf32, #tpu.memory_space<vmem>>) dst(%dma_wait3A_1391 : memref<50x64xf32, #tpu.memory_space<hbm>>)
      %dma_wait3A_1395 = arith.constant 100 : i32
      %dma_wait3A_1396 = arith.constant 0 : i32
      %dma_wait3A_1397 = tpu.memref_slice %arg6[%dma_wait3A_1395, %dma_wait3A_1396] : memref<800x64xf32, #tpu.memory_space<vmem>> -> memref<50x64xf32, #tpu.memory_space<vmem>>
      %dma_wait3A_1398 = arith.constant 0 : i32
      %dma_wait3A_1399 = arith.constant 0 : i32
      %dma_wait3A_1400 = tpu.memref_slice %arg4[%mul3A_4, %dma_wait3A_1398, %dma_wait3A_1399] : memref<4096x56x128xf32, #tpu.memory_space<hbm>> -> memref<1x50x64xf32, #tpu.memory_space<hbm>>
      %dma_wait3A_1401 = tpu.memref_squeeze %dma_wait3A_1400 : memref<1x50x64xf32, #tpu.memory_space<hbm>> -> memref<50x64xf32, #tpu.memory_space<hbm>>
      %dma_wait3A_1402 = arith.constant 0 : i32
      %dma_wait3A_1403 = arith.constant 0 : i32
      %dma_wait3A_1404 = tpu.memref_slice %arg4[%mul3A_4, %dma_wait3A_1402, %dma_wait3A_1403] : memref<4096x56x128xf32, #tpu.memory_space<hbm>> -> memref<1x50x64xf32, #tpu.memory_space<hbm>>
      %dma_wait3A_1405 = tpu.memref_squeeze %dma_wait3A_1404 : memref<1x50x64xf32, #tpu.memory_space<hbm>> -> memref<50x64xf32, #tpu.memory_space<hbm>>
      %dma_wait3A_1406 = arith.constant 100 : i32
      %dma_wait3A_1407 = arith.constant 0 : i32
      %dma_wait3A_1408 = tpu.memref_slice %arg6[%dma_wait3A_1406, %dma_wait3A_1407] : memref<800x64xf32, #tpu.memory_space<vmem>> -> memref<50x64xf32, #tpu.memory_space<vmem>>
      tpu.wait_dma2 semaphore(%arg10 : memref<!tpu.dma_semaphore, #tpu.memory_space<semaphore_mem>>) src(%dma_wait3A_1408 : memref<50x64xf32, #tpu.memory_space<vmem>>) dst(%dma_wait3A_1405 : memref<50x64xf32, #tpu.memory_space<hbm>>)
      %dma_wait3A_1409 = arith.constant 150 : i32
      %dma_wait3A_1410 = arith.constant 0 : i32
      %dma_wait3A_1411 = tpu.memref_slice %arg6[%dma_wait3A_1409, %dma_wait3A_1410] : memref<800x64xf32, #tpu.memory_space<vmem>> -> memref<50x64xf32, #tpu.memory_space<vmem>>
      %dma_wait3A_1412 = arith.constant 0 : i32
      %dma_wait3A_1413 = arith.constant 0 : i32
      %dma_wait3A_1414 = tpu.memref_slice %arg4[%mul3A_4, %dma_wait3A_1412, %dma_wait3A_1413] : memref<4096x56x128xf32, #tpu.memory_space<hbm>> -> memref<1x50x64xf32, #tpu.memory_space<hbm>>
      %dma_wait3A_1415 = tpu.memref_squeeze %dma_wait3A_1414 : memref<1x50x64xf32, #tpu.memory_space<hbm>> -> memref<50x64xf32, #tpu.memory_space<hbm>>
      %dma_wait3A_1416 = arith.constant 0 : i32
      %dma_wait3A_1417 = arith.constant 0 : i32
      %dma_wait3A_1418 = tpu.memref_slice %arg4[%mul3A_4, %dma_wait3A_1416, %dma_wait3A_1417] : memref<4096x56x128xf32, #tpu.memory_space<hbm>> -> memref<1x50x64xf32, #tpu.memory_space<hbm>>
      %dma_wait3A_1419 = tpu.memref_squeeze %dma_wait3A_1418 : memref<1x50x64xf32, #tpu.memory_space<hbm>> -> memref<50x64xf32, #tpu.memory_space<hbm>>
      %dma_wait3A_1420 = arith.constant 150 : i32
      %dma_wait3A_1421 = arith.constant 0 : i32
      %dma_wait3A_1422 = tpu.memref_slice %arg6[%dma_wait3A_1420, %dma_wait3A_1421] : memref<800x64xf32, #tpu.memory_space<vmem>> -> memref<50x64xf32, #tpu.memory_space<vmem>>
      tpu.wait_dma2 semaphore(%arg10 : memref<!tpu.dma_semaphore, #tpu.memory_space<semaphore_mem>>) src(%dma_wait3A_1422 : memref<50x64xf32, #tpu.memory_space<vmem>>) dst(%dma_wait3A_1419 : memref<50x64xf32, #tpu.memory_space<hbm>>)
      %dma_wait3A_1423 = arith.constant 200 : i32
      %dma_wait3A_1424 = arith.constant 0 : i32
      %dma_wait3A_1425 = tpu.memref_slice %arg6[%dma_wait3A_1423, %dma_wait3A_1424] : memref<800x64xf32, #tpu.memory_space<vmem>> -> memref<50x64xf32, #tpu.memory_space<vmem>>
      %dma_wait3A_1426 = arith.constant 0 : i32
      %dma_wait3A_1427 = arith.constant 0 : i32
      %dma_wait3A_1428 = tpu.memref_slice %arg4[%mul3A_4, %dma_wait3A_1426, %dma_wait3A_1427] : memref<4096x56x128xf32, #tpu.memory_space<hbm>> -> memref<1x50x64xf32, #tpu.memory_space<hbm>>
      %dma_wait3A_1429 = tpu.memref_squeeze %dma_wait3A_1428 : memref<1x50x64xf32, #tpu.memory_space<hbm>> -> memref<50x64xf32, #tpu.memory_space<hbm>>
      %dma_wait3A_1430 = arith.constant 0 : i32
      %dma_wait3A_1431 = arith.constant 0 : i32
      %dma_wait3A_1432 = tpu.memref_slice %arg4[%mul3A_4, %dma_wait3A_1430, %dma_wait3A_1431] : memref<4096x56x128xf32, #tpu.memory_space<hbm>> -> memref<1x50x64xf32, #tpu.memory_space<hbm>>
      %dma_wait3A_1433 = tpu.memref_squeeze %dma_wait3A_1432 : memref<1x50x64xf32, #tpu.memory_space<hbm>> -> memref<50x64xf32, #tpu.memory_space<hbm>>
      %dma_wait3A_1434 = arith.constant 200 : i32
      %dma_wait3A_1435 = arith.constant 0 : i32
      %dma_wait3A_1436 = tpu.memref_slice %arg6[%dma_wait3A_1434, %dma_wait3A_1435] : memref<800x64xf32, #tpu.memory_space<vmem>> -> memref<50x64xf32, #tpu.memory_space<vmem>>
      tpu.wait_dma2 semaphore(%arg10 : memref<!tpu.dma_semaphore, #tpu.memory_space<semaphore_mem>>) src(%dma_wait3A_1436 : memref<50x64xf32, #tpu.memory_space<vmem>>) dst(%dma_wait3A_1433 : memref<50x64xf32, #tpu.memory_space<hbm>>)
      %dma_wait3A_1437 = arith.constant 250 : i32
      %dma_wait3A_1438 = arith.constant 0 : i32
      %dma_wait3A_1439 = tpu.memref_slice %arg6[%dma_wait3A_1437, %dma_wait3A_1438] : memref<800x64xf32, #tpu.memory_space<vmem>> -> memref<50x64xf32, #tpu.memory_space<vmem>>
      %dma_wait3A_1440 = arith.constant 0 : i32
      %dma_wait3A_1441 = arith.constant 0 : i32
      %dma_wait3A_1442 = tpu.memref_slice %arg4[%mul3A_4, %dma_wait3A_1440, %dma_wait3A_1441] : memref<4096x56x128xf32, #tpu.memory_space<hbm>> -> memref<1x50x64xf32, #tpu.memory_space<hbm>>
      %dma_wait3A_1443 = tpu.memref_squeeze %dma_wait3A_1442 : memref<1x50x64xf32, #tpu.memory_space<hbm>> -> memref<50x64xf32, #tpu.memory_space<hbm>>
      %dma_wait3A_1444 = arith.constant 0 : i32
      %dma_wait3A_1445 = arith.constant 0 : i32
      %dma_wait3A_1446 = tpu.memref_slice %arg4[%mul3A_4, %dma_wait3A_1444, %dma_wait3A_1445] : memref<4096x56x128xf32, #tpu.memory_space<hbm>> -> memref<1x50x64xf32, #tpu.memory_space<hbm>>
      %dma_wait3A_1447 = tpu.memref_squeeze %dma_wait3A_1446 : memref<1x50x64xf32, #tpu.memory_space<hbm>> -> memref<50x64xf32, #tpu.memory_space<hbm>>
      %dma_wait3A_1448 = arith.constant 250 : i32
      %dma_wait3A_1449 = arith.constant 0 : i32
      %dma_wait3A_1450 = tpu.memref_slice %arg6[%dma_wait3A_1448, %dma_wait3A_1449] : memref<800x64xf32, #tpu.memory_space<vmem>> -> memref<50x64xf32, #tpu.memory_space<vmem>>
      tpu.wait_dma2 semaphore(%arg10 : memref<!tpu.dma_semaphore, #tpu.memory_space<semaphore_mem>>) src(%dma_wait3A_1450 : memref<50x64xf32, #tpu.memory_space<vmem>>) dst(%dma_wait3A_1447 : memref<50x64xf32, #tpu.memory_space<hbm>>)
      %dma_wait3A_1451 = arith.constant 300 : i32
      %dma_wait3A_1452 = arith.constant 0 : i32
      %dma_wait3A_1453 = tpu.memref_slice %arg6[%dma_wait3A_1451, %dma_wait3A_1452] : memref<800x64xf32, #tpu.memory_space<vmem>> -> memref<50x64xf32, #tpu.memory_space<vmem>>
      %dma_wait3A_1454 = arith.constant 0 : i32
      %dma_wait3A_1455 = arith.constant 0 : i32
      %dma_wait3A_1456 = tpu.memref_slice %arg4[%mul3A_4, %dma_wait3A_1454, %dma_wait3A_1455] : memref<4096x56x128xf32, #tpu.memory_space<hbm>> -> memref<1x50x64xf32, #tpu.memory_space<hbm>>
      %dma_wait3A_1457 = tpu.memref_squeeze %dma_wait3A_1456 : memref<1x50x64xf32, #tpu.memory_space<hbm>> -> memref<50x64xf32, #tpu.memory_space<hbm>>
      %dma_wait3A_1458 = arith.constant 0 : i32
      %dma_wait3A_1459 = arith.constant 0 : i32
      %dma_wait3A_1460 = tpu.memref_slice %arg4[%mul3A_4, %dma_wait3A_1458, %dma_wait3A_1459] : memref<4096x56x128xf32, #tpu.memory_space<hbm>> -> memref<1x50x64xf32, #tpu.memory_space<hbm>>
      %dma_wait3A_1461 = tpu.memref_squeeze %dma_wait3A_1460 : memref<1x50x64xf32, #tpu.memory_space<hbm>> -> memref<50x64xf32, #tpu.memory_space<hbm>>
      %dma_wait3A_1462 = arith.constant 300 : i32
      %dma_wait3A_1463 = arith.constant 0 : i32
      %dma_wait3A_1464 = tpu.memref_slice %arg6[%dma_wait3A_1462, %dma_wait3A_1463] : memref<800x64xf32, #tpu.memory_space<vmem>> -> memref<50x64xf32, #tpu.memory_space<vmem>>
      tpu.wait_dma2 semaphore(%arg10 : memref<!tpu.dma_semaphore, #tpu.memory_space<semaphore_mem>>) src(%dma_wait3A_1464 : memref<50x64xf32, #tpu.memory_space<vmem>>) dst(%dma_wait3A_1461 : memref<50x64xf32, #tpu.memory_space<hbm>>)
      %dma_wait3A_1465 = arith.constant 350 : i32
      %dma_wait3A_1466 = arith.constant 0 : i32
      %dma_wait3A_1467 = tpu.memref_slice %arg6[%dma_wait3A_1465, %dma_wait3A_1466] : memref<800x64xf32, #tpu.memory_space<vmem>> -> memref<50x64xf32, #tpu.memory_space<vmem>>
      %dma_wait3A_1468 = arith.constant 0 : i32
      %dma_wait3A_1469 = arith.constant 0 : i32
      %dma_wait3A_1470 = tpu.memref_slice %arg4[%mul3A_4, %dma_wait3A_1468, %dma_wait3A_1469] : memref<4096x56x128xf32, #tpu.memory_space<hbm>> -> memref<1x50x64xf32, #tpu.memory_space<hbm>>
      %dma_wait3A_1471 = tpu.memref_squeeze %dma_wait3A_1470 : memref<1x50x64xf32, #tpu.memory_space<hbm>> -> memref<50x64xf32, #tpu.memory_space<hbm>>
      %dma_wait3A_1472 = arith.constant 0 : i32
      %dma_wait3A_1473 = arith.constant 0 : i32
      %dma_wait3A_1474 = tpu.memref_slice %arg4[%mul3A_4, %dma_wait3A_1472, %dma_wait3A_1473] : memref<4096x56x128xf32, #tpu.memory_space<hbm>> -> memref<1x50x64xf32, #tpu.memory_space<hbm>>
      %dma_wait3A_1475 = tpu.memref_squeeze %dma_wait3A_1474 : memref<1x50x64xf32, #tpu.memory_space<hbm>> -> memref<50x64xf32, #tpu.memory_space<hbm>>
      %dma_wait3A_1476 = arith.constant 350 : i32
      %dma_wait3A_1477 = arith.constant 0 : i32
      %dma_wait3A_1478 = tpu.memref_slice %arg6[%dma_wait3A_1476, %dma_wait3A_1477] : memref<800x64xf32, #tpu.memory_space<vmem>> -> memref<50x64xf32, #tpu.memory_space<vmem>>
      tpu.wait_dma2 semaphore(%arg10 : memref<!tpu.dma_semaphore, #tpu.memory_space<semaphore_mem>>) src(%dma_wait3A_1478 : memref<50x64xf32, #tpu.memory_space<vmem>>) dst(%dma_wait3A_1475 : memref<50x64xf32, #tpu.memory_space<hbm>>)
      %dma_wait3A_1479 = arith.constant 400 : i32
      %dma_wait3A_1480 = arith.constant 0 : i32
      %dma_wait3A_1481 = tpu.memref_slice %arg6[%dma_wait3A_1479, %dma_wait3A_1480] : memref<800x64xf32, #tpu.memory_space<vmem>> -> memref<50x64xf32, #tpu.memory_space<vmem>>
      %dma_wait3A_1482 = arith.constant 0 : i32
      %dma_wait3A_1483 = arith.constant 0 : i32
      %dma_wait3A_1484 = tpu.memref_slice %arg4[%mul3A_4, %dma_wait3A_1482, %dma_wait3A_1483] : memref<4096x56x128xf32, #tpu.memory_space<hbm>> -> memref<1x50x64xf32, #tpu.memory_space<hbm>>
      %dma_wait3A_1485 = tpu.memref_squeeze %dma_wait3A_1484 : memref<1x50x64xf32, #tpu.memory_space<hbm>> -> memref<50x64xf32, #tpu.memory_space<hbm>>
      %dma_wait3A_1486 = arith.constant 0 : i32
      %dma_wait3A_1487 = arith.constant 0 : i32
      %dma_wait3A_1488 = tpu.memref_slice %arg4[%mul3A_4, %dma_wait3A_1486, %dma_wait3A_1487] : memref<4096x56x128xf32, #tpu.memory_space<hbm>> -> memref<1x50x64xf32, #tpu.memory_space<hbm>>
      %dma_wait3A_1489 = tpu.memref_squeeze %dma_wait3A_1488 : memref<1x50x64xf32, #tpu.memory_space<hbm>> -> memref<50x64xf32, #tpu.memory_space<hbm>>
      %dma_wait3A_1490 = arith.constant 400 : i32
      %dma_wait3A_1491 = arith.constant 0 : i32
      %dma_wait3A_1492 = tpu.memref_slice %arg6[%dma_wait3A_1490, %dma_wait3A_1491] : memref<800x64xf32, #tpu.memory_space<vmem>> -> memref<50x64xf32, #tpu.memory_space<vmem>>
      tpu.wait_dma2 semaphore(%arg10 : memref<!tpu.dma_semaphore, #tpu.memory_space<semaphore_mem>>) src(%dma_wait3A_1492 : memref<50x64xf32, #tpu.memory_space<vmem>>) dst(%dma_wait3A_1489 : memref<50x64xf32, #tpu.memory_space<hbm>>)
      %dma_wait3A_1493 = arith.constant 450 : i32
      %dma_wait3A_1494 = arith.constant 0 : i32
      %dma_wait3A_1495 = tpu.memref_slice %arg6[%dma_wait3A_1493, %dma_wait3A_1494] : memref<800x64xf32, #tpu.memory_space<vmem>> -> memref<50x64xf32, #tpu.memory_space<vmem>>
      %dma_wait3A_1496 = arith.constant 0 : i32
      %dma_wait3A_1497 = arith.constant 0 : i32
      %dma_wait3A_1498 = tpu.memref_slice %arg4[%mul3A_4, %dma_wait3A_1496, %dma_wait3A_1497] : memref<4096x56x128xf32, #tpu.memory_space<hbm>> -> memref<1x50x64xf32, #tpu.memory_space<hbm>>
      %dma_wait3A_1499 = tpu.memref_squeeze %dma_wait3A_1498 : memref<1x50x64xf32, #tpu.memory_space<hbm>> -> memref<50x64xf32, #tpu.memory_space<hbm>>
      %dma_wait3A_1500 = arith.constant 0 : i32
      %dma_wait3A_1501 = arith.constant 0 : i32
      %dma_wait3A_1502 = tpu.memref_slice %arg4[%mul3A_4, %dma_wait3A_1500, %dma_wait3A_1501] : memref<4096x56x128xf32, #tpu.memory_space<hbm>> -> memref<1x50x64xf32, #tpu.memory_space<hbm>>
      %dma_wait3A_1503 = tpu.memref_squeeze %dma_wait3A_1502 : memref<1x50x64xf32, #tpu.memory_space<hbm>> -> memref<50x64xf32, #tpu.memory_space<hbm>>
      %dma_wait3A_1504 = arith.constant 450 : i32
      %dma_wait3A_1505 = arith.constant 0 : i32
      %dma_wait3A_1506 = tpu.memref_slice %arg6[%dma_wait3A_1504, %dma_wait3A_1505] : memref<800x64xf32, #tpu.memory_space<vmem>> -> memref<50x64xf32, #tpu.memory_space<vmem>>
      tpu.wait_dma2 semaphore(%arg10 : memref<!tpu.dma_semaphore, #tpu.memory_space<semaphore_mem>>) src(%dma_wait3A_1506 : memref<50x64xf32, #tpu.memory_space<vmem>>) dst(%dma_wait3A_1503 : memref<50x64xf32, #tpu.memory_space<hbm>>)
      %dma_wait3A_1507 = arith.constant 500 : i32
      %dma_wait3A_1508 = arith.constant 0 : i32
      %dma_wait3A_1509 = tpu.memref_slice %arg6[%dma_wait3A_1507, %dma_wait3A_1508] : memref<800x64xf32, #tpu.memory_space<vmem>> -> memref<50x64xf32, #tpu.memory_space<vmem>>
      %dma_wait3A_1510 = arith.constant 0 : i32
      %dma_wait3A_1511 = arith.constant 0 : i32
      %dma_wait3A_1512 = tpu.memref_slice %arg4[%mul3A_4, %dma_wait3A_1510, %dma_wait3A_1511] : memref<4096x56x128xf32, #tpu.memory_space<hbm>> -> memref<1x50x64xf32, #tpu.memory_space<hbm>>
      %dma_wait3A_1513 = tpu.memref_squeeze %dma_wait3A_1512 : memref<1x50x64xf32, #tpu.memory_space<hbm>> -> memref<50x64xf32, #tpu.memory_space<hbm>>
      %dma_wait3A_1514 = arith.constant 0 : i32
      %dma_wait3A_1515 = arith.constant 0 : i32
      %dma_wait3A_1516 = tpu.memref_slice %arg4[%mul3A_4, %dma_wait3A_1514, %dma_wait3A_1515] : memref<4096x56x128xf32, #tpu.memory_space<hbm>> -> memref<1x50x64xf32, #tpu.memory_space<hbm>>
      %dma_wait3A_1517 = tpu.memref_squeeze %dma_wait3A_1516 : memref<1x50x64xf32, #tpu.memory_space<hbm>> -> memref<50x64xf32, #tpu.memory_space<hbm>>
      %dma_wait3A_1518 = arith.constant 500 : i32
      %dma_wait3A_1519 = arith.constant 0 : i32
      %dma_wait3A_1520 = tpu.memref_slice %arg6[%dma_wait3A_1518, %dma_wait3A_1519] : memref<800x64xf32, #tpu.memory_space<vmem>> -> memref<50x64xf32, #tpu.memory_space<vmem>>
      tpu.wait_dma2 semaphore(%arg10 : memref<!tpu.dma_semaphore, #tpu.memory_space<semaphore_mem>>) src(%dma_wait3A_1520 : memref<50x64xf32, #tpu.memory_space<vmem>>) dst(%dma_wait3A_1517 : memref<50x64xf32, #tpu.memory_space<hbm>>)
      %dma_wait3A_1521 = arith.constant 550 : i32
      %dma_wait3A_1522 = arith.constant 0 : i32
      %dma_wait3A_1523 = tpu.memref_slice %arg6[%dma_wait3A_1521, %dma_wait3A_1522] : memref<800x64xf32, #tpu.memory_space<vmem>> -> memref<50x64xf32, #tpu.memory_space<vmem>>
      %dma_wait3A_1524 = arith.constant 0 : i32
      %dma_wait3A_1525 = arith.constant 0 : i32
      %dma_wait3A_1526 = tpu.memref_slice %arg4[%mul3A_4, %dma_wait3A_1524, %dma_wait3A_1525] : memref<4096x56x128xf32, #tpu.memory_space<hbm>> -> memref<1x50x64xf32, #tpu.memory_space<hbm>>
      %dma_wait3A_1527 = tpu.memref_squeeze %dma_wait3A_1526 : memref<1x50x64xf32, #tpu.memory_space<hbm>> -> memref<50x64xf32, #tpu.memory_space<hbm>>
      %dma_wait3A_1528 = arith.constant 0 : i32
      %dma_wait3A_1529 = arith.constant 0 : i32
      %dma_wait3A_1530 = tpu.memref_slice %arg4[%mul3A_4, %dma_wait3A_1528, %dma_wait3A_1529] : memref<4096x56x128xf32, #tpu.memory_space<hbm>> -> memref<1x50x64xf32, #tpu.memory_space<hbm>>
      %dma_wait3A_1531 = tpu.memref_squeeze %dma_wait3A_1530 : memref<1x50x64xf32, #tpu.memory_space<hbm>> -> memref<50x64xf32, #tpu.memory_space<hbm>>
      %dma_wait3A_1532 = arith.constant 550 : i32
      %dma_wait3A_1533 = arith.constant 0 : i32
      %dma_wait3A_1534 = tpu.memref_slice %arg6[%dma_wait3A_1532, %dma_wait3A_1533] : memref<800x64xf32, #tpu.memory_space<vmem>> -> memref<50x64xf32, #tpu.memory_space<vmem>>
      tpu.wait_dma2 semaphore(%arg10 : memref<!tpu.dma_semaphore, #tpu.memory_space<semaphore_mem>>) src(%dma_wait3A_1534 : memref<50x64xf32, #tpu.memory_space<vmem>>) dst(%dma_wait3A_1531 : memref<50x64xf32, #tpu.memory_space<hbm>>)
      %dma_wait3A_1535 = arith.constant 600 : i32
      %dma_wait3A_1536 = arith.constant 0 : i32
      %dma_wait3A_1537 = tpu.memref_slice %arg6[%dma_wait3A_1535, %dma_wait3A_1536] : memref<800x64xf32, #tpu.memory_space<vmem>> -> memref<50x64xf32, #tpu.memory_space<vmem>>
      %dma_wait3A_1538 = arith.constant 0 : i32
      %dma_wait3A_1539 = arith.constant 0 : i32
      %dma_wait3A_1540 = tpu.memref_slice %arg4[%mul3A_4, %dma_wait3A_1538, %dma_wait3A_1539] : memref<4096x56x128xf32, #tpu.memory_space<hbm>> -> memref<1x50x64xf32, #tpu.memory_space<hbm>>
      %dma_wait3A_1541 = tpu.memref_squeeze %dma_wait3A_1540 : memref<1x50x64xf32, #tpu.memory_space<hbm>> -> memref<50x64xf32, #tpu.memory_space<hbm>>
      %dma_wait3A_1542 = arith.constant 0 : i32
      %dma_wait3A_1543 = arith.constant 0 : i32
      %dma_wait3A_1544 = tpu.memref_slice %arg4[%mul3A_4, %dma_wait3A_1542, %dma_wait3A_1543] : memref<4096x56x128xf32, #tpu.memory_space<hbm>> -> memref<1x50x64xf32, #tpu.memory_space<hbm>>
      %dma_wait3A_1545 = tpu.memref_squeeze %dma_wait3A_1544 : memref<1x50x64xf32, #tpu.memory_space<hbm>> -> memref<50x64xf32, #tpu.memory_space<hbm>>
      %dma_wait3A_1546 = arith.constant 600 : i32
      %dma_wait3A_1547 = arith.constant 0 : i32
      %dma_wait3A_1548 = tpu.memref_slice %arg6[%dma_wait3A_1546, %dma_wait3A_1547] : memref<800x64xf32, #tpu.memory_space<vmem>> -> memref<50x64xf32, #tpu.memory_space<vmem>>
      tpu.wait_dma2 semaphore(%arg10 : memref<!tpu.dma_semaphore, #tpu.memory_space<semaphore_mem>>) src(%dma_wait3A_1548 : memref<50x64xf32, #tpu.memory_space<vmem>>) dst(%dma_wait3A_1545 : memref<50x64xf32, #tpu.memory_space<hbm>>)
      %dma_wait3A_1549 = arith.constant 650 : i32
      %dma_wait3A_1550 = arith.constant 0 : i32
      %dma_wait3A_1551 = tpu.memref_slice %arg6[%dma_wait3A_1549, %dma_wait3A_1550] : memref<800x64xf32, #tpu.memory_space<vmem>> -> memref<50x64xf32, #tpu.memory_space<vmem>>
      %dma_wait3A_1552 = arith.constant 0 : i32
      %dma_wait3A_1553 = arith.constant 0 : i32
      %dma_wait3A_1554 = tpu.memref_slice %arg4[%mul3A_4, %dma_wait3A_1552, %dma_wait3A_1553] : memref<4096x56x128xf32, #tpu.memory_space<hbm>> -> memref<1x50x64xf32, #tpu.memory_space<hbm>>
      %dma_wait3A_1555 = tpu.memref_squeeze %dma_wait3A_1554 : memref<1x50x64xf32, #tpu.memory_space<hbm>> -> memref<50x64xf32, #tpu.memory_space<hbm>>
      %dma_wait3A_1556 = arith.constant 0 : i32
      %dma_wait3A_1557 = arith.constant 0 : i32
      %dma_wait3A_1558 = tpu.memref_slice %arg4[%mul3A_4, %dma_wait3A_1556, %dma_wait3A_1557] : memref<4096x56x128xf32, #tpu.memory_space<hbm>> -> memref<1x50x64xf32, #tpu.memory_space<hbm>>
      %dma_wait3A_1559 = tpu.memref_squeeze %dma_wait3A_1558 : memref<1x50x64xf32, #tpu.memory_space<hbm>> -> memref<50x64xf32, #tpu.memory_space<hbm>>
      %dma_wait3A_1560 = arith.constant 650 : i32
      %dma_wait3A_1561 = arith.constant 0 : i32
      %dma_wait3A_1562 = tpu.memref_slice %arg6[%dma_wait3A_1560, %dma_wait3A_1561] : memref<800x64xf32, #tpu.memory_space<vmem>> -> memref<50x64xf32, #tpu.memory_space<vmem>>
      tpu.wait_dma2 semaphore(%arg10 : memref<!tpu.dma_semaphore, #tpu.memory_space<semaphore_mem>>) src(%dma_wait3A_1562 : memref<50x64xf32, #tpu.memory_space<vmem>>) dst(%dma_wait3A_1559 : memref<50x64xf32, #tpu.memory_space<hbm>>)
      %dma_wait3A_1563 = arith.constant 700 : i32
      %dma_wait3A_1564 = arith.constant 0 : i32
      %dma_wait3A_1565 = tpu.memref_slice %arg6[%dma_wait3A_1563, %dma_wait3A_1564] : memref<800x64xf32, #tpu.memory_space<vmem>> -> memref<50x64xf32, #tpu.memory_space<vmem>>
      %dma_wait3A_1566 = arith.constant 0 : i32
      %dma_wait3A_1567 = arith.constant 0 : i32
      %dma_wait3A_1568 = tpu.memref_slice %arg4[%mul3A_4, %dma_wait3A_1566, %dma_wait3A_1567] : memref<4096x56x128xf32, #tpu.memory_space<hbm>> -> memref<1x50x64xf32, #tpu.memory_space<hbm>>
      %dma_wait3A_1569 = tpu.memref_squeeze %dma_wait3A_1568 : memref<1x50x64xf32, #tpu.memory_space<hbm>> -> memref<50x64xf32, #tpu.memory_space<hbm>>
      %dma_wait3A_1570 = arith.constant 0 : i32
      %dma_wait3A_1571 = arith.constant 0 : i32
      %dma_wait3A_1572 = tpu.memref_slice %arg4[%mul3A_4, %dma_wait3A_1570, %dma_wait3A_1571] : memref<4096x56x128xf32, #tpu.memory_space<hbm>> -> memref<1x50x64xf32, #tpu.memory_space<hbm>>
      %dma_wait3A_1573 = tpu.memref_squeeze %dma_wait3A_1572 : memref<1x50x64xf32, #tpu.memory_space<hbm>> -> memref<50x64xf32, #tpu.memory_space<hbm>>
      %dma_wait3A_1574 = arith.constant 700 : i32
      %dma_wait3A_1575 = arith.constant 0 : i32
      %dma_wait3A_1576 = tpu.memref_slice %arg6[%dma_wait3A_1574, %dma_wait3A_1575] : memref<800x64xf32, #tpu.memory_space<vmem>> -> memref<50x64xf32, #tpu.memory_space<vmem>>
      tpu.wait_dma2 semaphore(%arg10 : memref<!tpu.dma_semaphore, #tpu.memory_space<semaphore_mem>>) src(%dma_wait3A_1576 : memref<50x64xf32, #tpu.memory_space<vmem>>) dst(%dma_wait3A_1573 : memref<50x64xf32, #tpu.memory_space<hbm>>)
      %dma_wait3A_1577 = arith.constant 750 : i32
      %dma_wait3A_1578 = arith.constant 0 : i32
      %dma_wait3A_1579 = tpu.memref_slice %arg6[%dma_wait3A_1577, %dma_wait3A_1578] : memref<800x64xf32, #tpu.memory_space<vmem>> -> memref<50x64xf32, #tpu.memory_space<vmem>>
      %dma_wait3A_1580 = arith.constant 0 : i32
      %dma_wait3A_1581 = arith.constant 0 : i32
      %dma_wait3A_1582 = tpu.memref_slice %arg4[%mul3A_4, %dma_wait3A_1580, %dma_wait3A_1581] : memref<4096x56x128xf32, #tpu.memory_space<hbm>> -> memref<1x50x64xf32, #tpu.memory_space<hbm>>
      %dma_wait3A_1583 = tpu.memref_squeeze %dma_wait3A_1582 : memref<1x50x64xf32, #tpu.memory_space<hbm>> -> memref<50x64xf32, #tpu.memory_space<hbm>>
      %dma_wait3A_1584 = arith.constant 0 : i32
      %dma_wait3A_1585 = arith.constant 0 : i32
      %dma_wait3A_1586 = tpu.memref_slice %arg4[%mul3A_4, %dma_wait3A_1584, %dma_wait3A_1585] : memref<4096x56x128xf32, #tpu.memory_space<hbm>> -> memref<1x50x64xf32, #tpu.memory_space<hbm>>
      %dma_wait3A_1587 = tpu.memref_squeeze %dma_wait3A_1586 : memref<1x50x64xf32, #tpu.memory_space<hbm>> -> memref<50x64xf32, #tpu.memory_space<hbm>>
      %dma_wait3A_1588 = arith.constant 750 : i32
      %dma_wait3A_1589 = arith.constant 0 : i32
      %dma_wait3A_1590 = tpu.memref_slice %arg6[%dma_wait3A_1588, %dma_wait3A_1589] : memref<800x64xf32, #tpu.memory_space<vmem>> -> memref<50x64xf32, #tpu.memory_space<vmem>>
      tpu.wait_dma2 semaphore(%arg10 : memref<!tpu.dma_semaphore, #tpu.memory_space<semaphore_mem>>) src(%dma_wait3A_1590 : memref<50x64xf32, #tpu.memory_space<vmem>>) dst(%dma_wait3A_1587 : memref<50x64xf32, #tpu.memory_space<hbm>>)
      %add3A_1591 = arith.constant 2 : i32
      %add3A_1592 = arith.addi %add3A_1057, %add3A_1591 : i32
      %mul3A_1593 = arith.constant 800 : i32
      %mul3A_1594 = arith.muli %add3A_1592, %mul3A_1593 : i32
      %dma_start3A_1595 = tpu.memref_slice %arg5[%mul3A_1594] : memref<6400xi32, #tpu.memory_space<vmem>> -> memref<800xi32, #tpu.memory_space<vmem>>
      %dma_start3A_1596 = arith.constant 0 : i32
      %dma_start3A_1597 = arith.constant 0 : i32
      %dma_start3A_1598 = tpu.memref_slice %arg2[%dma_start3A_1596, %dma_start3A_1597] : memref<1000000x64xf32, #tpu.memory_space<hbm>> -> memref<1000000x64xf32, #tpu.memory_space<hbm>>
      tpu.enqueue_indirect_dma source(%dma_start3A_1598 : memref<1000000x64xf32, #tpu.memory_space<hbm>>) target(%arg6 : memref<800x64xf32, #tpu.memory_space<vmem>>) offsets(%dma_start3A_1595 : memref<800xi32, #tpu.memory_space<vmem>>) semaphore(%arg8 : memref<!tpu.dma_semaphore, #tpu.memory_space<semaphore_mem>>)
      %add3A_1599 = arith.constant 1 : i32
      %add3A_1600 = arith.addi %add3A_1055, %add3A_1599 : i32
      %dma_wait3A_1601 = arith.constant 0 : i32
      %dma_wait3A_1602 = tpu.memref_slice %arg5[%dma_wait3A_1601] : memref<6400xi32, #tpu.memory_space<vmem>> -> memref<800xi32, #tpu.memory_space<vmem>>
      %dma_wait3A_1603 = arith.constant 0 : i32
      %dma_wait3A_1604 = arith.constant 0 : i32
      %dma_wait3A_1605 = tpu.memref_slice %arg2[%dma_wait3A_1603, %dma_wait3A_1604] : memref<1000000x64xf32, #tpu.memory_space<hbm>> -> memref<1000000x64xf32, #tpu.memory_space<hbm>>
      tpu.wait_indirect_dma semaphore(%arg9 : memref<!tpu.dma_semaphore, #tpu.memory_space<semaphore_mem>>) src(%dma_wait3A_1605 : memref<1000000x64xf32, #tpu.memory_space<hbm>>) dst(%arg7 : memref<800x64xf32, #tpu.memory_space<vmem>>)
      %mul3A_1606 = arith.constant 16 : i32
      %mul3A_1607 = arith.muli %add3A_1600, %mul3A_1606 : i32
      %add3A_1608 = arith.addi %mul3A_4, %mul3A_1607 : i32
      %add3A_1609 = arith.constant 0 : i32
      %add3A_1610 = arith.addi %add3A_1608, %add3A_1609 : i32
      %dma_start3A_1611 = arith.constant 0 : i32
      %dma_start3A_1612 = arith.constant 0 : i32
      %dma_start3A_1613 = tpu.memref_slice %arg7[%dma_start3A_1611, %dma_start3A_1612] : memref<800x64xf32, #tpu.memory_space<vmem>> -> memref<50x64xf32, #tpu.memory_space<vmem>>
      %dma_start3A_1614 = arith.constant 0 : i32
      %dma_start3A_1615 = arith.constant 0 : i32
      %dma_start3A_1616 = tpu.memref_slice %arg4[%add3A_1610, %dma_start3A_1614, %dma_start3A_1615] : memref<4096x56x128xf32, #tpu.memory_space<hbm>> -> memref<1x50x64xf32, #tpu.memory_space<hbm>>
      %dma_start3A_1617 = tpu.memref_squeeze %dma_start3A_1616 : memref<1x50x64xf32, #tpu.memory_space<hbm>> -> memref<50x64xf32, #tpu.memory_space<hbm>>
      %dma_start3A_1618 = arith.constant 0 : i32
      %dma_start3A_1619 = arith.constant 0 : i32
      %dma_start3A_1620 = tpu.memref_slice %arg4[%add3A_1610, %dma_start3A_1618, %dma_start3A_1619] : memref<4096x56x128xf32, #tpu.memory_space<hbm>> -> memref<1x50x64xf32, #tpu.memory_space<hbm>>
      %dma_start3A_1621 = tpu.memref_squeeze %dma_start3A_1620 : memref<1x50x64xf32, #tpu.memory_space<hbm>> -> memref<50x64xf32, #tpu.memory_space<hbm>>
      %dma_start3A_1622 = arith.constant 0 : i32
      %dma_start3A_1623 = arith.constant 0 : i32
      %dma_start3A_1624 = tpu.memref_slice %arg7[%dma_start3A_1622, %dma_start3A_1623] : memref<800x64xf32, #tpu.memory_space<vmem>> -> memref<50x64xf32, #tpu.memory_space<vmem>>
      tpu.enqueue_dma source(%dma_start3A_1624 : memref<50x64xf32, #tpu.memory_space<vmem>>) target(%dma_start3A_1621 : memref<50x64xf32, #tpu.memory_space<hbm>>) target_semaphore(%arg11 : memref<!tpu.dma_semaphore, #tpu.memory_space<semaphore_mem>>)
      %mul3A_1625 = arith.constant 16 : i32
      %mul3A_1626 = arith.muli %add3A_1600, %mul3A_1625 : i32
      %add3A_1627 = arith.addi %mul3A_4, %mul3A_1626 : i32
      %add3A_1628 = arith.constant 1 : i32
      %add3A_1629 = arith.addi %add3A_1627, %add3A_1628 : i32
      %dma_start3A_1630 = arith.constant 50 : i32
      %dma_start3A_1631 = arith.constant 0 : i32
      %dma_start3A_1632 = tpu.memref_slice %arg7[%dma_start3A_1630, %dma_start3A_1631] : memref<800x64xf32, #tpu.memory_space<vmem>> -> memref<50x64xf32, #tpu.memory_space<vmem>>
      %dma_start3A_1633 = arith.constant 0 : i32
      %dma_start3A_1634 = arith.constant 0 : i32
      %dma_start3A_1635 = tpu.memref_slice %arg4[%add3A_1629, %dma_start3A_1633, %dma_start3A_1634] : memref<4096x56x128xf32, #tpu.memory_space<hbm>> -> memref<1x50x64xf32, #tpu.memory_space<hbm>>
      %dma_start3A_1636 = tpu.memref_squeeze %dma_start3A_1635 : memref<1x50x64xf32, #tpu.memory_space<hbm>> -> memref<50x64xf32, #tpu.memory_space<hbm>>
      %dma_start3A_1637 = arith.constant 0 : i32
      %dma_start3A_1638 = arith.constant 0 : i32
      %dma_start3A_1639 = tpu.memref_slice %arg4[%add3A_1629, %dma_start3A_1637, %dma_start3A_1638] : memref<4096x56x128xf32, #tpu.memory_space<hbm>> -> memref<1x50x64xf32, #tpu.memory_space<hbm>>
      %dma_start3A_1640 = tpu.memref_squeeze %dma_start3A_1639 : memref<1x50x64xf32, #tpu.memory_space<hbm>> -> memref<50x64xf32, #tpu.memory_space<hbm>>
      %dma_start3A_1641 = arith.constant 50 : i32
      %dma_start3A_1642 = arith.constant 0 : i32
      %dma_start3A_1643 = tpu.memref_slice %arg7[%dma_start3A_1641, %dma_start3A_1642] : memref<800x64xf32, #tpu.memory_space<vmem>> -> memref<50x64xf32, #tpu.memory_space<vmem>>
      tpu.enqueue_dma source(%dma_start3A_1643 : memref<50x64xf32, #tpu.memory_space<vmem>>) target(%dma_start3A_1640 : memref<50x64xf32, #tpu.memory_space<hbm>>) target_semaphore(%arg11 : memref<!tpu.dma_semaphore, #tpu.memory_space<semaphore_mem>>)
      %mul3A_1644 = arith.constant 16 : i32
      %mul3A_1645 = arith.muli %add3A_1600, %mul3A_1644 : i32
      %add3A_1646 = arith.addi %mul3A_4, %mul3A_1645 : i32
      %add3A_1647 = arith.constant 2 : i32
      %add3A_1648 = arith.addi %add3A_1646, %add3A_1647 : i32
      %dma_start3A_1649 = arith.constant 100 : i32
      %dma_start3A_1650 = arith.constant 0 : i32
      %dma_start3A_1651 = tpu.memref_slice %arg7[%dma_start3A_1649, %dma_start3A_1650] : memref<800x64xf32, #tpu.memory_space<vmem>> -> memref<50x64xf32, #tpu.memory_space<vmem>>
      %dma_start3A_1652 = arith.constant 0 : i32
      %dma_start3A_1653 = arith.constant 0 : i32
      %dma_start3A_1654 = tpu.memref_slice %arg4[%add3A_1648, %dma_start3A_1652, %dma_start3A_1653] : memref<4096x56x128xf32, #tpu.memory_space<hbm>> -> memref<1x50x64xf32, #tpu.memory_space<hbm>>
      %dma_start3A_1655 = tpu.memref_squeeze %dma_start3A_1654 : memref<1x50x64xf32, #tpu.memory_space<hbm>> -> memref<50x64xf32, #tpu.memory_space<hbm>>
      %dma_start3A_1656 = arith.constant 0 : i32
      %dma_start3A_1657 = arith.constant 0 : i32
      %dma_start3A_1658 = tpu.memref_slice %arg4[%add3A_1648, %dma_start3A_1656, %dma_start3A_1657] : memref<4096x56x128xf32, #tpu.memory_space<hbm>> -> memref<1x50x64xf32, #tpu.memory_space<hbm>>
      %dma_start3A_1659 = tpu.memref_squeeze %dma_start3A_1658 : memref<1x50x64xf32, #tpu.memory_space<hbm>> -> memref<50x64xf32, #tpu.memory_space<hbm>>
      %dma_start3A_1660 = arith.constant 100 : i32
      %dma_start3A_1661 = arith.constant 0 : i32
      %dma_start3A_1662 = tpu.memref_slice %arg7[%dma_start3A_1660, %dma_start3A_1661] : memref<800x64xf32, #tpu.memory_space<vmem>> -> memref<50x64xf32, #tpu.memory_space<vmem>>
      tpu.enqueue_dma source(%dma_start3A_1662 : memref<50x64xf32, #tpu.memory_space<vmem>>) target(%dma_start3A_1659 : memref<50x64xf32, #tpu.memory_space<hbm>>) target_semaphore(%arg11 : memref<!tpu.dma_semaphore, #tpu.memory_space<semaphore_mem>>)
      %mul3A_1663 = arith.constant 16 : i32
      %mul3A_1664 = arith.muli %add3A_1600, %mul3A_1663 : i32
      %add3A_1665 = arith.addi %mul3A_4, %mul3A_1664 : i32
      %add3A_1666 = arith.constant 3 : i32
      %add3A_1667 = arith.addi %add3A_1665, %add3A_1666 : i32
      %dma_start3A_1668 = arith.constant 150 : i32
      %dma_start3A_1669 = arith.constant 0 : i32
      %dma_start3A_1670 = tpu.memref_slice %arg7[%dma_start3A_1668, %dma_start3A_1669] : memref<800x64xf32, #tpu.memory_space<vmem>> -> memref<50x64xf32, #tpu.memory_space<vmem>>
      %dma_start3A_1671 = arith.constant 0 : i32
      %dma_start3A_1672 = arith.constant 0 : i32
      %dma_start3A_1673 = tpu.memref_slice %arg4[%add3A_1667, %dma_start3A_1671, %dma_start3A_1672] : memref<4096x56x128xf32, #tpu.memory_space<hbm>> -> memref<1x50x64xf32, #tpu.memory_space<hbm>>
      %dma_start3A_1674 = tpu.memref_squeeze %dma_start3A_1673 : memref<1x50x64xf32, #tpu.memory_space<hbm>> -> memref<50x64xf32, #tpu.memory_space<hbm>>
      %dma_start3A_1675 = arith.constant 0 : i32
      %dma_start3A_1676 = arith.constant 0 : i32
      %dma_start3A_1677 = tpu.memref_slice %arg4[%add3A_1667, %dma_start3A_1675, %dma_start3A_1676] : memref<4096x56x128xf32, #tpu.memory_space<hbm>> -> memref<1x50x64xf32, #tpu.memory_space<hbm>>
      %dma_start3A_1678 = tpu.memref_squeeze %dma_start3A_1677 : memref<1x50x64xf32, #tpu.memory_space<hbm>> -> memref<50x64xf32, #tpu.memory_space<hbm>>
      %dma_start3A_1679 = arith.constant 150 : i32
      %dma_start3A_1680 = arith.constant 0 : i32
      %dma_start3A_1681 = tpu.memref_slice %arg7[%dma_start3A_1679, %dma_start3A_1680] : memref<800x64xf32, #tpu.memory_space<vmem>> -> memref<50x64xf32, #tpu.memory_space<vmem>>
      tpu.enqueue_dma source(%dma_start3A_1681 : memref<50x64xf32, #tpu.memory_space<vmem>>) target(%dma_start3A_1678 : memref<50x64xf32, #tpu.memory_space<hbm>>) target_semaphore(%arg11 : memref<!tpu.dma_semaphore, #tpu.memory_space<semaphore_mem>>)
      %mul3A_1682 = arith.constant 16 : i32
      %mul3A_1683 = arith.muli %add3A_1600, %mul3A_1682 : i32
      %add3A_1684 = arith.addi %mul3A_4, %mul3A_1683 : i32
      %add3A_1685 = arith.constant 4 : i32
      %add3A_1686 = arith.addi %add3A_1684, %add3A_1685 : i32
      %dma_start3A_1687 = arith.constant 200 : i32
      %dma_start3A_1688 = arith.constant 0 : i32
      %dma_start3A_1689 = tpu.memref_slice %arg7[%dma_start3A_1687, %dma_start3A_1688] : memref<800x64xf32, #tpu.memory_space<vmem>> -> memref<50x64xf32, #tpu.memory_space<vmem>>
      %dma_start3A_1690 = arith.constant 0 : i32
      %dma_start3A_1691 = arith.constant 0 : i32
      %dma_start3A_1692 = tpu.memref_slice %arg4[%add3A_1686, %dma_start3A_1690, %dma_start3A_1691] : memref<4096x56x128xf32, #tpu.memory_space<hbm>> -> memref<1x50x64xf32, #tpu.memory_space<hbm>>
      %dma_start3A_1693 = tpu.memref_squeeze %dma_start3A_1692 : memref<1x50x64xf32, #tpu.memory_space<hbm>> -> memref<50x64xf32, #tpu.memory_space<hbm>>
      %dma_start3A_1694 = arith.constant 0 : i32
      %dma_start3A_1695 = arith.constant 0 : i32
      %dma_start3A_1696 = tpu.memref_slice %arg4[%add3A_1686, %dma_start3A_1694, %dma_start3A_1695] : memref<4096x56x128xf32, #tpu.memory_space<hbm>> -> memref<1x50x64xf32, #tpu.memory_space<hbm>>
      %dma_start3A_1697 = tpu.memref_squeeze %dma_start3A_1696 : memref<1x50x64xf32, #tpu.memory_space<hbm>> -> memref<50x64xf32, #tpu.memory_space<hbm>>
      %dma_start3A_1698 = arith.constant 200 : i32
      %dma_start3A_1699 = arith.constant 0 : i32
      %dma_start3A_1700 = tpu.memref_slice %arg7[%dma_start3A_1698, %dma_start3A_1699] : memref<800x64xf32, #tpu.memory_space<vmem>> -> memref<50x64xf32, #tpu.memory_space<vmem>>
      tpu.enqueue_dma source(%dma_start3A_1700 : memref<50x64xf32, #tpu.memory_space<vmem>>) target(%dma_start3A_1697 : memref<50x64xf32, #tpu.memory_space<hbm>>) target_semaphore(%arg11 : memref<!tpu.dma_semaphore, #tpu.memory_space<semaphore_mem>>)
      %mul3A_1701 = arith.constant 16 : i32
      %mul3A_1702 = arith.muli %add3A_1600, %mul3A_1701 : i32
      %add3A_1703 = arith.addi %mul3A_4, %mul3A_1702 : i32
      %add3A_1704 = arith.constant 5 : i32
      %add3A_1705 = arith.addi %add3A_1703, %add3A_1704 : i32
      %dma_start3A_1706 = arith.constant 250 : i32
      %dma_start3A_1707 = arith.constant 0 : i32
      %dma_start3A_1708 = tpu.memref_slice %arg7[%dma_start3A_1706, %dma_start3A_1707] : memref<800x64xf32, #tpu.memory_space<vmem>> -> memref<50x64xf32, #tpu.memory_space<vmem>>
      %dma_start3A_1709 = arith.constant 0 : i32
      %dma_start3A_1710 = arith.constant 0 : i32
      %dma_start3A_1711 = tpu.memref_slice %arg4[%add3A_1705, %dma_start3A_1709, %dma_start3A_1710] : memref<4096x56x128xf32, #tpu.memory_space<hbm>> -> memref<1x50x64xf32, #tpu.memory_space<hbm>>
      %dma_start3A_1712 = tpu.memref_squeeze %dma_start3A_1711 : memref<1x50x64xf32, #tpu.memory_space<hbm>> -> memref<50x64xf32, #tpu.memory_space<hbm>>
      %dma_start3A_1713 = arith.constant 0 : i32
      %dma_start3A_1714 = arith.constant 0 : i32
      %dma_start3A_1715 = tpu.memref_slice %arg4[%add3A_1705, %dma_start3A_1713, %dma_start3A_1714] : memref<4096x56x128xf32, #tpu.memory_space<hbm>> -> memref<1x50x64xf32, #tpu.memory_space<hbm>>
      %dma_start3A_1716 = tpu.memref_squeeze %dma_start3A_1715 : memref<1x50x64xf32, #tpu.memory_space<hbm>> -> memref<50x64xf32, #tpu.memory_space<hbm>>
      %dma_start3A_1717 = arith.constant 250 : i32
      %dma_start3A_1718 = arith.constant 0 : i32
      %dma_start3A_1719 = tpu.memref_slice %arg7[%dma_start3A_1717, %dma_start3A_1718] : memref<800x64xf32, #tpu.memory_space<vmem>> -> memref<50x64xf32, #tpu.memory_space<vmem>>
      tpu.enqueue_dma source(%dma_start3A_1719 : memref<50x64xf32, #tpu.memory_space<vmem>>) target(%dma_start3A_1716 : memref<50x64xf32, #tpu.memory_space<hbm>>) target_semaphore(%arg11 : memref<!tpu.dma_semaphore, #tpu.memory_space<semaphore_mem>>)
      %mul3A_1720 = arith.constant 16 : i32
      %mul3A_1721 = arith.muli %add3A_1600, %mul3A_1720 : i32
      %add3A_1722 = arith.addi %mul3A_4, %mul3A_1721 : i32
      %add3A_1723 = arith.constant 6 : i32
      %add3A_1724 = arith.addi %add3A_1722, %add3A_1723 : i32
      %dma_start3A_1725 = arith.constant 300 : i32
      %dma_start3A_1726 = arith.constant 0 : i32
      %dma_start3A_1727 = tpu.memref_slice %arg7[%dma_start3A_1725, %dma_start3A_1726] : memref<800x64xf32, #tpu.memory_space<vmem>> -> memref<50x64xf32, #tpu.memory_space<vmem>>
      %dma_start3A_1728 = arith.constant 0 : i32
      %dma_start3A_1729 = arith.constant 0 : i32
      %dma_start3A_1730 = tpu.memref_slice %arg4[%add3A_1724, %dma_start3A_1728, %dma_start3A_1729] : memref<4096x56x128xf32, #tpu.memory_space<hbm>> -> memref<1x50x64xf32, #tpu.memory_space<hbm>>
      %dma_start3A_1731 = tpu.memref_squeeze %dma_start3A_1730 : memref<1x50x64xf32, #tpu.memory_space<hbm>> -> memref<50x64xf32, #tpu.memory_space<hbm>>
      %dma_start3A_1732 = arith.constant 0 : i32
      %dma_start3A_1733 = arith.constant 0 : i32
      %dma_start3A_1734 = tpu.memref_slice %arg4[%add3A_1724, %dma_start3A_1732, %dma_start3A_1733] : memref<4096x56x128xf32, #tpu.memory_space<hbm>> -> memref<1x50x64xf32, #tpu.memory_space<hbm>>
      %dma_start3A_1735 = tpu.memref_squeeze %dma_start3A_1734 : memref<1x50x64xf32, #tpu.memory_space<hbm>> -> memref<50x64xf32, #tpu.memory_space<hbm>>
      %dma_start3A_1736 = arith.constant 300 : i32
      %dma_start3A_1737 = arith.constant 0 : i32
      %dma_start3A_1738 = tpu.memref_slice %arg7[%dma_start3A_1736, %dma_start3A_1737] : memref<800x64xf32, #tpu.memory_space<vmem>> -> memref<50x64xf32, #tpu.memory_space<vmem>>
      tpu.enqueue_dma source(%dma_start3A_1738 : memref<50x64xf32, #tpu.memory_space<vmem>>) target(%dma_start3A_1735 : memref<50x64xf32, #tpu.memory_space<hbm>>) target_semaphore(%arg11 : memref<!tpu.dma_semaphore, #tpu.memory_space<semaphore_mem>>)
      %mul3A_1739 = arith.constant 16 : i32
      %mul3A_1740 = arith.muli %add3A_1600, %mul3A_1739 : i32
      %add3A_1741 = arith.addi %mul3A_4, %mul3A_1740 : i32
      %add3A_1742 = arith.constant 7 : i32
      %add3A_1743 = arith.addi %add3A_1741, %add3A_1742 : i32
      %dma_start3A_1744 = arith.constant 350 : i32
      %dma_start3A_1745 = arith.constant 0 : i32
      %dma_start3A_1746 = tpu.memref_slice %arg7[%dma_start3A_1744, %dma_start3A_1745] : memref<800x64xf32, #tpu.memory_space<vmem>> -> memref<50x64xf32, #tpu.memory_space<vmem>>
      %dma_start3A_1747 = arith.constant 0 : i32
      %dma_start3A_1748 = arith.constant 0 : i32
      %dma_start3A_1749 = tpu.memref_slice %arg4[%add3A_1743, %dma_start3A_1747, %dma_start3A_1748] : memref<4096x56x128xf32, #tpu.memory_space<hbm>> -> memref<1x50x64xf32, #tpu.memory_space<hbm>>
      %dma_start3A_1750 = tpu.memref_squeeze %dma_start3A_1749 : memref<1x50x64xf32, #tpu.memory_space<hbm>> -> memref<50x64xf32, #tpu.memory_space<hbm>>
      %dma_start3A_1751 = arith.constant 0 : i32
      %dma_start3A_1752 = arith.constant 0 : i32
      %dma_start3A_1753 = tpu.memref_slice %arg4[%add3A_1743, %dma_start3A_1751, %dma_start3A_1752] : memref<4096x56x128xf32, #tpu.memory_space<hbm>> -> memref<1x50x64xf32, #tpu.memory_space<hbm>>
      %dma_start3A_1754 = tpu.memref_squeeze %dma_start3A_1753 : memref<1x50x64xf32, #tpu.memory_space<hbm>> -> memref<50x64xf32, #tpu.memory_space<hbm>>
      %dma_start3A_1755 = arith.constant 350 : i32
      %dma_start3A_1756 = arith.constant 0 : i32
      %dma_start3A_1757 = tpu.memref_slice %arg7[%dma_start3A_1755, %dma_start3A_1756] : memref<800x64xf32, #tpu.memory_space<vmem>> -> memref<50x64xf32, #tpu.memory_space<vmem>>
      tpu.enqueue_dma source(%dma_start3A_1757 : memref<50x64xf32, #tpu.memory_space<vmem>>) target(%dma_start3A_1754 : memref<50x64xf32, #tpu.memory_space<hbm>>) target_semaphore(%arg11 : memref<!tpu.dma_semaphore, #tpu.memory_space<semaphore_mem>>)
      %mul3A_1758 = arith.constant 16 : i32
      %mul3A_1759 = arith.muli %add3A_1600, %mul3A_1758 : i32
      %add3A_1760 = arith.addi %mul3A_4, %mul3A_1759 : i32
      %add3A_1761 = arith.constant 8 : i32
      %add3A_1762 = arith.addi %add3A_1760, %add3A_1761 : i32
      %dma_start3A_1763 = arith.constant 400 : i32
      %dma_start3A_1764 = arith.constant 0 : i32
      %dma_start3A_1765 = tpu.memref_slice %arg7[%dma_start3A_1763, %dma_start3A_1764] : memref<800x64xf32, #tpu.memory_space<vmem>> -> memref<50x64xf32, #tpu.memory_space<vmem>>
      %dma_start3A_1766 = arith.constant 0 : i32
      %dma_start3A_1767 = arith.constant 0 : i32
      %dma_start3A_1768 = tpu.memref_slice %arg4[%add3A_1762, %dma_start3A_1766, %dma_start3A_1767] : memref<4096x56x128xf32, #tpu.memory_space<hbm>> -> memref<1x50x64xf32, #tpu.memory_space<hbm>>
      %dma_start3A_1769 = tpu.memref_squeeze %dma_start3A_1768 : memref<1x50x64xf32, #tpu.memory_space<hbm>> -> memref<50x64xf32, #tpu.memory_space<hbm>>
      %dma_start3A_1770 = arith.constant 0 : i32
      %dma_start3A_1771 = arith.constant 0 : i32
      %dma_start3A_1772 = tpu.memref_slice %arg4[%add3A_1762, %dma_start3A_1770, %dma_start3A_1771] : memref<4096x56x128xf32, #tpu.memory_space<hbm>> -> memref<1x50x64xf32, #tpu.memory_space<hbm>>
      %dma_start3A_1773 = tpu.memref_squeeze %dma_start3A_1772 : memref<1x50x64xf32, #tpu.memory_space<hbm>> -> memref<50x64xf32, #tpu.memory_space<hbm>>
      %dma_start3A_1774 = arith.constant 400 : i32
      %dma_start3A_1775 = arith.constant 0 : i32
      %dma_start3A_1776 = tpu.memref_slice %arg7[%dma_start3A_1774, %dma_start3A_1775] : memref<800x64xf32, #tpu.memory_space<vmem>> -> memref<50x64xf32, #tpu.memory_space<vmem>>
      tpu.enqueue_dma source(%dma_start3A_1776 : memref<50x64xf32, #tpu.memory_space<vmem>>) target(%dma_start3A_1773 : memref<50x64xf32, #tpu.memory_space<hbm>>) target_semaphore(%arg11 : memref<!tpu.dma_semaphore, #tpu.memory_space<semaphore_mem>>)
      %mul3A_1777 = arith.constant 16 : i32
      %mul3A_1778 = arith.muli %add3A_1600, %mul3A_1777 : i32
      %add3A_1779 = arith.addi %mul3A_4, %mul3A_1778 : i32
      %add3A_1780 = arith.constant 9 : i32
      %add3A_1781 = arith.addi %add3A_1779, %add3A_1780 : i32
      %dma_start3A_1782 = arith.constant 450 : i32
      %dma_start3A_1783 = arith.constant 0 : i32
      %dma_start3A_1784 = tpu.memref_slice %arg7[%dma_start3A_1782, %dma_start3A_1783] : memref<800x64xf32, #tpu.memory_space<vmem>> -> memref<50x64xf32, #tpu.memory_space<vmem>>
      %dma_start3A_1785 = arith.constant 0 : i32
      %dma_start3A_1786 = arith.constant 0 : i32
      %dma_start3A_1787 = tpu.memref_slice %arg4[%add3A_1781, %dma_start3A_1785, %dma_start3A_1786] : memref<4096x56x128xf32, #tpu.memory_space<hbm>> -> memref<1x50x64xf32, #tpu.memory_space<hbm>>
      %dma_start3A_1788 = tpu.memref_squeeze %dma_start3A_1787 : memref<1x50x64xf32, #tpu.memory_space<hbm>> -> memref<50x64xf32, #tpu.memory_space<hbm>>
      %dma_start3A_1789 = arith.constant 0 : i32
      %dma_start3A_1790 = arith.constant 0 : i32
      %dma_start3A_1791 = tpu.memref_slice %arg4[%add3A_1781, %dma_start3A_1789, %dma_start3A_1790] : memref<4096x56x128xf32, #tpu.memory_space<hbm>> -> memref<1x50x64xf32, #tpu.memory_space<hbm>>
      %dma_start3A_1792 = tpu.memref_squeeze %dma_start3A_1791 : memref<1x50x64xf32, #tpu.memory_space<hbm>> -> memref<50x64xf32, #tpu.memory_space<hbm>>
      %dma_start3A_1793 = arith.constant 450 : i32
      %dma_start3A_1794 = arith.constant 0 : i32
      %dma_start3A_1795 = tpu.memref_slice %arg7[%dma_start3A_1793, %dma_start3A_1794] : memref<800x64xf32, #tpu.memory_space<vmem>> -> memref<50x64xf32, #tpu.memory_space<vmem>>
      tpu.enqueue_dma source(%dma_start3A_1795 : memref<50x64xf32, #tpu.memory_space<vmem>>) target(%dma_start3A_1792 : memref<50x64xf32, #tpu.memory_space<hbm>>) target_semaphore(%arg11 : memref<!tpu.dma_semaphore, #tpu.memory_space<semaphore_mem>>)
      %mul3A_1796 = arith.constant 16 : i32
      %mul3A_1797 = arith.muli %add3A_1600, %mul3A_1796 : i32
      %add3A_1798 = arith.addi %mul3A_4, %mul3A_1797 : i32
      %add3A_1799 = arith.constant 10 : i32
      %add3A_1800 = arith.addi %add3A_1798, %add3A_1799 : i32
      %dma_start3A_1801 = arith.constant 500 : i32
      %dma_start3A_1802 = arith.constant 0 : i32
      %dma_start3A_1803 = tpu.memref_slice %arg7[%dma_start3A_1801, %dma_start3A_1802] : memref<800x64xf32, #tpu.memory_space<vmem>> -> memref<50x64xf32, #tpu.memory_space<vmem>>
      %dma_start3A_1804 = arith.constant 0 : i32
      %dma_start3A_1805 = arith.constant 0 : i32
      %dma_start3A_1806 = tpu.memref_slice %arg4[%add3A_1800, %dma_start3A_1804, %dma_start3A_1805] : memref<4096x56x128xf32, #tpu.memory_space<hbm>> -> memref<1x50x64xf32, #tpu.memory_space<hbm>>
      %dma_start3A_1807 = tpu.memref_squeeze %dma_start3A_1806 : memref<1x50x64xf32, #tpu.memory_space<hbm>> -> memref<50x64xf32, #tpu.memory_space<hbm>>
      %dma_start3A_1808 = arith.constant 0 : i32
      %dma_start3A_1809 = arith.constant 0 : i32
      %dma_start3A_1810 = tpu.memref_slice %arg4[%add3A_1800, %dma_start3A_1808, %dma_start3A_1809] : memref<4096x56x128xf32, #tpu.memory_space<hbm>> -> memref<1x50x64xf32, #tpu.memory_space<hbm>>
      %dma_start3A_1811 = tpu.memref_squeeze %dma_start3A_1810 : memref<1x50x64xf32, #tpu.memory_space<hbm>> -> memref<50x64xf32, #tpu.memory_space<hbm>>
      %dma_start3A_1812 = arith.constant 500 : i32
      %dma_start3A_1813 = arith.constant 0 : i32
      %dma_start3A_1814 = tpu.memref_slice %arg7[%dma_start3A_1812, %dma_start3A_1813] : memref<800x64xf32, #tpu.memory_space<vmem>> -> memref<50x64xf32, #tpu.memory_space<vmem>>
      tpu.enqueue_dma source(%dma_start3A_1814 : memref<50x64xf32, #tpu.memory_space<vmem>>) target(%dma_start3A_1811 : memref<50x64xf32, #tpu.memory_space<hbm>>) target_semaphore(%arg11 : memref<!tpu.dma_semaphore, #tpu.memory_space<semaphore_mem>>)
      %mul3A_1815 = arith.constant 16 : i32
      %mul3A_1816 = arith.muli %add3A_1600, %mul3A_1815 : i32
      %add3A_1817 = arith.addi %mul3A_4, %mul3A_1816 : i32
      %add3A_1818 = arith.constant 11 : i32
      %add3A_1819 = arith.addi %add3A_1817, %add3A_1818 : i32
      %dma_start3A_1820 = arith.constant 550 : i32
      %dma_start3A_1821 = arith.constant 0 : i32
      %dma_start3A_1822 = tpu.memref_slice %arg7[%dma_start3A_1820, %dma_start3A_1821] : memref<800x64xf32, #tpu.memory_space<vmem>> -> memref<50x64xf32, #tpu.memory_space<vmem>>
      %dma_start3A_1823 = arith.constant 0 : i32
      %dma_start3A_1824 = arith.constant 0 : i32
      %dma_start3A_1825 = tpu.memref_slice %arg4[%add3A_1819, %dma_start3A_1823, %dma_start3A_1824] : memref<4096x56x128xf32, #tpu.memory_space<hbm>> -> memref<1x50x64xf32, #tpu.memory_space<hbm>>
      %dma_start3A_1826 = tpu.memref_squeeze %dma_start3A_1825 : memref<1x50x64xf32, #tpu.memory_space<hbm>> -> memref<50x64xf32, #tpu.memory_space<hbm>>
      %dma_start3A_1827 = arith.constant 0 : i32
      %dma_start3A_1828 = arith.constant 0 : i32
      %dma_start3A_1829 = tpu.memref_slice %arg4[%add3A_1819, %dma_start3A_1827, %dma_start3A_1828] : memref<4096x56x128xf32, #tpu.memory_space<hbm>> -> memref<1x50x64xf32, #tpu.memory_space<hbm>>
      %dma_start3A_1830 = tpu.memref_squeeze %dma_start3A_1829 : memref<1x50x64xf32, #tpu.memory_space<hbm>> -> memref<50x64xf32, #tpu.memory_space<hbm>>
      %dma_start3A_1831 = arith.constant 550 : i32
      %dma_start3A_1832 = arith.constant 0 : i32
      %dma_start3A_1833 = tpu.memref_slice %arg7[%dma_start3A_1831, %dma_start3A_1832] : memref<800x64xf32, #tpu.memory_space<vmem>> -> memref<50x64xf32, #tpu.memory_space<vmem>>
      tpu.enqueue_dma source(%dma_start3A_1833 : memref<50x64xf32, #tpu.memory_space<vmem>>) target(%dma_start3A_1830 : memref<50x64xf32, #tpu.memory_space<hbm>>) target_semaphore(%arg11 : memref<!tpu.dma_semaphore, #tpu.memory_space<semaphore_mem>>)
      %mul3A_1834 = arith.constant 16 : i32
      %mul3A_1835 = arith.muli %add3A_1600, %mul3A_1834 : i32
      %add3A_1836 = arith.addi %mul3A_4, %mul3A_1835 : i32
      %add3A_1837 = arith.constant 12 : i32
      %add3A_1838 = arith.addi %add3A_1836, %add3A_1837 : i32
      %dma_start3A_1839 = arith.constant 600 : i32
      %dma_start3A_1840 = arith.constant 0 : i32
      %dma_start3A_1841 = tpu.memref_slice %arg7[%dma_start3A_1839, %dma_start3A_1840] : memref<800x64xf32, #tpu.memory_space<vmem>> -> memref<50x64xf32, #tpu.memory_space<vmem>>
      %dma_start3A_1842 = arith.constant 0 : i32
      %dma_start3A_1843 = arith.constant 0 : i32
      %dma_start3A_1844 = tpu.memref_slice %arg4[%add3A_1838, %dma_start3A_1842, %dma_start3A_1843] : memref<4096x56x128xf32, #tpu.memory_space<hbm>> -> memref<1x50x64xf32, #tpu.memory_space<hbm>>
      %dma_start3A_1845 = tpu.memref_squeeze %dma_start3A_1844 : memref<1x50x64xf32, #tpu.memory_space<hbm>> -> memref<50x64xf32, #tpu.memory_space<hbm>>
      %dma_start3A_1846 = arith.constant 0 : i32
      %dma_start3A_1847 = arith.constant 0 : i32
      %dma_start3A_1848 = tpu.memref_slice %arg4[%add3A_1838, %dma_start3A_1846, %dma_start3A_1847] : memref<4096x56x128xf32, #tpu.memory_space<hbm>> -> memref<1x50x64xf32, #tpu.memory_space<hbm>>
      %dma_start3A_1849 = tpu.memref_squeeze %dma_start3A_1848 : memref<1x50x64xf32, #tpu.memory_space<hbm>> -> memref<50x64xf32, #tpu.memory_space<hbm>>
      %dma_start3A_1850 = arith.constant 600 : i32
      %dma_start3A_1851 = arith.constant 0 : i32
      %dma_start3A_1852 = tpu.memref_slice %arg7[%dma_start3A_1850, %dma_start3A_1851] : memref<800x64xf32, #tpu.memory_space<vmem>> -> memref<50x64xf32, #tpu.memory_space<vmem>>
      tpu.enqueue_dma source(%dma_start3A_1852 : memref<50x64xf32, #tpu.memory_space<vmem>>) target(%dma_start3A_1849 : memref<50x64xf32, #tpu.memory_space<hbm>>) target_semaphore(%arg11 : memref<!tpu.dma_semaphore, #tpu.memory_space<semaphore_mem>>)
      %mul3A_1853 = arith.constant 16 : i32
      %mul3A_1854 = arith.muli %add3A_1600, %mul3A_1853 : i32
      %add3A_1855 = arith.addi %mul3A_4, %mul3A_1854 : i32
      %add3A_1856 = arith.constant 13 : i32
      %add3A_1857 = arith.addi %add3A_1855, %add3A_1856 : i32
      %dma_start3A_1858 = arith.constant 650 : i32
      %dma_start3A_1859 = arith.constant 0 : i32
      %dma_start3A_1860 = tpu.memref_slice %arg7[%dma_start3A_1858, %dma_start3A_1859] : memref<800x64xf32, #tpu.memory_space<vmem>> -> memref<50x64xf32, #tpu.memory_space<vmem>>
      %dma_start3A_1861 = arith.constant 0 : i32
      %dma_start3A_1862 = arith.constant 0 : i32
      %dma_start3A_1863 = tpu.memref_slice %arg4[%add3A_1857, %dma_start3A_1861, %dma_start3A_1862] : memref<4096x56x128xf32, #tpu.memory_space<hbm>> -> memref<1x50x64xf32, #tpu.memory_space<hbm>>
      %dma_start3A_1864 = tpu.memref_squeeze %dma_start3A_1863 : memref<1x50x64xf32, #tpu.memory_space<hbm>> -> memref<50x64xf32, #tpu.memory_space<hbm>>
      %dma_start3A_1865 = arith.constant 0 : i32
      %dma_start3A_1866 = arith.constant 0 : i32
      %dma_start3A_1867 = tpu.memref_slice %arg4[%add3A_1857, %dma_start3A_1865, %dma_start3A_1866] : memref<4096x56x128xf32, #tpu.memory_space<hbm>> -> memref<1x50x64xf32, #tpu.memory_space<hbm>>
      %dma_start3A_1868 = tpu.memref_squeeze %dma_start3A_1867 : memref<1x50x64xf32, #tpu.memory_space<hbm>> -> memref<50x64xf32, #tpu.memory_space<hbm>>
      %dma_start3A_1869 = arith.constant 650 : i32
      %dma_start3A_1870 = arith.constant 0 : i32
      %dma_start3A_1871 = tpu.memref_slice %arg7[%dma_start3A_1869, %dma_start3A_1870] : memref<800x64xf32, #tpu.memory_space<vmem>> -> memref<50x64xf32, #tpu.memory_space<vmem>>
      tpu.enqueue_dma source(%dma_start3A_1871 : memref<50x64xf32, #tpu.memory_space<vmem>>) target(%dma_start3A_1868 : memref<50x64xf32, #tpu.memory_space<hbm>>) target_semaphore(%arg11 : memref<!tpu.dma_semaphore, #tpu.memory_space<semaphore_mem>>)
      %mul3A_1872 = arith.constant 16 : i32
      %mul3A_1873 = arith.muli %add3A_1600, %mul3A_1872 : i32
      %add3A_1874 = arith.addi %mul3A_4, %mul3A_1873 : i32
      %add3A_1875 = arith.constant 14 : i32
      %add3A_1876 = arith.addi %add3A_1874, %add3A_1875 : i32
      %dma_start3A_1877 = arith.constant 700 : i32
      %dma_start3A_1878 = arith.constant 0 : i32
      %dma_start3A_1879 = tpu.memref_slice %arg7[%dma_start3A_1877, %dma_start3A_1878] : memref<800x64xf32, #tpu.memory_space<vmem>> -> memref<50x64xf32, #tpu.memory_space<vmem>>
      %dma_start3A_1880 = arith.constant 0 : i32
      %dma_start3A_1881 = arith.constant 0 : i32
      %dma_start3A_1882 = tpu.memref_slice %arg4[%add3A_1876, %dma_start3A_1880, %dma_start3A_1881] : memref<4096x56x128xf32, #tpu.memory_space<hbm>> -> memref<1x50x64xf32, #tpu.memory_space<hbm>>
      %dma_start3A_1883 = tpu.memref_squeeze %dma_start3A_1882 : memref<1x50x64xf32, #tpu.memory_space<hbm>> -> memref<50x64xf32, #tpu.memory_space<hbm>>
      %dma_start3A_1884 = arith.constant 0 : i32
      %dma_start3A_1885 = arith.constant 0 : i32
      %dma_start3A_1886 = tpu.memref_slice %arg4[%add3A_1876, %dma_start3A_1884, %dma_start3A_1885] : memref<4096x56x128xf32, #tpu.memory_space<hbm>> -> memref<1x50x64xf32, #tpu.memory_space<hbm>>
      %dma_start3A_1887 = tpu.memref_squeeze %dma_start3A_1886 : memref<1x50x64xf32, #tpu.memory_space<hbm>> -> memref<50x64xf32, #tpu.memory_space<hbm>>
      %dma_start3A_1888 = arith.constant 700 : i32
      %dma_start3A_1889 = arith.constant 0 : i32
      %dma_start3A_1890 = tpu.memref_slice %arg7[%dma_start3A_1888, %dma_start3A_1889] : memref<800x64xf32, #tpu.memory_space<vmem>> -> memref<50x64xf32, #tpu.memory_space<vmem>>
      tpu.enqueue_dma source(%dma_start3A_1890 : memref<50x64xf32, #tpu.memory_space<vmem>>) target(%dma_start3A_1887 : memref<50x64xf32, #tpu.memory_space<hbm>>) target_semaphore(%arg11 : memref<!tpu.dma_semaphore, #tpu.memory_space<semaphore_mem>>)
      %mul3A_1891 = arith.constant 16 : i32
      %mul3A_1892 = arith.muli %add3A_1600, %mul3A_1891 : i32
      %add3A_1893 = arith.addi %mul3A_4, %mul3A_1892 : i32
      %add3A_1894 = arith.constant 15 : i32
      %add3A_1895 = arith.addi %add3A_1893, %add3A_1894 : i32
      %dma_start3A_1896 = arith.constant 750 : i32
      %dma_start3A_1897 = arith.constant 0 : i32
      %dma_start3A_1898 = tpu.memref_slice %arg7[%dma_start3A_1896, %dma_start3A_1897] : memref<800x64xf32, #tpu.memory_space<vmem>> -> memref<50x64xf32, #tpu.memory_space<vmem>>
      %dma_start3A_1899 = arith.constant 0 : i32
      %dma_start3A_1900 = arith.constant 0 : i32
      %dma_start3A_1901 = tpu.memref_slice %arg4[%add3A_1895, %dma_start3A_1899, %dma_start3A_1900] : memref<4096x56x128xf32, #tpu.memory_space<hbm>> -> memref<1x50x64xf32, #tpu.memory_space<hbm>>
      %dma_start3A_1902 = tpu.memref_squeeze %dma_start3A_1901 : memref<1x50x64xf32, #tpu.memory_space<hbm>> -> memref<50x64xf32, #tpu.memory_space<hbm>>
      %dma_start3A_1903 = arith.constant 0 : i32
      %dma_start3A_1904 = arith.constant 0 : i32
      %dma_start3A_1905 = tpu.memref_slice %arg4[%add3A_1895, %dma_start3A_1903, %dma_start3A_1904] : memref<4096x56x128xf32, #tpu.memory_space<hbm>> -> memref<1x50x64xf32, #tpu.memory_space<hbm>>
      %dma_start3A_1906 = tpu.memref_squeeze %dma_start3A_1905 : memref<1x50x64xf32, #tpu.memory_space<hbm>> -> memref<50x64xf32, #tpu.memory_space<hbm>>
      %dma_start3A_1907 = arith.constant 750 : i32
      %dma_start3A_1908 = arith.constant 0 : i32
      %dma_start3A_1909 = tpu.memref_slice %arg7[%dma_start3A_1907, %dma_start3A_1908] : memref<800x64xf32, #tpu.memory_space<vmem>> -> memref<50x64xf32, #tpu.memory_space<vmem>>
      tpu.enqueue_dma source(%dma_start3A_1909 : memref<50x64xf32, #tpu.memory_space<vmem>>) target(%dma_start3A_1906 : memref<50x64xf32, #tpu.memory_space<hbm>>) target_semaphore(%arg11 : memref<!tpu.dma_semaphore, #tpu.memory_space<semaphore_mem>>)
      %dma_wait3A_1910 = arith.constant 0 : i32
      %dma_wait3A_1911 = arith.constant 0 : i32
      %dma_wait3A_1912 = tpu.memref_slice %arg7[%dma_wait3A_1910, %dma_wait3A_1911] : memref<800x64xf32, #tpu.memory_space<vmem>> -> memref<50x64xf32, #tpu.memory_space<vmem>>
      %dma_wait3A_1913 = arith.constant 0 : i32
      %dma_wait3A_1914 = arith.constant 0 : i32
      %dma_wait3A_1915 = tpu.memref_slice %arg4[%mul3A_4, %dma_wait3A_1913, %dma_wait3A_1914] : memref<4096x56x128xf32, #tpu.memory_space<hbm>> -> memref<1x50x64xf32, #tpu.memory_space<hbm>>
      %dma_wait3A_1916 = tpu.memref_squeeze %dma_wait3A_1915 : memref<1x50x64xf32, #tpu.memory_space<hbm>> -> memref<50x64xf32, #tpu.memory_space<hbm>>
      %dma_wait3A_1917 = arith.constant 0 : i32
      %dma_wait3A_1918 = arith.constant 0 : i32
      %dma_wait3A_1919 = tpu.memref_slice %arg4[%mul3A_4, %dma_wait3A_1917, %dma_wait3A_1918] : memref<4096x56x128xf32, #tpu.memory_space<hbm>> -> memref<1x50x64xf32, #tpu.memory_space<hbm>>
      %dma_wait3A_1920 = tpu.memref_squeeze %dma_wait3A_1919 : memref<1x50x64xf32, #tpu.memory_space<hbm>> -> memref<50x64xf32, #tpu.memory_space<hbm>>
      %dma_wait3A_1921 = arith.constant 0 : i32
      %dma_wait3A_1922 = arith.constant 0 : i32
      %dma_wait3A_1923 = tpu.memref_slice %arg7[%dma_wait3A_1921, %dma_wait3A_1922] : memref<800x64xf32, #tpu.memory_space<vmem>> -> memref<50x64xf32, #tpu.memory_space<vmem>>
      tpu.wait_dma2 semaphore(%arg11 : memref<!tpu.dma_semaphore, #tpu.memory_space<semaphore_mem>>) src(%dma_wait3A_1923 : memref<50x64xf32, #tpu.memory_space<vmem>>) dst(%dma_wait3A_1920 : memref<50x64xf32, #tpu.memory_space<hbm>>)
      %dma_wait3A_1924 = arith.constant 50 : i32
      %dma_wait3A_1925 = arith.constant 0 : i32
      %dma_wait3A_1926 = tpu.memref_slice %arg7[%dma_wait3A_1924, %dma_wait3A_1925] : memref<800x64xf32, #tpu.memory_space<vmem>> -> memref<50x64xf32, #tpu.memory_space<vmem>>
      %dma_wait3A_1927 = arith.constant 0 : i32
      %dma_wait3A_1928 = arith.constant 0 : i32
      %dma_wait3A_1929 = tpu.memref_slice %arg4[%mul3A_4, %dma_wait3A_1927, %dma_wait3A_1928] : memref<4096x56x128xf32, #tpu.memory_space<hbm>> -> memref<1x50x64xf32, #tpu.memory_space<hbm>>
      %dma_wait3A_1930 = tpu.memref_squeeze %dma_wait3A_1929 : memref<1x50x64xf32, #tpu.memory_space<hbm>> -> memref<50x64xf32, #tpu.memory_space<hbm>>
      %dma_wait3A_1931 = arith.constant 0 : i32
      %dma_wait3A_1932 = arith.constant 0 : i32
      %dma_wait3A_1933 = tpu.memref_slice %arg4[%mul3A_4, %dma_wait3A_1931, %dma_wait3A_1932] : memref<4096x56x128xf32, #tpu.memory_space<hbm>> -> memref<1x50x64xf32, #tpu.memory_space<hbm>>
      %dma_wait3A_1934 = tpu.memref_squeeze %dma_wait3A_1933 : memref<1x50x64xf32, #tpu.memory_space<hbm>> -> memref<50x64xf32, #tpu.memory_space<hbm>>
      %dma_wait3A_1935 = arith.constant 50 : i32
      %dma_wait3A_1936 = arith.constant 0 : i32
      %dma_wait3A_1937 = tpu.memref_slice %arg7[%dma_wait3A_1935, %dma_wait3A_1936] : memref<800x64xf32, #tpu.memory_space<vmem>> -> memref<50x64xf32, #tpu.memory_space<vmem>>
      tpu.wait_dma2 semaphore(%arg11 : memref<!tpu.dma_semaphore, #tpu.memory_space<semaphore_mem>>) src(%dma_wait3A_1937 : memref<50x64xf32, #tpu.memory_space<vmem>>) dst(%dma_wait3A_1934 : memref<50x64xf32, #tpu.memory_space<hbm>>)
      %dma_wait3A_1938 = arith.constant 100 : i32
      %dma_wait3A_1939 = arith.constant 0 : i32
      %dma_wait3A_1940 = tpu.memref_slice %arg7[%dma_wait3A_1938, %dma_wait3A_1939] : memref<800x64xf32, #tpu.memory_space<vmem>> -> memref<50x64xf32, #tpu.memory_space<vmem>>
      %dma_wait3A_1941 = arith.constant 0 : i32
      %dma_wait3A_1942 = arith.constant 0 : i32
      %dma_wait3A_1943 = tpu.memref_slice %arg4[%mul3A_4, %dma_wait3A_1941, %dma_wait3A_1942] : memref<4096x56x128xf32, #tpu.memory_space<hbm>> -> memref<1x50x64xf32, #tpu.memory_space<hbm>>
      %dma_wait3A_1944 = tpu.memref_squeeze %dma_wait3A_1943 : memref<1x50x64xf32, #tpu.memory_space<hbm>> -> memref<50x64xf32, #tpu.memory_space<hbm>>
      %dma_wait3A_1945 = arith.constant 0 : i32
      %dma_wait3A_1946 = arith.constant 0 : i32
      %dma_wait3A_1947 = tpu.memref_slice %arg4[%mul3A_4, %dma_wait3A_1945, %dma_wait3A_1946] : memref<4096x56x128xf32, #tpu.memory_space<hbm>> -> memref<1x50x64xf32, #tpu.memory_space<hbm>>
      %dma_wait3A_1948 = tpu.memref_squeeze %dma_wait3A_1947 : memref<1x50x64xf32, #tpu.memory_space<hbm>> -> memref<50x64xf32, #tpu.memory_space<hbm>>
      %dma_wait3A_1949 = arith.constant 100 : i32
      %dma_wait3A_1950 = arith.constant 0 : i32
      %dma_wait3A_1951 = tpu.memref_slice %arg7[%dma_wait3A_1949, %dma_wait3A_1950] : memref<800x64xf32, #tpu.memory_space<vmem>> -> memref<50x64xf32, #tpu.memory_space<vmem>>
      tpu.wait_dma2 semaphore(%arg11 : memref<!tpu.dma_semaphore, #tpu.memory_space<semaphore_mem>>) src(%dma_wait3A_1951 : memref<50x64xf32, #tpu.memory_space<vmem>>) dst(%dma_wait3A_1948 : memref<50x64xf32, #tpu.memory_space<hbm>>)
      %dma_wait3A_1952 = arith.constant 150 : i32
      %dma_wait3A_1953 = arith.constant 0 : i32
      %dma_wait3A_1954 = tpu.memref_slice %arg7[%dma_wait3A_1952, %dma_wait3A_1953] : memref<800x64xf32, #tpu.memory_space<vmem>> -> memref<50x64xf32, #tpu.memory_space<vmem>>
      %dma_wait3A_1955 = arith.constant 0 : i32
      %dma_wait3A_1956 = arith.constant 0 : i32
      %dma_wait3A_1957 = tpu.memref_slice %arg4[%mul3A_4, %dma_wait3A_1955, %dma_wait3A_1956] : memref<4096x56x128xf32, #tpu.memory_space<hbm>> -> memref<1x50x64xf32, #tpu.memory_space<hbm>>
      %dma_wait3A_1958 = tpu.memref_squeeze %dma_wait3A_1957 : memref<1x50x64xf32, #tpu.memory_space<hbm>> -> memref<50x64xf32, #tpu.memory_space<hbm>>
      %dma_wait3A_1959 = arith.constant 0 : i32
      %dma_wait3A_1960 = arith.constant 0 : i32
      %dma_wait3A_1961 = tpu.memref_slice %arg4[%mul3A_4, %dma_wait3A_1959, %dma_wait3A_1960] : memref<4096x56x128xf32, #tpu.memory_space<hbm>> -> memref<1x50x64xf32, #tpu.memory_space<hbm>>
      %dma_wait3A_1962 = tpu.memref_squeeze %dma_wait3A_1961 : memref<1x50x64xf32, #tpu.memory_space<hbm>> -> memref<50x64xf32, #tpu.memory_space<hbm>>
      %dma_wait3A_1963 = arith.constant 150 : i32
      %dma_wait3A_1964 = arith.constant 0 : i32
      %dma_wait3A_1965 = tpu.memref_slice %arg7[%dma_wait3A_1963, %dma_wait3A_1964] : memref<800x64xf32, #tpu.memory_space<vmem>> -> memref<50x64xf32, #tpu.memory_space<vmem>>
      tpu.wait_dma2 semaphore(%arg11 : memref<!tpu.dma_semaphore, #tpu.memory_space<semaphore_mem>>) src(%dma_wait3A_1965 : memref<50x64xf32, #tpu.memory_space<vmem>>) dst(%dma_wait3A_1962 : memref<50x64xf32, #tpu.memory_space<hbm>>)
      %dma_wait3A_1966 = arith.constant 200 : i32
      %dma_wait3A_1967 = arith.constant 0 : i32
      %dma_wait3A_1968 = tpu.memref_slice %arg7[%dma_wait3A_1966, %dma_wait3A_1967] : memref<800x64xf32, #tpu.memory_space<vmem>> -> memref<50x64xf32, #tpu.memory_space<vmem>>
      %dma_wait3A_1969 = arith.constant 0 : i32
      %dma_wait3A_1970 = arith.constant 0 : i32
      %dma_wait3A_1971 = tpu.memref_slice %arg4[%mul3A_4, %dma_wait3A_1969, %dma_wait3A_1970] : memref<4096x56x128xf32, #tpu.memory_space<hbm>> -> memref<1x50x64xf32, #tpu.memory_space<hbm>>
      %dma_wait3A_1972 = tpu.memref_squeeze %dma_wait3A_1971 : memref<1x50x64xf32, #tpu.memory_space<hbm>> -> memref<50x64xf32, #tpu.memory_space<hbm>>
      %dma_wait3A_1973 = arith.constant 0 : i32
      %dma_wait3A_1974 = arith.constant 0 : i32
      %dma_wait3A_1975 = tpu.memref_slice %arg4[%mul3A_4, %dma_wait3A_1973, %dma_wait3A_1974] : memref<4096x56x128xf32, #tpu.memory_space<hbm>> -> memref<1x50x64xf32, #tpu.memory_space<hbm>>
      %dma_wait3A_1976 = tpu.memref_squeeze %dma_wait3A_1975 : memref<1x50x64xf32, #tpu.memory_space<hbm>> -> memref<50x64xf32, #tpu.memory_space<hbm>>
      %dma_wait3A_1977 = arith.constant 200 : i32
      %dma_wait3A_1978 = arith.constant 0 : i32
      %dma_wait3A_1979 = tpu.memref_slice %arg7[%dma_wait3A_1977, %dma_wait3A_1978] : memref<800x64xf32, #tpu.memory_space<vmem>> -> memref<50x64xf32, #tpu.memory_space<vmem>>
      tpu.wait_dma2 semaphore(%arg11 : memref<!tpu.dma_semaphore, #tpu.memory_space<semaphore_mem>>) src(%dma_wait3A_1979 : memref<50x64xf32, #tpu.memory_space<vmem>>) dst(%dma_wait3A_1976 : memref<50x64xf32, #tpu.memory_space<hbm>>)
      %dma_wait3A_1980 = arith.constant 250 : i32
      %dma_wait3A_1981 = arith.constant 0 : i32
      %dma_wait3A_1982 = tpu.memref_slice %arg7[%dma_wait3A_1980, %dma_wait3A_1981] : memref<800x64xf32, #tpu.memory_space<vmem>> -> memref<50x64xf32, #tpu.memory_space<vmem>>
      %dma_wait3A_1983 = arith.constant 0 : i32
      %dma_wait3A_1984 = arith.constant 0 : i32
      %dma_wait3A_1985 = tpu.memref_slice %arg4[%mul3A_4, %dma_wait3A_1983, %dma_wait3A_1984] : memref<4096x56x128xf32, #tpu.memory_space<hbm>> -> memref<1x50x64xf32, #tpu.memory_space<hbm>>
      %dma_wait3A_1986 = tpu.memref_squeeze %dma_wait3A_1985 : memref<1x50x64xf32, #tpu.memory_space<hbm>> -> memref<50x64xf32, #tpu.memory_space<hbm>>
      %dma_wait3A_1987 = arith.constant 0 : i32
      %dma_wait3A_1988 = arith.constant 0 : i32
      %dma_wait3A_1989 = tpu.memref_slice %arg4[%mul3A_4, %dma_wait3A_1987, %dma_wait3A_1988] : memref<4096x56x128xf32, #tpu.memory_space<hbm>> -> memref<1x50x64xf32, #tpu.memory_space<hbm>>
      %dma_wait3A_1990 = tpu.memref_squeeze %dma_wait3A_1989 : memref<1x50x64xf32, #tpu.memory_space<hbm>> -> memref<50x64xf32, #tpu.memory_space<hbm>>
      %dma_wait3A_1991 = arith.constant 250 : i32
      %dma_wait3A_1992 = arith.constant 0 : i32
      %dma_wait3A_1993 = tpu.memref_slice %arg7[%dma_wait3A_1991, %dma_wait3A_1992] : memref<800x64xf32, #tpu.memory_space<vmem>> -> memref<50x64xf32, #tpu.memory_space<vmem>>
      tpu.wait_dma2 semaphore(%arg11 : memref<!tpu.dma_semaphore, #tpu.memory_space<semaphore_mem>>) src(%dma_wait3A_1993 : memref<50x64xf32, #tpu.memory_space<vmem>>) dst(%dma_wait3A_1990 : memref<50x64xf32, #tpu.memory_space<hbm>>)
      %dma_wait3A_1994 = arith.constant 300 : i32
      %dma_wait3A_1995 = arith.constant 0 : i32
      %dma_wait3A_1996 = tpu.memref_slice %arg7[%dma_wait3A_1994, %dma_wait3A_1995] : memref<800x64xf32, #tpu.memory_space<vmem>> -> memref<50x64xf32, #tpu.memory_space<vmem>>
      %dma_wait3A_1997 = arith.constant 0 : i32
      %dma_wait3A_1998 = arith.constant 0 : i32
      %dma_wait3A_1999 = tpu.memref_slice %arg4[%mul3A_4, %dma_wait3A_1997, %dma_wait3A_1998] : memref<4096x56x128xf32, #tpu.memory_space<hbm>> -> memref<1x50x64xf32, #tpu.memory_space<hbm>>
      %dma_wait3A_2000 = tpu.memref_squeeze %dma_wait3A_1999 : memref<1x50x64xf32, #tpu.memory_space<hbm>> -> memref<50x64xf32, #tpu.memory_space<hbm>>
      %dma_wait3A_2001 = arith.constant 0 : i32
      %dma_wait3A_2002 = arith.constant 0 : i32
      %dma_wait3A_2003 = tpu.memref_slice %arg4[%mul3A_4, %dma_wait3A_2001, %dma_wait3A_2002] : memref<4096x56x128xf32, #tpu.memory_space<hbm>> -> memref<1x50x64xf32, #tpu.memory_space<hbm>>
      %dma_wait3A_2004 = tpu.memref_squeeze %dma_wait3A_2003 : memref<1x50x64xf32, #tpu.memory_space<hbm>> -> memref<50x64xf32, #tpu.memory_space<hbm>>
      %dma_wait3A_2005 = arith.constant 300 : i32
      %dma_wait3A_2006 = arith.constant 0 : i32
      %dma_wait3A_2007 = tpu.memref_slice %arg7[%dma_wait3A_2005, %dma_wait3A_2006] : memref<800x64xf32, #tpu.memory_space<vmem>> -> memref<50x64xf32, #tpu.memory_space<vmem>>
      tpu.wait_dma2 semaphore(%arg11 : memref<!tpu.dma_semaphore, #tpu.memory_space<semaphore_mem>>) src(%dma_wait3A_2007 : memref<50x64xf32, #tpu.memory_space<vmem>>) dst(%dma_wait3A_2004 : memref<50x64xf32, #tpu.memory_space<hbm>>)
      %dma_wait3A_2008 = arith.constant 350 : i32
      %dma_wait3A_2009 = arith.constant 0 : i32
      %dma_wait3A_2010 = tpu.memref_slice %arg7[%dma_wait3A_2008, %dma_wait3A_2009] : memref<800x64xf32, #tpu.memory_space<vmem>> -> memref<50x64xf32, #tpu.memory_space<vmem>>
      %dma_wait3A_2011 = arith.constant 0 : i32
      %dma_wait3A_2012 = arith.constant 0 : i32
      %dma_wait3A_2013 = tpu.memref_slice %arg4[%mul3A_4, %dma_wait3A_2011, %dma_wait3A_2012] : memref<4096x56x128xf32, #tpu.memory_space<hbm>> -> memref<1x50x64xf32, #tpu.memory_space<hbm>>
      %dma_wait3A_2014 = tpu.memref_squeeze %dma_wait3A_2013 : memref<1x50x64xf32, #tpu.memory_space<hbm>> -> memref<50x64xf32, #tpu.memory_space<hbm>>
      %dma_wait3A_2015 = arith.constant 0 : i32
      %dma_wait3A_2016 = arith.constant 0 : i32
      %dma_wait3A_2017 = tpu.memref_slice %arg4[%mul3A_4, %dma_wait3A_2015, %dma_wait3A_2016] : memref<4096x56x128xf32, #tpu.memory_space<hbm>> -> memref<1x50x64xf32, #tpu.memory_space<hbm>>
      %dma_wait3A_2018 = tpu.memref_squeeze %dma_wait3A_2017 : memref<1x50x64xf32, #tpu.memory_space<hbm>> -> memref<50x64xf32, #tpu.memory_space<hbm>>
      %dma_wait3A_2019 = arith.constant 350 : i32
      %dma_wait3A_2020 = arith.constant 0 : i32
      %dma_wait3A_2021 = tpu.memref_slice %arg7[%dma_wait3A_2019, %dma_wait3A_2020] : memref<800x64xf32, #tpu.memory_space<vmem>> -> memref<50x64xf32, #tpu.memory_space<vmem>>
      tpu.wait_dma2 semaphore(%arg11 : memref<!tpu.dma_semaphore, #tpu.memory_space<semaphore_mem>>) src(%dma_wait3A_2021 : memref<50x64xf32, #tpu.memory_space<vmem>>) dst(%dma_wait3A_2018 : memref<50x64xf32, #tpu.memory_space<hbm>>)
      %dma_wait3A_2022 = arith.constant 400 : i32
      %dma_wait3A_2023 = arith.constant 0 : i32
      %dma_wait3A_2024 = tpu.memref_slice %arg7[%dma_wait3A_2022, %dma_wait3A_2023] : memref<800x64xf32, #tpu.memory_space<vmem>> -> memref<50x64xf32, #tpu.memory_space<vmem>>
      %dma_wait3A_2025 = arith.constant 0 : i32
      %dma_wait3A_2026 = arith.constant 0 : i32
      %dma_wait3A_2027 = tpu.memref_slice %arg4[%mul3A_4, %dma_wait3A_2025, %dma_wait3A_2026] : memref<4096x56x128xf32, #tpu.memory_space<hbm>> -> memref<1x50x64xf32, #tpu.memory_space<hbm>>
      %dma_wait3A_2028 = tpu.memref_squeeze %dma_wait3A_2027 : memref<1x50x64xf32, #tpu.memory_space<hbm>> -> memref<50x64xf32, #tpu.memory_space<hbm>>
      %dma_wait3A_2029 = arith.constant 0 : i32
      %dma_wait3A_2030 = arith.constant 0 : i32
      %dma_wait3A_2031 = tpu.memref_slice %arg4[%mul3A_4, %dma_wait3A_2029, %dma_wait3A_2030] : memref<4096x56x128xf32, #tpu.memory_space<hbm>> -> memref<1x50x64xf32, #tpu.memory_space<hbm>>
      %dma_wait3A_2032 = tpu.memref_squeeze %dma_wait3A_2031 : memref<1x50x64xf32, #tpu.memory_space<hbm>> -> memref<50x64xf32, #tpu.memory_space<hbm>>
      %dma_wait3A_2033 = arith.constant 400 : i32
      %dma_wait3A_2034 = arith.constant 0 : i32
      %dma_wait3A_2035 = tpu.memref_slice %arg7[%dma_wait3A_2033, %dma_wait3A_2034] : memref<800x64xf32, #tpu.memory_space<vmem>> -> memref<50x64xf32, #tpu.memory_space<vmem>>
      tpu.wait_dma2 semaphore(%arg11 : memref<!tpu.dma_semaphore, #tpu.memory_space<semaphore_mem>>) src(%dma_wait3A_2035 : memref<50x64xf32, #tpu.memory_space<vmem>>) dst(%dma_wait3A_2032 : memref<50x64xf32, #tpu.memory_space<hbm>>)
      %dma_wait3A_2036 = arith.constant 450 : i32
      %dma_wait3A_2037 = arith.constant 0 : i32
      %dma_wait3A_2038 = tpu.memref_slice %arg7[%dma_wait3A_2036, %dma_wait3A_2037] : memref<800x64xf32, #tpu.memory_space<vmem>> -> memref<50x64xf32, #tpu.memory_space<vmem>>
      %dma_wait3A_2039 = arith.constant 0 : i32
      %dma_wait3A_2040 = arith.constant 0 : i32
      %dma_wait3A_2041 = tpu.memref_slice %arg4[%mul3A_4, %dma_wait3A_2039, %dma_wait3A_2040] : memref<4096x56x128xf32, #tpu.memory_space<hbm>> -> memref<1x50x64xf32, #tpu.memory_space<hbm>>
      %dma_wait3A_2042 = tpu.memref_squeeze %dma_wait3A_2041 : memref<1x50x64xf32, #tpu.memory_space<hbm>> -> memref<50x64xf32, #tpu.memory_space<hbm>>
      %dma_wait3A_2043 = arith.constant 0 : i32
      %dma_wait3A_2044 = arith.constant 0 : i32
      %dma_wait3A_2045 = tpu.memref_slice %arg4[%mul3A_4, %dma_wait3A_2043, %dma_wait3A_2044] : memref<4096x56x128xf32, #tpu.memory_space<hbm>> -> memref<1x50x64xf32, #tpu.memory_space<hbm>>
      %dma_wait3A_2046 = tpu.memref_squeeze %dma_wait3A_2045 : memref<1x50x64xf32, #tpu.memory_space<hbm>> -> memref<50x64xf32, #tpu.memory_space<hbm>>
      %dma_wait3A_2047 = arith.constant 450 : i32
      %dma_wait3A_2048 = arith.constant 0 : i32
      %dma_wait3A_2049 = tpu.memref_slice %arg7[%dma_wait3A_2047, %dma_wait3A_2048] : memref<800x64xf32, #tpu.memory_space<vmem>> -> memref<50x64xf32, #tpu.memory_space<vmem>>
      tpu.wait_dma2 semaphore(%arg11 : memref<!tpu.dma_semaphore, #tpu.memory_space<semaphore_mem>>) src(%dma_wait3A_2049 : memref<50x64xf32, #tpu.memory_space<vmem>>) dst(%dma_wait3A_2046 : memref<50x64xf32, #tpu.memory_space<hbm>>)
      %dma_wait3A_2050 = arith.constant 500 : i32
      %dma_wait3A_2051 = arith.constant 0 : i32
      %dma_wait3A_2052 = tpu.memref_slice %arg7[%dma_wait3A_2050, %dma_wait3A_2051] : memref<800x64xf32, #tpu.memory_space<vmem>> -> memref<50x64xf32, #tpu.memory_space<vmem>>
      %dma_wait3A_2053 = arith.constant 0 : i32
      %dma_wait3A_2054 = arith.constant 0 : i32
      %dma_wait3A_2055 = tpu.memref_slice %arg4[%mul3A_4, %dma_wait3A_2053, %dma_wait3A_2054] : memref<4096x56x128xf32, #tpu.memory_space<hbm>> -> memref<1x50x64xf32, #tpu.memory_space<hbm>>
      %dma_wait3A_2056 = tpu.memref_squeeze %dma_wait3A_2055 : memref<1x50x64xf32, #tpu.memory_space<hbm>> -> memref<50x64xf32, #tpu.memory_space<hbm>>
      %dma_wait3A_2057 = arith.constant 0 : i32
      %dma_wait3A_2058 = arith.constant 0 : i32
      %dma_wait3A_2059 = tpu.memref_slice %arg4[%mul3A_4, %dma_wait3A_2057, %dma_wait3A_2058] : memref<4096x56x128xf32, #tpu.memory_space<hbm>> -> memref<1x50x64xf32, #tpu.memory_space<hbm>>
      %dma_wait3A_2060 = tpu.memref_squeeze %dma_wait3A_2059 : memref<1x50x64xf32, #tpu.memory_space<hbm>> -> memref<50x64xf32, #tpu.memory_space<hbm>>
      %dma_wait3A_2061 = arith.constant 500 : i32
      %dma_wait3A_2062 = arith.constant 0 : i32
      %dma_wait3A_2063 = tpu.memref_slice %arg7[%dma_wait3A_2061, %dma_wait3A_2062] : memref<800x64xf32, #tpu.memory_space<vmem>> -> memref<50x64xf32, #tpu.memory_space<vmem>>
      tpu.wait_dma2 semaphore(%arg11 : memref<!tpu.dma_semaphore, #tpu.memory_space<semaphore_mem>>) src(%dma_wait3A_2063 : memref<50x64xf32, #tpu.memory_space<vmem>>) dst(%dma_wait3A_2060 : memref<50x64xf32, #tpu.memory_space<hbm>>)
      %dma_wait3A_2064 = arith.constant 550 : i32
      %dma_wait3A_2065 = arith.constant 0 : i32
      %dma_wait3A_2066 = tpu.memref_slice %arg7[%dma_wait3A_2064, %dma_wait3A_2065] : memref<800x64xf32, #tpu.memory_space<vmem>> -> memref<50x64xf32, #tpu.memory_space<vmem>>
      %dma_wait3A_2067 = arith.constant 0 : i32
      %dma_wait3A_2068 = arith.constant 0 : i32
      %dma_wait3A_2069 = tpu.memref_slice %arg4[%mul3A_4, %dma_wait3A_2067, %dma_wait3A_2068] : memref<4096x56x128xf32, #tpu.memory_space<hbm>> -> memref<1x50x64xf32, #tpu.memory_space<hbm>>
      %dma_wait3A_2070 = tpu.memref_squeeze %dma_wait3A_2069 : memref<1x50x64xf32, #tpu.memory_space<hbm>> -> memref<50x64xf32, #tpu.memory_space<hbm>>
      %dma_wait3A_2071 = arith.constant 0 : i32
      %dma_wait3A_2072 = arith.constant 0 : i32
      %dma_wait3A_2073 = tpu.memref_slice %arg4[%mul3A_4, %dma_wait3A_2071, %dma_wait3A_2072] : memref<4096x56x128xf32, #tpu.memory_space<hbm>> -> memref<1x50x64xf32, #tpu.memory_space<hbm>>
      %dma_wait3A_2074 = tpu.memref_squeeze %dma_wait3A_2073 : memref<1x50x64xf32, #tpu.memory_space<hbm>> -> memref<50x64xf32, #tpu.memory_space<hbm>>
      %dma_wait3A_2075 = arith.constant 550 : i32
      %dma_wait3A_2076 = arith.constant 0 : i32
      %dma_wait3A_2077 = tpu.memref_slice %arg7[%dma_wait3A_2075, %dma_wait3A_2076] : memref<800x64xf32, #tpu.memory_space<vmem>> -> memref<50x64xf32, #tpu.memory_space<vmem>>
      tpu.wait_dma2 semaphore(%arg11 : memref<!tpu.dma_semaphore, #tpu.memory_space<semaphore_mem>>) src(%dma_wait3A_2077 : memref<50x64xf32, #tpu.memory_space<vmem>>) dst(%dma_wait3A_2074 : memref<50x64xf32, #tpu.memory_space<hbm>>)
      %dma_wait3A_2078 = arith.constant 600 : i32
      %dma_wait3A_2079 = arith.constant 0 : i32
      %dma_wait3A_2080 = tpu.memref_slice %arg7[%dma_wait3A_2078, %dma_wait3A_2079] : memref<800x64xf32, #tpu.memory_space<vmem>> -> memref<50x64xf32, #tpu.memory_space<vmem>>
      %dma_wait3A_2081 = arith.constant 0 : i32
      %dma_wait3A_2082 = arith.constant 0 : i32
      %dma_wait3A_2083 = tpu.memref_slice %arg4[%mul3A_4, %dma_wait3A_2081, %dma_wait3A_2082] : memref<4096x56x128xf32, #tpu.memory_space<hbm>> -> memref<1x50x64xf32, #tpu.memory_space<hbm>>
      %dma_wait3A_2084 = tpu.memref_squeeze %dma_wait3A_2083 : memref<1x50x64xf32, #tpu.memory_space<hbm>> -> memref<50x64xf32, #tpu.memory_space<hbm>>
      %dma_wait3A_2085 = arith.constant 0 : i32
      %dma_wait3A_2086 = arith.constant 0 : i32
      %dma_wait3A_2087 = tpu.memref_slice %arg4[%mul3A_4, %dma_wait3A_2085, %dma_wait3A_2086] : memref<4096x56x128xf32, #tpu.memory_space<hbm>> -> memref<1x50x64xf32, #tpu.memory_space<hbm>>
      %dma_wait3A_2088 = tpu.memref_squeeze %dma_wait3A_2087 : memref<1x50x64xf32, #tpu.memory_space<hbm>> -> memref<50x64xf32, #tpu.memory_space<hbm>>
      %dma_wait3A_2089 = arith.constant 600 : i32
      %dma_wait3A_2090 = arith.constant 0 : i32
      %dma_wait3A_2091 = tpu.memref_slice %arg7[%dma_wait3A_2089, %dma_wait3A_2090] : memref<800x64xf32, #tpu.memory_space<vmem>> -> memref<50x64xf32, #tpu.memory_space<vmem>>
      tpu.wait_dma2 semaphore(%arg11 : memref<!tpu.dma_semaphore, #tpu.memory_space<semaphore_mem>>) src(%dma_wait3A_2091 : memref<50x64xf32, #tpu.memory_space<vmem>>) dst(%dma_wait3A_2088 : memref<50x64xf32, #tpu.memory_space<hbm>>)
      %dma_wait3A_2092 = arith.constant 650 : i32
      %dma_wait3A_2093 = arith.constant 0 : i32
      %dma_wait3A_2094 = tpu.memref_slice %arg7[%dma_wait3A_2092, %dma_wait3A_2093] : memref<800x64xf32, #tpu.memory_space<vmem>> -> memref<50x64xf32, #tpu.memory_space<vmem>>
      %dma_wait3A_2095 = arith.constant 0 : i32
      %dma_wait3A_2096 = arith.constant 0 : i32
      %dma_wait3A_2097 = tpu.memref_slice %arg4[%mul3A_4, %dma_wait3A_2095, %dma_wait3A_2096] : memref<4096x56x128xf32, #tpu.memory_space<hbm>> -> memref<1x50x64xf32, #tpu.memory_space<hbm>>
      %dma_wait3A_2098 = tpu.memref_squeeze %dma_wait3A_2097 : memref<1x50x64xf32, #tpu.memory_space<hbm>> -> memref<50x64xf32, #tpu.memory_space<hbm>>
      %dma_wait3A_2099 = arith.constant 0 : i32
      %dma_wait3A_2100 = arith.constant 0 : i32
      %dma_wait3A_2101 = tpu.memref_slice %arg4[%mul3A_4, %dma_wait3A_2099, %dma_wait3A_2100] : memref<4096x56x128xf32, #tpu.memory_space<hbm>> -> memref<1x50x64xf32, #tpu.memory_space<hbm>>
      %dma_wait3A_2102 = tpu.memref_squeeze %dma_wait3A_2101 : memref<1x50x64xf32, #tpu.memory_space<hbm>> -> memref<50x64xf32, #tpu.memory_space<hbm>>
      %dma_wait3A_2103 = arith.constant 650 : i32
      %dma_wait3A_2104 = arith.constant 0 : i32
      %dma_wait3A_2105 = tpu.memref_slice %arg7[%dma_wait3A_2103, %dma_wait3A_2104] : memref<800x64xf32, #tpu.memory_space<vmem>> -> memref<50x64xf32, #tpu.memory_space<vmem>>
      tpu.wait_dma2 semaphore(%arg11 : memref<!tpu.dma_semaphore, #tpu.memory_space<semaphore_mem>>) src(%dma_wait3A_2105 : memref<50x64xf32, #tpu.memory_space<vmem>>) dst(%dma_wait3A_2102 : memref<50x64xf32, #tpu.memory_space<hbm>>)
      %dma_wait3A_2106 = arith.constant 700 : i32
      %dma_wait3A_2107 = arith.constant 0 : i32
      %dma_wait3A_2108 = tpu.memref_slice %arg7[%dma_wait3A_2106, %dma_wait3A_2107] : memref<800x64xf32, #tpu.memory_space<vmem>> -> memref<50x64xf32, #tpu.memory_space<vmem>>
      %dma_wait3A_2109 = arith.constant 0 : i32
      %dma_wait3A_2110 = arith.constant 0 : i32
      %dma_wait3A_2111 = tpu.memref_slice %arg4[%mul3A_4, %dma_wait3A_2109, %dma_wait3A_2110] : memref<4096x56x128xf32, #tpu.memory_space<hbm>> -> memref<1x50x64xf32, #tpu.memory_space<hbm>>
      %dma_wait3A_2112 = tpu.memref_squeeze %dma_wait3A_2111 : memref<1x50x64xf32, #tpu.memory_space<hbm>> -> memref<50x64xf32, #tpu.memory_space<hbm>>
      %dma_wait3A_2113 = arith.constant 0 : i32
      %dma_wait3A_2114 = arith.constant 0 : i32
      %dma_wait3A_2115 = tpu.memref_slice %arg4[%mul3A_4, %dma_wait3A_2113, %dma_wait3A_2114] : memref<4096x56x128xf32, #tpu.memory_space<hbm>> -> memref<1x50x64xf32, #tpu.memory_space<hbm>>
      %dma_wait3A_2116 = tpu.memref_squeeze %dma_wait3A_2115 : memref<1x50x64xf32, #tpu.memory_space<hbm>> -> memref<50x64xf32, #tpu.memory_space<hbm>>
      %dma_wait3A_2117 = arith.constant 700 : i32
      %dma_wait3A_2118 = arith.constant 0 : i32
      %dma_wait3A_2119 = tpu.memref_slice %arg7[%dma_wait3A_2117, %dma_wait3A_2118] : memref<800x64xf32, #tpu.memory_space<vmem>> -> memref<50x64xf32, #tpu.memory_space<vmem>>
      tpu.wait_dma2 semaphore(%arg11 : memref<!tpu.dma_semaphore, #tpu.memory_space<semaphore_mem>>) src(%dma_wait3A_2119 : memref<50x64xf32, #tpu.memory_space<vmem>>) dst(%dma_wait3A_2116 : memref<50x64xf32, #tpu.memory_space<hbm>>)
      %dma_wait3A_2120 = arith.constant 750 : i32
      %dma_wait3A_2121 = arith.constant 0 : i32
      %dma_wait3A_2122 = tpu.memref_slice %arg7[%dma_wait3A_2120, %dma_wait3A_2121] : memref<800x64xf32, #tpu.memory_space<vmem>> -> memref<50x64xf32, #tpu.memory_space<vmem>>
      %dma_wait3A_2123 = arith.constant 0 : i32
      %dma_wait3A_2124 = arith.constant 0 : i32
      %dma_wait3A_2125 = tpu.memref_slice %arg4[%mul3A_4, %dma_wait3A_2123, %dma_wait3A_2124] : memref<4096x56x128xf32, #tpu.memory_space<hbm>> -> memref<1x50x64xf32, #tpu.memory_space<hbm>>
      %dma_wait3A_2126 = tpu.memref_squeeze %dma_wait3A_2125 : memref<1x50x64xf32, #tpu.memory_space<hbm>> -> memref<50x64xf32, #tpu.memory_space<hbm>>
      %dma_wait3A_2127 = arith.constant 0 : i32
      %dma_wait3A_2128 = arith.constant 0 : i32
      %dma_wait3A_2129 = tpu.memref_slice %arg4[%mul3A_4, %dma_wait3A_2127, %dma_wait3A_2128] : memref<4096x56x128xf32, #tpu.memory_space<hbm>> -> memref<1x50x64xf32, #tpu.memory_space<hbm>>
      %dma_wait3A_2130 = tpu.memref_squeeze %dma_wait3A_2129 : memref<1x50x64xf32, #tpu.memory_space<hbm>> -> memref<50x64xf32, #tpu.memory_space<hbm>>
      %dma_wait3A_2131 = arith.constant 750 : i32
      %dma_wait3A_2132 = arith.constant 0 : i32
      %dma_wait3A_2133 = tpu.memref_slice %arg7[%dma_wait3A_2131, %dma_wait3A_2132] : memref<800x64xf32, #tpu.memory_space<vmem>> -> memref<50x64xf32, #tpu.memory_space<vmem>>
      tpu.wait_dma2 semaphore(%arg11 : memref<!tpu.dma_semaphore, #tpu.memory_space<semaphore_mem>>) src(%dma_wait3A_2133 : memref<50x64xf32, #tpu.memory_space<vmem>>) dst(%dma_wait3A_2130 : memref<50x64xf32, #tpu.memory_space<hbm>>)
      %add3A_2134 = arith.constant 2 : i32
      %add3A_2135 = arith.addi %add3A_1600, %add3A_2134 : i32
      %mul3A_2136 = arith.constant 800 : i32
      %mul3A_2137 = arith.muli %add3A_2135, %mul3A_2136 : i32
      %dma_start3A_2138 = tpu.memref_slice %arg5[%mul3A_2137] : memref<6400xi32, #tpu.memory_space<vmem>> -> memref<800xi32, #tpu.memory_space<vmem>>
      %dma_start3A_2139 = arith.constant 0 : i32
      %dma_start3A_2140 = arith.constant 0 : i32
      %dma_start3A_2141 = tpu.memref_slice %arg2[%dma_start3A_2139, %dma_start3A_2140] : memref<1000000x64xf32, #tpu.memory_space<hbm>> -> memref<1000000x64xf32, #tpu.memory_space<hbm>>
      tpu.enqueue_indirect_dma source(%dma_start3A_2141 : memref<1000000x64xf32, #tpu.memory_space<hbm>>) target(%arg7 : memref<800x64xf32, #tpu.memory_space<vmem>>) offsets(%dma_start3A_2138 : memref<800xi32, #tpu.memory_space<vmem>>) semaphore(%arg9 : memref<!tpu.dma_semaphore, #tpu.memory_space<semaphore_mem>>)
    }
    %scan3A_17 = arith.constant 3 : i32
    %dma_wait3A = arith.constant 0 : i32
    %dma_wait3A_18 = tpu.memref_slice %arg5[%dma_wait3A] : memref<6400xi32, #tpu.memory_space<vmem>> -> memref<800xi32, #tpu.memory_space<vmem>>
    %dma_wait3A_19 = arith.constant 0 : i32
    %dma_wait3A_20 = arith.constant 0 : i32
    %dma_wait3A_21 = tpu.memref_slice %arg2[%dma_wait3A_19, %dma_wait3A_20] : memref<1000000x64xf32, #tpu.memory_space<hbm>> -> memref<1000000x64xf32, #tpu.memory_space<hbm>>
    tpu.wait_indirect_dma semaphore(%arg8 : memref<!tpu.dma_semaphore, #tpu.memory_space<semaphore_mem>>) src(%dma_wait3A_21 : memref<1000000x64xf32, #tpu.memory_space<hbm>>) dst(%arg6 : memref<800x64xf32, #tpu.memory_space<vmem>>)
    %add3A_22 = arith.constant 96 : i32
    %add3A_23 = arith.addi %mul3A_4, %add3A_22 : i32
    %add3A_24 = arith.constant 0 : i32
    %add3A_25 = arith.addi %add3A_23, %add3A_24 : i32
    %dma_start3A_26 = arith.constant 0 : i32
    %dma_start3A_27 = arith.constant 0 : i32
    %dma_start3A_28 = tpu.memref_slice %arg6[%dma_start3A_26, %dma_start3A_27] : memref<800x64xf32, #tpu.memory_space<vmem>> -> memref<50x64xf32, #tpu.memory_space<vmem>>
    %dma_start3A_29 = arith.constant 0 : i32
    %dma_start3A_30 = arith.constant 0 : i32
    %dma_start3A_31 = tpu.memref_slice %arg4[%add3A_25, %dma_start3A_29, %dma_start3A_30] : memref<4096x56x128xf32, #tpu.memory_space<hbm>> -> memref<1x50x64xf32, #tpu.memory_space<hbm>>
    %dma_start3A_32 = tpu.memref_squeeze %dma_start3A_31 : memref<1x50x64xf32, #tpu.memory_space<hbm>> -> memref<50x64xf32, #tpu.memory_space<hbm>>
    %dma_start3A_33 = arith.constant 0 : i32
    %dma_start3A_34 = arith.constant 0 : i32
    %dma_start3A_35 = tpu.memref_slice %arg4[%add3A_25, %dma_start3A_33, %dma_start3A_34] : memref<4096x56x128xf32, #tpu.memory_space<hbm>> -> memref<1x50x64xf32, #tpu.memory_space<hbm>>
    %dma_start3A_36 = tpu.memref_squeeze %dma_start3A_35 : memref<1x50x64xf32, #tpu.memory_space<hbm>> -> memref<50x64xf32, #tpu.memory_space<hbm>>
    %dma_start3A_37 = arith.constant 0 : i32
    %dma_start3A_38 = arith.constant 0 : i32
    %dma_start3A_39 = tpu.memref_slice %arg6[%dma_start3A_37, %dma_start3A_38] : memref<800x64xf32, #tpu.memory_space<vmem>> -> memref<50x64xf32, #tpu.memory_space<vmem>>
    tpu.enqueue_dma source(%dma_start3A_39 : memref<50x64xf32, #tpu.memory_space<vmem>>) target(%dma_start3A_36 : memref<50x64xf32, #tpu.memory_space<hbm>>) target_semaphore(%arg10 : memref<!tpu.dma_semaphore, #tpu.memory_space<semaphore_mem>>)
    %add3A_40 = arith.constant 96 : i32
    %add3A_41 = arith.addi %mul3A_4, %add3A_40 : i32
    %add3A_42 = arith.constant 1 : i32
    %add3A_43 = arith.addi %add3A_41, %add3A_42 : i32
    %dma_start3A_44 = arith.constant 50 : i32
    %dma_start3A_45 = arith.constant 0 : i32
    %dma_start3A_46 = tpu.memref_slice %arg6[%dma_start3A_44, %dma_start3A_45] : memref<800x64xf32, #tpu.memory_space<vmem>> -> memref<50x64xf32, #tpu.memory_space<vmem>>
    %dma_start3A_47 = arith.constant 0 : i32
    %dma_start3A_48 = arith.constant 0 : i32
    %dma_start3A_49 = tpu.memref_slice %arg4[%add3A_43, %dma_start3A_47, %dma_start3A_48] : memref<4096x56x128xf32, #tpu.memory_space<hbm>> -> memref<1x50x64xf32, #tpu.memory_space<hbm>>
    %dma_start3A_50 = tpu.memref_squeeze %dma_start3A_49 : memref<1x50x64xf32, #tpu.memory_space<hbm>> -> memref<50x64xf32, #tpu.memory_space<hbm>>
    %dma_start3A_51 = arith.constant 0 : i32
    %dma_start3A_52 = arith.constant 0 : i32
    %dma_start3A_53 = tpu.memref_slice %arg4[%add3A_43, %dma_start3A_51, %dma_start3A_52] : memref<4096x56x128xf32, #tpu.memory_space<hbm>> -> memref<1x50x64xf32, #tpu.memory_space<hbm>>
    %dma_start3A_54 = tpu.memref_squeeze %dma_start3A_53 : memref<1x50x64xf32, #tpu.memory_space<hbm>> -> memref<50x64xf32, #tpu.memory_space<hbm>>
    %dma_start3A_55 = arith.constant 50 : i32
    %dma_start3A_56 = arith.constant 0 : i32
    %dma_start3A_57 = tpu.memref_slice %arg6[%dma_start3A_55, %dma_start3A_56] : memref<800x64xf32, #tpu.memory_space<vmem>> -> memref<50x64xf32, #tpu.memory_space<vmem>>
    tpu.enqueue_dma source(%dma_start3A_57 : memref<50x64xf32, #tpu.memory_space<vmem>>) target(%dma_start3A_54 : memref<50x64xf32, #tpu.memory_space<hbm>>) target_semaphore(%arg10 : memref<!tpu.dma_semaphore, #tpu.memory_space<semaphore_mem>>)
    %add3A_58 = arith.constant 96 : i32
    %add3A_59 = arith.addi %mul3A_4, %add3A_58 : i32
    %add3A_60 = arith.constant 2 : i32
    %add3A_61 = arith.addi %add3A_59, %add3A_60 : i32
    %dma_start3A_62 = arith.constant 100 : i32
    %dma_start3A_63 = arith.constant 0 : i32
    %dma_start3A_64 = tpu.memref_slice %arg6[%dma_start3A_62, %dma_start3A_63] : memref<800x64xf32, #tpu.memory_space<vmem>> -> memref<50x64xf32, #tpu.memory_space<vmem>>
    %dma_start3A_65 = arith.constant 0 : i32
    %dma_start3A_66 = arith.constant 0 : i32
    %dma_start3A_67 = tpu.memref_slice %arg4[%add3A_61, %dma_start3A_65, %dma_start3A_66] : memref<4096x56x128xf32, #tpu.memory_space<hbm>> -> memref<1x50x64xf32, #tpu.memory_space<hbm>>
    %dma_start3A_68 = tpu.memref_squeeze %dma_start3A_67 : memref<1x50x64xf32, #tpu.memory_space<hbm>> -> memref<50x64xf32, #tpu.memory_space<hbm>>
    %dma_start3A_69 = arith.constant 0 : i32
    %dma_start3A_70 = arith.constant 0 : i32
    %dma_start3A_71 = tpu.memref_slice %arg4[%add3A_61, %dma_start3A_69, %dma_start3A_70] : memref<4096x56x128xf32, #tpu.memory_space<hbm>> -> memref<1x50x64xf32, #tpu.memory_space<hbm>>
    %dma_start3A_72 = tpu.memref_squeeze %dma_start3A_71 : memref<1x50x64xf32, #tpu.memory_space<hbm>> -> memref<50x64xf32, #tpu.memory_space<hbm>>
    %dma_start3A_73 = arith.constant 100 : i32
    %dma_start3A_74 = arith.constant 0 : i32
    %dma_start3A_75 = tpu.memref_slice %arg6[%dma_start3A_73, %dma_start3A_74] : memref<800x64xf32, #tpu.memory_space<vmem>> -> memref<50x64xf32, #tpu.memory_space<vmem>>
    tpu.enqueue_dma source(%dma_start3A_75 : memref<50x64xf32, #tpu.memory_space<vmem>>) target(%dma_start3A_72 : memref<50x64xf32, #tpu.memory_space<hbm>>) target_semaphore(%arg10 : memref<!tpu.dma_semaphore, #tpu.memory_space<semaphore_mem>>)
    %add3A_76 = arith.constant 96 : i32
    %add3A_77 = arith.addi %mul3A_4, %add3A_76 : i32
    %add3A_78 = arith.constant 3 : i32
    %add3A_79 = arith.addi %add3A_77, %add3A_78 : i32
    %dma_start3A_80 = arith.constant 150 : i32
    %dma_start3A_81 = arith.constant 0 : i32
    %dma_start3A_82 = tpu.memref_slice %arg6[%dma_start3A_80, %dma_start3A_81] : memref<800x64xf32, #tpu.memory_space<vmem>> -> memref<50x64xf32, #tpu.memory_space<vmem>>
    %dma_start3A_83 = arith.constant 0 : i32
    %dma_start3A_84 = arith.constant 0 : i32
    %dma_start3A_85 = tpu.memref_slice %arg4[%add3A_79, %dma_start3A_83, %dma_start3A_84] : memref<4096x56x128xf32, #tpu.memory_space<hbm>> -> memref<1x50x64xf32, #tpu.memory_space<hbm>>
    %dma_start3A_86 = tpu.memref_squeeze %dma_start3A_85 : memref<1x50x64xf32, #tpu.memory_space<hbm>> -> memref<50x64xf32, #tpu.memory_space<hbm>>
    %dma_start3A_87 = arith.constant 0 : i32
    %dma_start3A_88 = arith.constant 0 : i32
    %dma_start3A_89 = tpu.memref_slice %arg4[%add3A_79, %dma_start3A_87, %dma_start3A_88] : memref<4096x56x128xf32, #tpu.memory_space<hbm>> -> memref<1x50x64xf32, #tpu.memory_space<hbm>>
    %dma_start3A_90 = tpu.memref_squeeze %dma_start3A_89 : memref<1x50x64xf32, #tpu.memory_space<hbm>> -> memref<50x64xf32, #tpu.memory_space<hbm>>
    %dma_start3A_91 = arith.constant 150 : i32
    %dma_start3A_92 = arith.constant 0 : i32
    %dma_start3A_93 = tpu.memref_slice %arg6[%dma_start3A_91, %dma_start3A_92] : memref<800x64xf32, #tpu.memory_space<vmem>> -> memref<50x64xf32, #tpu.memory_space<vmem>>
    tpu.enqueue_dma source(%dma_start3A_93 : memref<50x64xf32, #tpu.memory_space<vmem>>) target(%dma_start3A_90 : memref<50x64xf32, #tpu.memory_space<hbm>>) target_semaphore(%arg10 : memref<!tpu.dma_semaphore, #tpu.memory_space<semaphore_mem>>)
    %add3A_94 = arith.constant 96 : i32
    %add3A_95 = arith.addi %mul3A_4, %add3A_94 : i32
    %add3A_96 = arith.constant 4 : i32
    %add3A_97 = arith.addi %add3A_95, %add3A_96 : i32
    %dma_start3A_98 = arith.constant 200 : i32
    %dma_start3A_99 = arith.constant 0 : i32
    %dma_start3A_100 = tpu.memref_slice %arg6[%dma_start3A_98, %dma_start3A_99] : memref<800x64xf32, #tpu.memory_space<vmem>> -> memref<50x64xf32, #tpu.memory_space<vmem>>
    %dma_start3A_101 = arith.constant 0 : i32
    %dma_start3A_102 = arith.constant 0 : i32
    %dma_start3A_103 = tpu.memref_slice %arg4[%add3A_97, %dma_start3A_101, %dma_start3A_102] : memref<4096x56x128xf32, #tpu.memory_space<hbm>> -> memref<1x50x64xf32, #tpu.memory_space<hbm>>
    %dma_start3A_104 = tpu.memref_squeeze %dma_start3A_103 : memref<1x50x64xf32, #tpu.memory_space<hbm>> -> memref<50x64xf32, #tpu.memory_space<hbm>>
    %dma_start3A_105 = arith.constant 0 : i32
    %dma_start3A_106 = arith.constant 0 : i32
    %dma_start3A_107 = tpu.memref_slice %arg4[%add3A_97, %dma_start3A_105, %dma_start3A_106] : memref<4096x56x128xf32, #tpu.memory_space<hbm>> -> memref<1x50x64xf32, #tpu.memory_space<hbm>>
    %dma_start3A_108 = tpu.memref_squeeze %dma_start3A_107 : memref<1x50x64xf32, #tpu.memory_space<hbm>> -> memref<50x64xf32, #tpu.memory_space<hbm>>
    %dma_start3A_109 = arith.constant 200 : i32
    %dma_start3A_110 = arith.constant 0 : i32
    %dma_start3A_111 = tpu.memref_slice %arg6[%dma_start3A_109, %dma_start3A_110] : memref<800x64xf32, #tpu.memory_space<vmem>> -> memref<50x64xf32, #tpu.memory_space<vmem>>
    tpu.enqueue_dma source(%dma_start3A_111 : memref<50x64xf32, #tpu.memory_space<vmem>>) target(%dma_start3A_108 : memref<50x64xf32, #tpu.memory_space<hbm>>) target_semaphore(%arg10 : memref<!tpu.dma_semaphore, #tpu.memory_space<semaphore_mem>>)
    %add3A_112 = arith.constant 96 : i32
    %add3A_113 = arith.addi %mul3A_4, %add3A_112 : i32
    %add3A_114 = arith.constant 5 : i32
    %add3A_115 = arith.addi %add3A_113, %add3A_114 : i32
    %dma_start3A_116 = arith.constant 250 : i32
    %dma_start3A_117 = arith.constant 0 : i32
    %dma_start3A_118 = tpu.memref_slice %arg6[%dma_start3A_116, %dma_start3A_117] : memref<800x64xf32, #tpu.memory_space<vmem>> -> memref<50x64xf32, #tpu.memory_space<vmem>>
    %dma_start3A_119 = arith.constant 0 : i32
    %dma_start3A_120 = arith.constant 0 : i32
    %dma_start3A_121 = tpu.memref_slice %arg4[%add3A_115, %dma_start3A_119, %dma_start3A_120] : memref<4096x56x128xf32, #tpu.memory_space<hbm>> -> memref<1x50x64xf32, #tpu.memory_space<hbm>>
    %dma_start3A_122 = tpu.memref_squeeze %dma_start3A_121 : memref<1x50x64xf32, #tpu.memory_space<hbm>> -> memref<50x64xf32, #tpu.memory_space<hbm>>
    %dma_start3A_123 = arith.constant 0 : i32
    %dma_start3A_124 = arith.constant 0 : i32
    %dma_start3A_125 = tpu.memref_slice %arg4[%add3A_115, %dma_start3A_123, %dma_start3A_124] : memref<4096x56x128xf32, #tpu.memory_space<hbm>> -> memref<1x50x64xf32, #tpu.memory_space<hbm>>
    %dma_start3A_126 = tpu.memref_squeeze %dma_start3A_125 : memref<1x50x64xf32, #tpu.memory_space<hbm>> -> memref<50x64xf32, #tpu.memory_space<hbm>>
    %dma_start3A_127 = arith.constant 250 : i32
    %dma_start3A_128 = arith.constant 0 : i32
    %dma_start3A_129 = tpu.memref_slice %arg6[%dma_start3A_127, %dma_start3A_128] : memref<800x64xf32, #tpu.memory_space<vmem>> -> memref<50x64xf32, #tpu.memory_space<vmem>>
    tpu.enqueue_dma source(%dma_start3A_129 : memref<50x64xf32, #tpu.memory_space<vmem>>) target(%dma_start3A_126 : memref<50x64xf32, #tpu.memory_space<hbm>>) target_semaphore(%arg10 : memref<!tpu.dma_semaphore, #tpu.memory_space<semaphore_mem>>)
    %add3A_130 = arith.constant 96 : i32
    %add3A_131 = arith.addi %mul3A_4, %add3A_130 : i32
    %add3A_132 = arith.constant 6 : i32
    %add3A_133 = arith.addi %add3A_131, %add3A_132 : i32
    %dma_start3A_134 = arith.constant 300 : i32
    %dma_start3A_135 = arith.constant 0 : i32
    %dma_start3A_136 = tpu.memref_slice %arg6[%dma_start3A_134, %dma_start3A_135] : memref<800x64xf32, #tpu.memory_space<vmem>> -> memref<50x64xf32, #tpu.memory_space<vmem>>
    %dma_start3A_137 = arith.constant 0 : i32
    %dma_start3A_138 = arith.constant 0 : i32
    %dma_start3A_139 = tpu.memref_slice %arg4[%add3A_133, %dma_start3A_137, %dma_start3A_138] : memref<4096x56x128xf32, #tpu.memory_space<hbm>> -> memref<1x50x64xf32, #tpu.memory_space<hbm>>
    %dma_start3A_140 = tpu.memref_squeeze %dma_start3A_139 : memref<1x50x64xf32, #tpu.memory_space<hbm>> -> memref<50x64xf32, #tpu.memory_space<hbm>>
    %dma_start3A_141 = arith.constant 0 : i32
    %dma_start3A_142 = arith.constant 0 : i32
    %dma_start3A_143 = tpu.memref_slice %arg4[%add3A_133, %dma_start3A_141, %dma_start3A_142] : memref<4096x56x128xf32, #tpu.memory_space<hbm>> -> memref<1x50x64xf32, #tpu.memory_space<hbm>>
    %dma_start3A_144 = tpu.memref_squeeze %dma_start3A_143 : memref<1x50x64xf32, #tpu.memory_space<hbm>> -> memref<50x64xf32, #tpu.memory_space<hbm>>
    %dma_start3A_145 = arith.constant 300 : i32
    %dma_start3A_146 = arith.constant 0 : i32
    %dma_start3A_147 = tpu.memref_slice %arg6[%dma_start3A_145, %dma_start3A_146] : memref<800x64xf32, #tpu.memory_space<vmem>> -> memref<50x64xf32, #tpu.memory_space<vmem>>
    tpu.enqueue_dma source(%dma_start3A_147 : memref<50x64xf32, #tpu.memory_space<vmem>>) target(%dma_start3A_144 : memref<50x64xf32, #tpu.memory_space<hbm>>) target_semaphore(%arg10 : memref<!tpu.dma_semaphore, #tpu.memory_space<semaphore_mem>>)
    %add3A_148 = arith.constant 96 : i32
    %add3A_149 = arith.addi %mul3A_4, %add3A_148 : i32
    %add3A_150 = arith.constant 7 : i32
    %add3A_151 = arith.addi %add3A_149, %add3A_150 : i32
    %dma_start3A_152 = arith.constant 350 : i32
    %dma_start3A_153 = arith.constant 0 : i32
    %dma_start3A_154 = tpu.memref_slice %arg6[%dma_start3A_152, %dma_start3A_153] : memref<800x64xf32, #tpu.memory_space<vmem>> -> memref<50x64xf32, #tpu.memory_space<vmem>>
    %dma_start3A_155 = arith.constant 0 : i32
    %dma_start3A_156 = arith.constant 0 : i32
    %dma_start3A_157 = tpu.memref_slice %arg4[%add3A_151, %dma_start3A_155, %dma_start3A_156] : memref<4096x56x128xf32, #tpu.memory_space<hbm>> -> memref<1x50x64xf32, #tpu.memory_space<hbm>>
    %dma_start3A_158 = tpu.memref_squeeze %dma_start3A_157 : memref<1x50x64xf32, #tpu.memory_space<hbm>> -> memref<50x64xf32, #tpu.memory_space<hbm>>
    %dma_start3A_159 = arith.constant 0 : i32
    %dma_start3A_160 = arith.constant 0 : i32
    %dma_start3A_161 = tpu.memref_slice %arg4[%add3A_151, %dma_start3A_159, %dma_start3A_160] : memref<4096x56x128xf32, #tpu.memory_space<hbm>> -> memref<1x50x64xf32, #tpu.memory_space<hbm>>
    %dma_start3A_162 = tpu.memref_squeeze %dma_start3A_161 : memref<1x50x64xf32, #tpu.memory_space<hbm>> -> memref<50x64xf32, #tpu.memory_space<hbm>>
    %dma_start3A_163 = arith.constant 350 : i32
    %dma_start3A_164 = arith.constant 0 : i32
    %dma_start3A_165 = tpu.memref_slice %arg6[%dma_start3A_163, %dma_start3A_164] : memref<800x64xf32, #tpu.memory_space<vmem>> -> memref<50x64xf32, #tpu.memory_space<vmem>>
    tpu.enqueue_dma source(%dma_start3A_165 : memref<50x64xf32, #tpu.memory_space<vmem>>) target(%dma_start3A_162 : memref<50x64xf32, #tpu.memory_space<hbm>>) target_semaphore(%arg10 : memref<!tpu.dma_semaphore, #tpu.memory_space<semaphore_mem>>)
    %add3A_166 = arith.constant 96 : i32
    %add3A_167 = arith.addi %mul3A_4, %add3A_166 : i32
    %add3A_168 = arith.constant 8 : i32
    %add3A_169 = arith.addi %add3A_167, %add3A_168 : i32
    %dma_start3A_170 = arith.constant 400 : i32
    %dma_start3A_171 = arith.constant 0 : i32
    %dma_start3A_172 = tpu.memref_slice %arg6[%dma_start3A_170, %dma_start3A_171] : memref<800x64xf32, #tpu.memory_space<vmem>> -> memref<50x64xf32, #tpu.memory_space<vmem>>
    %dma_start3A_173 = arith.constant 0 : i32
    %dma_start3A_174 = arith.constant 0 : i32
    %dma_start3A_175 = tpu.memref_slice %arg4[%add3A_169, %dma_start3A_173, %dma_start3A_174] : memref<4096x56x128xf32, #tpu.memory_space<hbm>> -> memref<1x50x64xf32, #tpu.memory_space<hbm>>
    %dma_start3A_176 = tpu.memref_squeeze %dma_start3A_175 : memref<1x50x64xf32, #tpu.memory_space<hbm>> -> memref<50x64xf32, #tpu.memory_space<hbm>>
    %dma_start3A_177 = arith.constant 0 : i32
    %dma_start3A_178 = arith.constant 0 : i32
    %dma_start3A_179 = tpu.memref_slice %arg4[%add3A_169, %dma_start3A_177, %dma_start3A_178] : memref<4096x56x128xf32, #tpu.memory_space<hbm>> -> memref<1x50x64xf32, #tpu.memory_space<hbm>>
    %dma_start3A_180 = tpu.memref_squeeze %dma_start3A_179 : memref<1x50x64xf32, #tpu.memory_space<hbm>> -> memref<50x64xf32, #tpu.memory_space<hbm>>
    %dma_start3A_181 = arith.constant 400 : i32
    %dma_start3A_182 = arith.constant 0 : i32
    %dma_start3A_183 = tpu.memref_slice %arg6[%dma_start3A_181, %dma_start3A_182] : memref<800x64xf32, #tpu.memory_space<vmem>> -> memref<50x64xf32, #tpu.memory_space<vmem>>
    tpu.enqueue_dma source(%dma_start3A_183 : memref<50x64xf32, #tpu.memory_space<vmem>>) target(%dma_start3A_180 : memref<50x64xf32, #tpu.memory_space<hbm>>) target_semaphore(%arg10 : memref<!tpu.dma_semaphore, #tpu.memory_space<semaphore_mem>>)
    %add3A_184 = arith.constant 96 : i32
    %add3A_185 = arith.addi %mul3A_4, %add3A_184 : i32
    %add3A_186 = arith.constant 9 : i32
    %add3A_187 = arith.addi %add3A_185, %add3A_186 : i32
    %dma_start3A_188 = arith.constant 450 : i32
    %dma_start3A_189 = arith.constant 0 : i32
    %dma_start3A_190 = tpu.memref_slice %arg6[%dma_start3A_188, %dma_start3A_189] : memref<800x64xf32, #tpu.memory_space<vmem>> -> memref<50x64xf32, #tpu.memory_space<vmem>>
    %dma_start3A_191 = arith.constant 0 : i32
    %dma_start3A_192 = arith.constant 0 : i32
    %dma_start3A_193 = tpu.memref_slice %arg4[%add3A_187, %dma_start3A_191, %dma_start3A_192] : memref<4096x56x128xf32, #tpu.memory_space<hbm>> -> memref<1x50x64xf32, #tpu.memory_space<hbm>>
    %dma_start3A_194 = tpu.memref_squeeze %dma_start3A_193 : memref<1x50x64xf32, #tpu.memory_space<hbm>> -> memref<50x64xf32, #tpu.memory_space<hbm>>
    %dma_start3A_195 = arith.constant 0 : i32
    %dma_start3A_196 = arith.constant 0 : i32
    %dma_start3A_197 = tpu.memref_slice %arg4[%add3A_187, %dma_start3A_195, %dma_start3A_196] : memref<4096x56x128xf32, #tpu.memory_space<hbm>> -> memref<1x50x64xf32, #tpu.memory_space<hbm>>
    %dma_start3A_198 = tpu.memref_squeeze %dma_start3A_197 : memref<1x50x64xf32, #tpu.memory_space<hbm>> -> memref<50x64xf32, #tpu.memory_space<hbm>>
    %dma_start3A_199 = arith.constant 450 : i32
    %dma_start3A_200 = arith.constant 0 : i32
    %dma_start3A_201 = tpu.memref_slice %arg6[%dma_start3A_199, %dma_start3A_200] : memref<800x64xf32, #tpu.memory_space<vmem>> -> memref<50x64xf32, #tpu.memory_space<vmem>>
    tpu.enqueue_dma source(%dma_start3A_201 : memref<50x64xf32, #tpu.memory_space<vmem>>) target(%dma_start3A_198 : memref<50x64xf32, #tpu.memory_space<hbm>>) target_semaphore(%arg10 : memref<!tpu.dma_semaphore, #tpu.memory_space<semaphore_mem>>)
    %add3A_202 = arith.constant 96 : i32
    %add3A_203 = arith.addi %mul3A_4, %add3A_202 : i32
    %add3A_204 = arith.constant 10 : i32
    %add3A_205 = arith.addi %add3A_203, %add3A_204 : i32
    %dma_start3A_206 = arith.constant 500 : i32
    %dma_start3A_207 = arith.constant 0 : i32
    %dma_start3A_208 = tpu.memref_slice %arg6[%dma_start3A_206, %dma_start3A_207] : memref<800x64xf32, #tpu.memory_space<vmem>> -> memref<50x64xf32, #tpu.memory_space<vmem>>
    %dma_start3A_209 = arith.constant 0 : i32
    %dma_start3A_210 = arith.constant 0 : i32
    %dma_start3A_211 = tpu.memref_slice %arg4[%add3A_205, %dma_start3A_209, %dma_start3A_210] : memref<4096x56x128xf32, #tpu.memory_space<hbm>> -> memref<1x50x64xf32, #tpu.memory_space<hbm>>
    %dma_start3A_212 = tpu.memref_squeeze %dma_start3A_211 : memref<1x50x64xf32, #tpu.memory_space<hbm>> -> memref<50x64xf32, #tpu.memory_space<hbm>>
    %dma_start3A_213 = arith.constant 0 : i32
    %dma_start3A_214 = arith.constant 0 : i32
    %dma_start3A_215 = tpu.memref_slice %arg4[%add3A_205, %dma_start3A_213, %dma_start3A_214] : memref<4096x56x128xf32, #tpu.memory_space<hbm>> -> memref<1x50x64xf32, #tpu.memory_space<hbm>>
    %dma_start3A_216 = tpu.memref_squeeze %dma_start3A_215 : memref<1x50x64xf32, #tpu.memory_space<hbm>> -> memref<50x64xf32, #tpu.memory_space<hbm>>
    %dma_start3A_217 = arith.constant 500 : i32
    %dma_start3A_218 = arith.constant 0 : i32
    %dma_start3A_219 = tpu.memref_slice %arg6[%dma_start3A_217, %dma_start3A_218] : memref<800x64xf32, #tpu.memory_space<vmem>> -> memref<50x64xf32, #tpu.memory_space<vmem>>
    tpu.enqueue_dma source(%dma_start3A_219 : memref<50x64xf32, #tpu.memory_space<vmem>>) target(%dma_start3A_216 : memref<50x64xf32, #tpu.memory_space<hbm>>) target_semaphore(%arg10 : memref<!tpu.dma_semaphore, #tpu.memory_space<semaphore_mem>>)
    %add3A_220 = arith.constant 96 : i32
    %add3A_221 = arith.addi %mul3A_4, %add3A_220 : i32
    %add3A_222 = arith.constant 11 : i32
    %add3A_223 = arith.addi %add3A_221, %add3A_222 : i32
    %dma_start3A_224 = arith.constant 550 : i32
    %dma_start3A_225 = arith.constant 0 : i32
    %dma_start3A_226 = tpu.memref_slice %arg6[%dma_start3A_224, %dma_start3A_225] : memref<800x64xf32, #tpu.memory_space<vmem>> -> memref<50x64xf32, #tpu.memory_space<vmem>>
    %dma_start3A_227 = arith.constant 0 : i32
    %dma_start3A_228 = arith.constant 0 : i32
    %dma_start3A_229 = tpu.memref_slice %arg4[%add3A_223, %dma_start3A_227, %dma_start3A_228] : memref<4096x56x128xf32, #tpu.memory_space<hbm>> -> memref<1x50x64xf32, #tpu.memory_space<hbm>>
    %dma_start3A_230 = tpu.memref_squeeze %dma_start3A_229 : memref<1x50x64xf32, #tpu.memory_space<hbm>> -> memref<50x64xf32, #tpu.memory_space<hbm>>
    %dma_start3A_231 = arith.constant 0 : i32
    %dma_start3A_232 = arith.constant 0 : i32
    %dma_start3A_233 = tpu.memref_slice %arg4[%add3A_223, %dma_start3A_231, %dma_start3A_232] : memref<4096x56x128xf32, #tpu.memory_space<hbm>> -> memref<1x50x64xf32, #tpu.memory_space<hbm>>
    %dma_start3A_234 = tpu.memref_squeeze %dma_start3A_233 : memref<1x50x64xf32, #tpu.memory_space<hbm>> -> memref<50x64xf32, #tpu.memory_space<hbm>>
    %dma_start3A_235 = arith.constant 550 : i32
    %dma_start3A_236 = arith.constant 0 : i32
    %dma_start3A_237 = tpu.memref_slice %arg6[%dma_start3A_235, %dma_start3A_236] : memref<800x64xf32, #tpu.memory_space<vmem>> -> memref<50x64xf32, #tpu.memory_space<vmem>>
    tpu.enqueue_dma source(%dma_start3A_237 : memref<50x64xf32, #tpu.memory_space<vmem>>) target(%dma_start3A_234 : memref<50x64xf32, #tpu.memory_space<hbm>>) target_semaphore(%arg10 : memref<!tpu.dma_semaphore, #tpu.memory_space<semaphore_mem>>)
    %add3A_238 = arith.constant 96 : i32
    %add3A_239 = arith.addi %mul3A_4, %add3A_238 : i32
    %add3A_240 = arith.constant 12 : i32
    %add3A_241 = arith.addi %add3A_239, %add3A_240 : i32
    %dma_start3A_242 = arith.constant 600 : i32
    %dma_start3A_243 = arith.constant 0 : i32
    %dma_start3A_244 = tpu.memref_slice %arg6[%dma_start3A_242, %dma_start3A_243] : memref<800x64xf32, #tpu.memory_space<vmem>> -> memref<50x64xf32, #tpu.memory_space<vmem>>
    %dma_start3A_245 = arith.constant 0 : i32
    %dma_start3A_246 = arith.constant 0 : i32
    %dma_start3A_247 = tpu.memref_slice %arg4[%add3A_241, %dma_start3A_245, %dma_start3A_246] : memref<4096x56x128xf32, #tpu.memory_space<hbm>> -> memref<1x50x64xf32, #tpu.memory_space<hbm>>
    %dma_start3A_248 = tpu.memref_squeeze %dma_start3A_247 : memref<1x50x64xf32, #tpu.memory_space<hbm>> -> memref<50x64xf32, #tpu.memory_space<hbm>>
    %dma_start3A_249 = arith.constant 0 : i32
    %dma_start3A_250 = arith.constant 0 : i32
    %dma_start3A_251 = tpu.memref_slice %arg4[%add3A_241, %dma_start3A_249, %dma_start3A_250] : memref<4096x56x128xf32, #tpu.memory_space<hbm>> -> memref<1x50x64xf32, #tpu.memory_space<hbm>>
    %dma_start3A_252 = tpu.memref_squeeze %dma_start3A_251 : memref<1x50x64xf32, #tpu.memory_space<hbm>> -> memref<50x64xf32, #tpu.memory_space<hbm>>
    %dma_start3A_253 = arith.constant 600 : i32
    %dma_start3A_254 = arith.constant 0 : i32
    %dma_start3A_255 = tpu.memref_slice %arg6[%dma_start3A_253, %dma_start3A_254] : memref<800x64xf32, #tpu.memory_space<vmem>> -> memref<50x64xf32, #tpu.memory_space<vmem>>
    tpu.enqueue_dma source(%dma_start3A_255 : memref<50x64xf32, #tpu.memory_space<vmem>>) target(%dma_start3A_252 : memref<50x64xf32, #tpu.memory_space<hbm>>) target_semaphore(%arg10 : memref<!tpu.dma_semaphore, #tpu.memory_space<semaphore_mem>>)
    %add3A_256 = arith.constant 96 : i32
    %add3A_257 = arith.addi %mul3A_4, %add3A_256 : i32
    %add3A_258 = arith.constant 13 : i32
    %add3A_259 = arith.addi %add3A_257, %add3A_258 : i32
    %dma_start3A_260 = arith.constant 650 : i32
    %dma_start3A_261 = arith.constant 0 : i32
    %dma_start3A_262 = tpu.memref_slice %arg6[%dma_start3A_260, %dma_start3A_261] : memref<800x64xf32, #tpu.memory_space<vmem>> -> memref<50x64xf32, #tpu.memory_space<vmem>>
    %dma_start3A_263 = arith.constant 0 : i32
    %dma_start3A_264 = arith.constant 0 : i32
    %dma_start3A_265 = tpu.memref_slice %arg4[%add3A_259, %dma_start3A_263, %dma_start3A_264] : memref<4096x56x128xf32, #tpu.memory_space<hbm>> -> memref<1x50x64xf32, #tpu.memory_space<hbm>>
    %dma_start3A_266 = tpu.memref_squeeze %dma_start3A_265 : memref<1x50x64xf32, #tpu.memory_space<hbm>> -> memref<50x64xf32, #tpu.memory_space<hbm>>
    %dma_start3A_267 = arith.constant 0 : i32
    %dma_start3A_268 = arith.constant 0 : i32
    %dma_start3A_269 = tpu.memref_slice %arg4[%add3A_259, %dma_start3A_267, %dma_start3A_268] : memref<4096x56x128xf32, #tpu.memory_space<hbm>> -> memref<1x50x64xf32, #tpu.memory_space<hbm>>
    %dma_start3A_270 = tpu.memref_squeeze %dma_start3A_269 : memref<1x50x64xf32, #tpu.memory_space<hbm>> -> memref<50x64xf32, #tpu.memory_space<hbm>>
    %dma_start3A_271 = arith.constant 650 : i32
    %dma_start3A_272 = arith.constant 0 : i32
    %dma_start3A_273 = tpu.memref_slice %arg6[%dma_start3A_271, %dma_start3A_272] : memref<800x64xf32, #tpu.memory_space<vmem>> -> memref<50x64xf32, #tpu.memory_space<vmem>>
    tpu.enqueue_dma source(%dma_start3A_273 : memref<50x64xf32, #tpu.memory_space<vmem>>) target(%dma_start3A_270 : memref<50x64xf32, #tpu.memory_space<hbm>>) target_semaphore(%arg10 : memref<!tpu.dma_semaphore, #tpu.memory_space<semaphore_mem>>)
    %add3A_274 = arith.constant 96 : i32
    %add3A_275 = arith.addi %mul3A_4, %add3A_274 : i32
    %add3A_276 = arith.constant 14 : i32
    %add3A_277 = arith.addi %add3A_275, %add3A_276 : i32
    %dma_start3A_278 = arith.constant 700 : i32
    %dma_start3A_279 = arith.constant 0 : i32
    %dma_start3A_280 = tpu.memref_slice %arg6[%dma_start3A_278, %dma_start3A_279] : memref<800x64xf32, #tpu.memory_space<vmem>> -> memref<50x64xf32, #tpu.memory_space<vmem>>
    %dma_start3A_281 = arith.constant 0 : i32
    %dma_start3A_282 = arith.constant 0 : i32
    %dma_start3A_283 = tpu.memref_slice %arg4[%add3A_277, %dma_start3A_281, %dma_start3A_282] : memref<4096x56x128xf32, #tpu.memory_space<hbm>> -> memref<1x50x64xf32, #tpu.memory_space<hbm>>
    %dma_start3A_284 = tpu.memref_squeeze %dma_start3A_283 : memref<1x50x64xf32, #tpu.memory_space<hbm>> -> memref<50x64xf32, #tpu.memory_space<hbm>>
    %dma_start3A_285 = arith.constant 0 : i32
    %dma_start3A_286 = arith.constant 0 : i32
    %dma_start3A_287 = tpu.memref_slice %arg4[%add3A_277, %dma_start3A_285, %dma_start3A_286] : memref<4096x56x128xf32, #tpu.memory_space<hbm>> -> memref<1x50x64xf32, #tpu.memory_space<hbm>>
    %dma_start3A_288 = tpu.memref_squeeze %dma_start3A_287 : memref<1x50x64xf32, #tpu.memory_space<hbm>> -> memref<50x64xf32, #tpu.memory_space<hbm>>
    %dma_start3A_289 = arith.constant 700 : i32
    %dma_start3A_290 = arith.constant 0 : i32
    %dma_start3A_291 = tpu.memref_slice %arg6[%dma_start3A_289, %dma_start3A_290] : memref<800x64xf32, #tpu.memory_space<vmem>> -> memref<50x64xf32, #tpu.memory_space<vmem>>
    tpu.enqueue_dma source(%dma_start3A_291 : memref<50x64xf32, #tpu.memory_space<vmem>>) target(%dma_start3A_288 : memref<50x64xf32, #tpu.memory_space<hbm>>) target_semaphore(%arg10 : memref<!tpu.dma_semaphore, #tpu.memory_space<semaphore_mem>>)
    %add3A_292 = arith.constant 96 : i32
    %add3A_293 = arith.addi %mul3A_4, %add3A_292 : i32
    %add3A_294 = arith.constant 15 : i32
    %add3A_295 = arith.addi %add3A_293, %add3A_294 : i32
    %dma_start3A_296 = arith.constant 750 : i32
    %dma_start3A_297 = arith.constant 0 : i32
    %dma_start3A_298 = tpu.memref_slice %arg6[%dma_start3A_296, %dma_start3A_297] : memref<800x64xf32, #tpu.memory_space<vmem>> -> memref<50x64xf32, #tpu.memory_space<vmem>>
    %dma_start3A_299 = arith.constant 0 : i32
    %dma_start3A_300 = arith.constant 0 : i32
    %dma_start3A_301 = tpu.memref_slice %arg4[%add3A_295, %dma_start3A_299, %dma_start3A_300] : memref<4096x56x128xf32, #tpu.memory_space<hbm>> -> memref<1x50x64xf32, #tpu.memory_space<hbm>>
    %dma_start3A_302 = tpu.memref_squeeze %dma_start3A_301 : memref<1x50x64xf32, #tpu.memory_space<hbm>> -> memref<50x64xf32, #tpu.memory_space<hbm>>
    %dma_start3A_303 = arith.constant 0 : i32
    %dma_start3A_304 = arith.constant 0 : i32
    %dma_start3A_305 = tpu.memref_slice %arg4[%add3A_295, %dma_start3A_303, %dma_start3A_304] : memref<4096x56x128xf32, #tpu.memory_space<hbm>> -> memref<1x50x64xf32, #tpu.memory_space<hbm>>
    %dma_start3A_306 = tpu.memref_squeeze %dma_start3A_305 : memref<1x50x64xf32, #tpu.memory_space<hbm>> -> memref<50x64xf32, #tpu.memory_space<hbm>>
    %dma_start3A_307 = arith.constant 750 : i32
    %dma_start3A_308 = arith.constant 0 : i32
    %dma_start3A_309 = tpu.memref_slice %arg6[%dma_start3A_307, %dma_start3A_308] : memref<800x64xf32, #tpu.memory_space<vmem>> -> memref<50x64xf32, #tpu.memory_space<vmem>>
    tpu.enqueue_dma source(%dma_start3A_309 : memref<50x64xf32, #tpu.memory_space<vmem>>) target(%dma_start3A_306 : memref<50x64xf32, #tpu.memory_space<hbm>>) target_semaphore(%arg10 : memref<!tpu.dma_semaphore, #tpu.memory_space<semaphore_mem>>)
    %dma_wait3A_310 = arith.constant 0 : i32
    %dma_wait3A_311 = arith.constant 0 : i32
    %dma_wait3A_312 = tpu.memref_slice %arg6[%dma_wait3A_310, %dma_wait3A_311] : memref<800x64xf32, #tpu.memory_space<vmem>> -> memref<50x64xf32, #tpu.memory_space<vmem>>
    %dma_wait3A_313 = arith.constant 0 : i32
    %dma_wait3A_314 = arith.constant 0 : i32
    %dma_wait3A_315 = tpu.memref_slice %arg4[%mul3A_4, %dma_wait3A_313, %dma_wait3A_314] : memref<4096x56x128xf32, #tpu.memory_space<hbm>> -> memref<1x50x64xf32, #tpu.memory_space<hbm>>
    %dma_wait3A_316 = tpu.memref_squeeze %dma_wait3A_315 : memref<1x50x64xf32, #tpu.memory_space<hbm>> -> memref<50x64xf32, #tpu.memory_space<hbm>>
    %dma_wait3A_317 = arith.constant 0 : i32
    %dma_wait3A_318 = arith.constant 0 : i32
    %dma_wait3A_319 = tpu.memref_slice %arg4[%mul3A_4, %dma_wait3A_317, %dma_wait3A_318] : memref<4096x56x128xf32, #tpu.memory_space<hbm>> -> memref<1x50x64xf32, #tpu.memory_space<hbm>>
    %dma_wait3A_320 = tpu.memref_squeeze %dma_wait3A_319 : memref<1x50x64xf32, #tpu.memory_space<hbm>> -> memref<50x64xf32, #tpu.memory_space<hbm>>
    %dma_wait3A_321 = arith.constant 0 : i32
    %dma_wait3A_322 = arith.constant 0 : i32
    %dma_wait3A_323 = tpu.memref_slice %arg6[%dma_wait3A_321, %dma_wait3A_322] : memref<800x64xf32, #tpu.memory_space<vmem>> -> memref<50x64xf32, #tpu.memory_space<vmem>>
    tpu.wait_dma2 semaphore(%arg10 : memref<!tpu.dma_semaphore, #tpu.memory_space<semaphore_mem>>) src(%dma_wait3A_323 : memref<50x64xf32, #tpu.memory_space<vmem>>) dst(%dma_wait3A_320 : memref<50x64xf32, #tpu.memory_space<hbm>>)
    %dma_wait3A_324 = arith.constant 50 : i32
    %dma_wait3A_325 = arith.constant 0 : i32
    %dma_wait3A_326 = tpu.memref_slice %arg6[%dma_wait3A_324, %dma_wait3A_325] : memref<800x64xf32, #tpu.memory_space<vmem>> -> memref<50x64xf32, #tpu.memory_space<vmem>>
    %dma_wait3A_327 = arith.constant 0 : i32
    %dma_wait3A_328 = arith.constant 0 : i32
    %dma_wait3A_329 = tpu.memref_slice %arg4[%mul3A_4, %dma_wait3A_327, %dma_wait3A_328] : memref<4096x56x128xf32, #tpu.memory_space<hbm>> -> memref<1x50x64xf32, #tpu.memory_space<hbm>>
    %dma_wait3A_330 = tpu.memref_squeeze %dma_wait3A_329 : memref<1x50x64xf32, #tpu.memory_space<hbm>> -> memref<50x64xf32, #tpu.memory_space<hbm>>
    %dma_wait3A_331 = arith.constant 0 : i32
    %dma_wait3A_332 = arith.constant 0 : i32
    %dma_wait3A_333 = tpu.memref_slice %arg4[%mul3A_4, %dma_wait3A_331, %dma_wait3A_332] : memref<4096x56x128xf32, #tpu.memory_space<hbm>> -> memref<1x50x64xf32, #tpu.memory_space<hbm>>
    %dma_wait3A_334 = tpu.memref_squeeze %dma_wait3A_333 : memref<1x50x64xf32, #tpu.memory_space<hbm>> -> memref<50x64xf32, #tpu.memory_space<hbm>>
    %dma_wait3A_335 = arith.constant 50 : i32
    %dma_wait3A_336 = arith.constant 0 : i32
    %dma_wait3A_337 = tpu.memref_slice %arg6[%dma_wait3A_335, %dma_wait3A_336] : memref<800x64xf32, #tpu.memory_space<vmem>> -> memref<50x64xf32, #tpu.memory_space<vmem>>
    tpu.wait_dma2 semaphore(%arg10 : memref<!tpu.dma_semaphore, #tpu.memory_space<semaphore_mem>>) src(%dma_wait3A_337 : memref<50x64xf32, #tpu.memory_space<vmem>>) dst(%dma_wait3A_334 : memref<50x64xf32, #tpu.memory_space<hbm>>)
    %dma_wait3A_338 = arith.constant 100 : i32
    %dma_wait3A_339 = arith.constant 0 : i32
    %dma_wait3A_340 = tpu.memref_slice %arg6[%dma_wait3A_338, %dma_wait3A_339] : memref<800x64xf32, #tpu.memory_space<vmem>> -> memref<50x64xf32, #tpu.memory_space<vmem>>
    %dma_wait3A_341 = arith.constant 0 : i32
    %dma_wait3A_342 = arith.constant 0 : i32
    %dma_wait3A_343 = tpu.memref_slice %arg4[%mul3A_4, %dma_wait3A_341, %dma_wait3A_342] : memref<4096x56x128xf32, #tpu.memory_space<hbm>> -> memref<1x50x64xf32, #tpu.memory_space<hbm>>
    %dma_wait3A_344 = tpu.memref_squeeze %dma_wait3A_343 : memref<1x50x64xf32, #tpu.memory_space<hbm>> -> memref<50x64xf32, #tpu.memory_space<hbm>>
    %dma_wait3A_345 = arith.constant 0 : i32
    %dma_wait3A_346 = arith.constant 0 : i32
    %dma_wait3A_347 = tpu.memref_slice %arg4[%mul3A_4, %dma_wait3A_345, %dma_wait3A_346] : memref<4096x56x128xf32, #tpu.memory_space<hbm>> -> memref<1x50x64xf32, #tpu.memory_space<hbm>>
    %dma_wait3A_348 = tpu.memref_squeeze %dma_wait3A_347 : memref<1x50x64xf32, #tpu.memory_space<hbm>> -> memref<50x64xf32, #tpu.memory_space<hbm>>
    %dma_wait3A_349 = arith.constant 100 : i32
    %dma_wait3A_350 = arith.constant 0 : i32
    %dma_wait3A_351 = tpu.memref_slice %arg6[%dma_wait3A_349, %dma_wait3A_350] : memref<800x64xf32, #tpu.memory_space<vmem>> -> memref<50x64xf32, #tpu.memory_space<vmem>>
    tpu.wait_dma2 semaphore(%arg10 : memref<!tpu.dma_semaphore, #tpu.memory_space<semaphore_mem>>) src(%dma_wait3A_351 : memref<50x64xf32, #tpu.memory_space<vmem>>) dst(%dma_wait3A_348 : memref<50x64xf32, #tpu.memory_space<hbm>>)
    %dma_wait3A_352 = arith.constant 150 : i32
    %dma_wait3A_353 = arith.constant 0 : i32
    %dma_wait3A_354 = tpu.memref_slice %arg6[%dma_wait3A_352, %dma_wait3A_353] : memref<800x64xf32, #tpu.memory_space<vmem>> -> memref<50x64xf32, #tpu.memory_space<vmem>>
    %dma_wait3A_355 = arith.constant 0 : i32
    %dma_wait3A_356 = arith.constant 0 : i32
    %dma_wait3A_357 = tpu.memref_slice %arg4[%mul3A_4, %dma_wait3A_355, %dma_wait3A_356] : memref<4096x56x128xf32, #tpu.memory_space<hbm>> -> memref<1x50x64xf32, #tpu.memory_space<hbm>>
    %dma_wait3A_358 = tpu.memref_squeeze %dma_wait3A_357 : memref<1x50x64xf32, #tpu.memory_space<hbm>> -> memref<50x64xf32, #tpu.memory_space<hbm>>
    %dma_wait3A_359 = arith.constant 0 : i32
    %dma_wait3A_360 = arith.constant 0 : i32
    %dma_wait3A_361 = tpu.memref_slice %arg4[%mul3A_4, %dma_wait3A_359, %dma_wait3A_360] : memref<4096x56x128xf32, #tpu.memory_space<hbm>> -> memref<1x50x64xf32, #tpu.memory_space<hbm>>
    %dma_wait3A_362 = tpu.memref_squeeze %dma_wait3A_361 : memref<1x50x64xf32, #tpu.memory_space<hbm>> -> memref<50x64xf32, #tpu.memory_space<hbm>>
    %dma_wait3A_363 = arith.constant 150 : i32
    %dma_wait3A_364 = arith.constant 0 : i32
    %dma_wait3A_365 = tpu.memref_slice %arg6[%dma_wait3A_363, %dma_wait3A_364] : memref<800x64xf32, #tpu.memory_space<vmem>> -> memref<50x64xf32, #tpu.memory_space<vmem>>
    tpu.wait_dma2 semaphore(%arg10 : memref<!tpu.dma_semaphore, #tpu.memory_space<semaphore_mem>>) src(%dma_wait3A_365 : memref<50x64xf32, #tpu.memory_space<vmem>>) dst(%dma_wait3A_362 : memref<50x64xf32, #tpu.memory_space<hbm>>)
    %dma_wait3A_366 = arith.constant 200 : i32
    %dma_wait3A_367 = arith.constant 0 : i32
    %dma_wait3A_368 = tpu.memref_slice %arg6[%dma_wait3A_366, %dma_wait3A_367] : memref<800x64xf32, #tpu.memory_space<vmem>> -> memref<50x64xf32, #tpu.memory_space<vmem>>
    %dma_wait3A_369 = arith.constant 0 : i32
    %dma_wait3A_370 = arith.constant 0 : i32
    %dma_wait3A_371 = tpu.memref_slice %arg4[%mul3A_4, %dma_wait3A_369, %dma_wait3A_370] : memref<4096x56x128xf32, #tpu.memory_space<hbm>> -> memref<1x50x64xf32, #tpu.memory_space<hbm>>
    %dma_wait3A_372 = tpu.memref_squeeze %dma_wait3A_371 : memref<1x50x64xf32, #tpu.memory_space<hbm>> -> memref<50x64xf32, #tpu.memory_space<hbm>>
    %dma_wait3A_373 = arith.constant 0 : i32
    %dma_wait3A_374 = arith.constant 0 : i32
    %dma_wait3A_375 = tpu.memref_slice %arg4[%mul3A_4, %dma_wait3A_373, %dma_wait3A_374] : memref<4096x56x128xf32, #tpu.memory_space<hbm>> -> memref<1x50x64xf32, #tpu.memory_space<hbm>>
    %dma_wait3A_376 = tpu.memref_squeeze %dma_wait3A_375 : memref<1x50x64xf32, #tpu.memory_space<hbm>> -> memref<50x64xf32, #tpu.memory_space<hbm>>
    %dma_wait3A_377 = arith.constant 200 : i32
    %dma_wait3A_378 = arith.constant 0 : i32
    %dma_wait3A_379 = tpu.memref_slice %arg6[%dma_wait3A_377, %dma_wait3A_378] : memref<800x64xf32, #tpu.memory_space<vmem>> -> memref<50x64xf32, #tpu.memory_space<vmem>>
    tpu.wait_dma2 semaphore(%arg10 : memref<!tpu.dma_semaphore, #tpu.memory_space<semaphore_mem>>) src(%dma_wait3A_379 : memref<50x64xf32, #tpu.memory_space<vmem>>) dst(%dma_wait3A_376 : memref<50x64xf32, #tpu.memory_space<hbm>>)
    %dma_wait3A_380 = arith.constant 250 : i32
    %dma_wait3A_381 = arith.constant 0 : i32
    %dma_wait3A_382 = tpu.memref_slice %arg6[%dma_wait3A_380, %dma_wait3A_381] : memref<800x64xf32, #tpu.memory_space<vmem>> -> memref<50x64xf32, #tpu.memory_space<vmem>>
    %dma_wait3A_383 = arith.constant 0 : i32
    %dma_wait3A_384 = arith.constant 0 : i32
    %dma_wait3A_385 = tpu.memref_slice %arg4[%mul3A_4, %dma_wait3A_383, %dma_wait3A_384] : memref<4096x56x128xf32, #tpu.memory_space<hbm>> -> memref<1x50x64xf32, #tpu.memory_space<hbm>>
    %dma_wait3A_386 = tpu.memref_squeeze %dma_wait3A_385 : memref<1x50x64xf32, #tpu.memory_space<hbm>> -> memref<50x64xf32, #tpu.memory_space<hbm>>
    %dma_wait3A_387 = arith.constant 0 : i32
    %dma_wait3A_388 = arith.constant 0 : i32
    %dma_wait3A_389 = tpu.memref_slice %arg4[%mul3A_4, %dma_wait3A_387, %dma_wait3A_388] : memref<4096x56x128xf32, #tpu.memory_space<hbm>> -> memref<1x50x64xf32, #tpu.memory_space<hbm>>
    %dma_wait3A_390 = tpu.memref_squeeze %dma_wait3A_389 : memref<1x50x64xf32, #tpu.memory_space<hbm>> -> memref<50x64xf32, #tpu.memory_space<hbm>>
    %dma_wait3A_391 = arith.constant 250 : i32
    %dma_wait3A_392 = arith.constant 0 : i32
    %dma_wait3A_393 = tpu.memref_slice %arg6[%dma_wait3A_391, %dma_wait3A_392] : memref<800x64xf32, #tpu.memory_space<vmem>> -> memref<50x64xf32, #tpu.memory_space<vmem>>
    tpu.wait_dma2 semaphore(%arg10 : memref<!tpu.dma_semaphore, #tpu.memory_space<semaphore_mem>>) src(%dma_wait3A_393 : memref<50x64xf32, #tpu.memory_space<vmem>>) dst(%dma_wait3A_390 : memref<50x64xf32, #tpu.memory_space<hbm>>)
    %dma_wait3A_394 = arith.constant 300 : i32
    %dma_wait3A_395 = arith.constant 0 : i32
    %dma_wait3A_396 = tpu.memref_slice %arg6[%dma_wait3A_394, %dma_wait3A_395] : memref<800x64xf32, #tpu.memory_space<vmem>> -> memref<50x64xf32, #tpu.memory_space<vmem>>
    %dma_wait3A_397 = arith.constant 0 : i32
    %dma_wait3A_398 = arith.constant 0 : i32
    %dma_wait3A_399 = tpu.memref_slice %arg4[%mul3A_4, %dma_wait3A_397, %dma_wait3A_398] : memref<4096x56x128xf32, #tpu.memory_space<hbm>> -> memref<1x50x64xf32, #tpu.memory_space<hbm>>
    %dma_wait3A_400 = tpu.memref_squeeze %dma_wait3A_399 : memref<1x50x64xf32, #tpu.memory_space<hbm>> -> memref<50x64xf32, #tpu.memory_space<hbm>>
    %dma_wait3A_401 = arith.constant 0 : i32
    %dma_wait3A_402 = arith.constant 0 : i32
    %dma_wait3A_403 = tpu.memref_slice %arg4[%mul3A_4, %dma_wait3A_401, %dma_wait3A_402] : memref<4096x56x128xf32, #tpu.memory_space<hbm>> -> memref<1x50x64xf32, #tpu.memory_space<hbm>>
    %dma_wait3A_404 = tpu.memref_squeeze %dma_wait3A_403 : memref<1x50x64xf32, #tpu.memory_space<hbm>> -> memref<50x64xf32, #tpu.memory_space<hbm>>
    %dma_wait3A_405 = arith.constant 300 : i32
    %dma_wait3A_406 = arith.constant 0 : i32
    %dma_wait3A_407 = tpu.memref_slice %arg6[%dma_wait3A_405, %dma_wait3A_406] : memref<800x64xf32, #tpu.memory_space<vmem>> -> memref<50x64xf32, #tpu.memory_space<vmem>>
    tpu.wait_dma2 semaphore(%arg10 : memref<!tpu.dma_semaphore, #tpu.memory_space<semaphore_mem>>) src(%dma_wait3A_407 : memref<50x64xf32, #tpu.memory_space<vmem>>) dst(%dma_wait3A_404 : memref<50x64xf32, #tpu.memory_space<hbm>>)
    %dma_wait3A_408 = arith.constant 350 : i32
    %dma_wait3A_409 = arith.constant 0 : i32
    %dma_wait3A_410 = tpu.memref_slice %arg6[%dma_wait3A_408, %dma_wait3A_409] : memref<800x64xf32, #tpu.memory_space<vmem>> -> memref<50x64xf32, #tpu.memory_space<vmem>>
    %dma_wait3A_411 = arith.constant 0 : i32
    %dma_wait3A_412 = arith.constant 0 : i32
    %dma_wait3A_413 = tpu.memref_slice %arg4[%mul3A_4, %dma_wait3A_411, %dma_wait3A_412] : memref<4096x56x128xf32, #tpu.memory_space<hbm>> -> memref<1x50x64xf32, #tpu.memory_space<hbm>>
    %dma_wait3A_414 = tpu.memref_squeeze %dma_wait3A_413 : memref<1x50x64xf32, #tpu.memory_space<hbm>> -> memref<50x64xf32, #tpu.memory_space<hbm>>
    %dma_wait3A_415 = arith.constant 0 : i32
    %dma_wait3A_416 = arith.constant 0 : i32
    %dma_wait3A_417 = tpu.memref_slice %arg4[%mul3A_4, %dma_wait3A_415, %dma_wait3A_416] : memref<4096x56x128xf32, #tpu.memory_space<hbm>> -> memref<1x50x64xf32, #tpu.memory_space<hbm>>
    %dma_wait3A_418 = tpu.memref_squeeze %dma_wait3A_417 : memref<1x50x64xf32, #tpu.memory_space<hbm>> -> memref<50x64xf32, #tpu.memory_space<hbm>>
    %dma_wait3A_419 = arith.constant 350 : i32
    %dma_wait3A_420 = arith.constant 0 : i32
    %dma_wait3A_421 = tpu.memref_slice %arg6[%dma_wait3A_419, %dma_wait3A_420] : memref<800x64xf32, #tpu.memory_space<vmem>> -> memref<50x64xf32, #tpu.memory_space<vmem>>
    tpu.wait_dma2 semaphore(%arg10 : memref<!tpu.dma_semaphore, #tpu.memory_space<semaphore_mem>>) src(%dma_wait3A_421 : memref<50x64xf32, #tpu.memory_space<vmem>>) dst(%dma_wait3A_418 : memref<50x64xf32, #tpu.memory_space<hbm>>)
    %dma_wait3A_422 = arith.constant 400 : i32
    %dma_wait3A_423 = arith.constant 0 : i32
    %dma_wait3A_424 = tpu.memref_slice %arg6[%dma_wait3A_422, %dma_wait3A_423] : memref<800x64xf32, #tpu.memory_space<vmem>> -> memref<50x64xf32, #tpu.memory_space<vmem>>
    %dma_wait3A_425 = arith.constant 0 : i32
    %dma_wait3A_426 = arith.constant 0 : i32
    %dma_wait3A_427 = tpu.memref_slice %arg4[%mul3A_4, %dma_wait3A_425, %dma_wait3A_426] : memref<4096x56x128xf32, #tpu.memory_space<hbm>> -> memref<1x50x64xf32, #tpu.memory_space<hbm>>
    %dma_wait3A_428 = tpu.memref_squeeze %dma_wait3A_427 : memref<1x50x64xf32, #tpu.memory_space<hbm>> -> memref<50x64xf32, #tpu.memory_space<hbm>>
    %dma_wait3A_429 = arith.constant 0 : i32
    %dma_wait3A_430 = arith.constant 0 : i32
    %dma_wait3A_431 = tpu.memref_slice %arg4[%mul3A_4, %dma_wait3A_429, %dma_wait3A_430] : memref<4096x56x128xf32, #tpu.memory_space<hbm>> -> memref<1x50x64xf32, #tpu.memory_space<hbm>>
    %dma_wait3A_432 = tpu.memref_squeeze %dma_wait3A_431 : memref<1x50x64xf32, #tpu.memory_space<hbm>> -> memref<50x64xf32, #tpu.memory_space<hbm>>
    %dma_wait3A_433 = arith.constant 400 : i32
    %dma_wait3A_434 = arith.constant 0 : i32
    %dma_wait3A_435 = tpu.memref_slice %arg6[%dma_wait3A_433, %dma_wait3A_434] : memref<800x64xf32, #tpu.memory_space<vmem>> -> memref<50x64xf32, #tpu.memory_space<vmem>>
    tpu.wait_dma2 semaphore(%arg10 : memref<!tpu.dma_semaphore, #tpu.memory_space<semaphore_mem>>) src(%dma_wait3A_435 : memref<50x64xf32, #tpu.memory_space<vmem>>) dst(%dma_wait3A_432 : memref<50x64xf32, #tpu.memory_space<hbm>>)
    %dma_wait3A_436 = arith.constant 450 : i32
    %dma_wait3A_437 = arith.constant 0 : i32
    %dma_wait3A_438 = tpu.memref_slice %arg6[%dma_wait3A_436, %dma_wait3A_437] : memref<800x64xf32, #tpu.memory_space<vmem>> -> memref<50x64xf32, #tpu.memory_space<vmem>>
    %dma_wait3A_439 = arith.constant 0 : i32
    %dma_wait3A_440 = arith.constant 0 : i32
    %dma_wait3A_441 = tpu.memref_slice %arg4[%mul3A_4, %dma_wait3A_439, %dma_wait3A_440] : memref<4096x56x128xf32, #tpu.memory_space<hbm>> -> memref<1x50x64xf32, #tpu.memory_space<hbm>>
    %dma_wait3A_442 = tpu.memref_squeeze %dma_wait3A_441 : memref<1x50x64xf32, #tpu.memory_space<hbm>> -> memref<50x64xf32, #tpu.memory_space<hbm>>
    %dma_wait3A_443 = arith.constant 0 : i32
    %dma_wait3A_444 = arith.constant 0 : i32
    %dma_wait3A_445 = tpu.memref_slice %arg4[%mul3A_4, %dma_wait3A_443, %dma_wait3A_444] : memref<4096x56x128xf32, #tpu.memory_space<hbm>> -> memref<1x50x64xf32, #tpu.memory_space<hbm>>
    %dma_wait3A_446 = tpu.memref_squeeze %dma_wait3A_445 : memref<1x50x64xf32, #tpu.memory_space<hbm>> -> memref<50x64xf32, #tpu.memory_space<hbm>>
    %dma_wait3A_447 = arith.constant 450 : i32
    %dma_wait3A_448 = arith.constant 0 : i32
    %dma_wait3A_449 = tpu.memref_slice %arg6[%dma_wait3A_447, %dma_wait3A_448] : memref<800x64xf32, #tpu.memory_space<vmem>> -> memref<50x64xf32, #tpu.memory_space<vmem>>
    tpu.wait_dma2 semaphore(%arg10 : memref<!tpu.dma_semaphore, #tpu.memory_space<semaphore_mem>>) src(%dma_wait3A_449 : memref<50x64xf32, #tpu.memory_space<vmem>>) dst(%dma_wait3A_446 : memref<50x64xf32, #tpu.memory_space<hbm>>)
    %dma_wait3A_450 = arith.constant 500 : i32
    %dma_wait3A_451 = arith.constant 0 : i32
    %dma_wait3A_452 = tpu.memref_slice %arg6[%dma_wait3A_450, %dma_wait3A_451] : memref<800x64xf32, #tpu.memory_space<vmem>> -> memref<50x64xf32, #tpu.memory_space<vmem>>
    %dma_wait3A_453 = arith.constant 0 : i32
    %dma_wait3A_454 = arith.constant 0 : i32
    %dma_wait3A_455 = tpu.memref_slice %arg4[%mul3A_4, %dma_wait3A_453, %dma_wait3A_454] : memref<4096x56x128xf32, #tpu.memory_space<hbm>> -> memref<1x50x64xf32, #tpu.memory_space<hbm>>
    %dma_wait3A_456 = tpu.memref_squeeze %dma_wait3A_455 : memref<1x50x64xf32, #tpu.memory_space<hbm>> -> memref<50x64xf32, #tpu.memory_space<hbm>>
    %dma_wait3A_457 = arith.constant 0 : i32
    %dma_wait3A_458 = arith.constant 0 : i32
    %dma_wait3A_459 = tpu.memref_slice %arg4[%mul3A_4, %dma_wait3A_457, %dma_wait3A_458] : memref<4096x56x128xf32, #tpu.memory_space<hbm>> -> memref<1x50x64xf32, #tpu.memory_space<hbm>>
    %dma_wait3A_460 = tpu.memref_squeeze %dma_wait3A_459 : memref<1x50x64xf32, #tpu.memory_space<hbm>> -> memref<50x64xf32, #tpu.memory_space<hbm>>
    %dma_wait3A_461 = arith.constant 500 : i32
    %dma_wait3A_462 = arith.constant 0 : i32
    %dma_wait3A_463 = tpu.memref_slice %arg6[%dma_wait3A_461, %dma_wait3A_462] : memref<800x64xf32, #tpu.memory_space<vmem>> -> memref<50x64xf32, #tpu.memory_space<vmem>>
    tpu.wait_dma2 semaphore(%arg10 : memref<!tpu.dma_semaphore, #tpu.memory_space<semaphore_mem>>) src(%dma_wait3A_463 : memref<50x64xf32, #tpu.memory_space<vmem>>) dst(%dma_wait3A_460 : memref<50x64xf32, #tpu.memory_space<hbm>>)
    %dma_wait3A_464 = arith.constant 550 : i32
    %dma_wait3A_465 = arith.constant 0 : i32
    %dma_wait3A_466 = tpu.memref_slice %arg6[%dma_wait3A_464, %dma_wait3A_465] : memref<800x64xf32, #tpu.memory_space<vmem>> -> memref<50x64xf32, #tpu.memory_space<vmem>>
    %dma_wait3A_467 = arith.constant 0 : i32
    %dma_wait3A_468 = arith.constant 0 : i32
    %dma_wait3A_469 = tpu.memref_slice %arg4[%mul3A_4, %dma_wait3A_467, %dma_wait3A_468] : memref<4096x56x128xf32, #tpu.memory_space<hbm>> -> memref<1x50x64xf32, #tpu.memory_space<hbm>>
    %dma_wait3A_470 = tpu.memref_squeeze %dma_wait3A_469 : memref<1x50x64xf32, #tpu.memory_space<hbm>> -> memref<50x64xf32, #tpu.memory_space<hbm>>
    %dma_wait3A_471 = arith.constant 0 : i32
    %dma_wait3A_472 = arith.constant 0 : i32
    %dma_wait3A_473 = tpu.memref_slice %arg4[%mul3A_4, %dma_wait3A_471, %dma_wait3A_472] : memref<4096x56x128xf32, #tpu.memory_space<hbm>> -> memref<1x50x64xf32, #tpu.memory_space<hbm>>
    %dma_wait3A_474 = tpu.memref_squeeze %dma_wait3A_473 : memref<1x50x64xf32, #tpu.memory_space<hbm>> -> memref<50x64xf32, #tpu.memory_space<hbm>>
    %dma_wait3A_475 = arith.constant 550 : i32
    %dma_wait3A_476 = arith.constant 0 : i32
    %dma_wait3A_477 = tpu.memref_slice %arg6[%dma_wait3A_475, %dma_wait3A_476] : memref<800x64xf32, #tpu.memory_space<vmem>> -> memref<50x64xf32, #tpu.memory_space<vmem>>
    tpu.wait_dma2 semaphore(%arg10 : memref<!tpu.dma_semaphore, #tpu.memory_space<semaphore_mem>>) src(%dma_wait3A_477 : memref<50x64xf32, #tpu.memory_space<vmem>>) dst(%dma_wait3A_474 : memref<50x64xf32, #tpu.memory_space<hbm>>)
    %dma_wait3A_478 = arith.constant 600 : i32
    %dma_wait3A_479 = arith.constant 0 : i32
    %dma_wait3A_480 = tpu.memref_slice %arg6[%dma_wait3A_478, %dma_wait3A_479] : memref<800x64xf32, #tpu.memory_space<vmem>> -> memref<50x64xf32, #tpu.memory_space<vmem>>
    %dma_wait3A_481 = arith.constant 0 : i32
    %dma_wait3A_482 = arith.constant 0 : i32
    %dma_wait3A_483 = tpu.memref_slice %arg4[%mul3A_4, %dma_wait3A_481, %dma_wait3A_482] : memref<4096x56x128xf32, #tpu.memory_space<hbm>> -> memref<1x50x64xf32, #tpu.memory_space<hbm>>
    %dma_wait3A_484 = tpu.memref_squeeze %dma_wait3A_483 : memref<1x50x64xf32, #tpu.memory_space<hbm>> -> memref<50x64xf32, #tpu.memory_space<hbm>>
    %dma_wait3A_485 = arith.constant 0 : i32
    %dma_wait3A_486 = arith.constant 0 : i32
    %dma_wait3A_487 = tpu.memref_slice %arg4[%mul3A_4, %dma_wait3A_485, %dma_wait3A_486] : memref<4096x56x128xf32, #tpu.memory_space<hbm>> -> memref<1x50x64xf32, #tpu.memory_space<hbm>>
    %dma_wait3A_488 = tpu.memref_squeeze %dma_wait3A_487 : memref<1x50x64xf32, #tpu.memory_space<hbm>> -> memref<50x64xf32, #tpu.memory_space<hbm>>
    %dma_wait3A_489 = arith.constant 600 : i32
    %dma_wait3A_490 = arith.constant 0 : i32
    %dma_wait3A_491 = tpu.memref_slice %arg6[%dma_wait3A_489, %dma_wait3A_490] : memref<800x64xf32, #tpu.memory_space<vmem>> -> memref<50x64xf32, #tpu.memory_space<vmem>>
    tpu.wait_dma2 semaphore(%arg10 : memref<!tpu.dma_semaphore, #tpu.memory_space<semaphore_mem>>) src(%dma_wait3A_491 : memref<50x64xf32, #tpu.memory_space<vmem>>) dst(%dma_wait3A_488 : memref<50x64xf32, #tpu.memory_space<hbm>>)
    %dma_wait3A_492 = arith.constant 650 : i32
    %dma_wait3A_493 = arith.constant 0 : i32
    %dma_wait3A_494 = tpu.memref_slice %arg6[%dma_wait3A_492, %dma_wait3A_493] : memref<800x64xf32, #tpu.memory_space<vmem>> -> memref<50x64xf32, #tpu.memory_space<vmem>>
    %dma_wait3A_495 = arith.constant 0 : i32
    %dma_wait3A_496 = arith.constant 0 : i32
    %dma_wait3A_497 = tpu.memref_slice %arg4[%mul3A_4, %dma_wait3A_495, %dma_wait3A_496] : memref<4096x56x128xf32, #tpu.memory_space<hbm>> -> memref<1x50x64xf32, #tpu.memory_space<hbm>>
    %dma_wait3A_498 = tpu.memref_squeeze %dma_wait3A_497 : memref<1x50x64xf32, #tpu.memory_space<hbm>> -> memref<50x64xf32, #tpu.memory_space<hbm>>
    %dma_wait3A_499 = arith.constant 0 : i32
    %dma_wait3A_500 = arith.constant 0 : i32
    %dma_wait3A_501 = tpu.memref_slice %arg4[%mul3A_4, %dma_wait3A_499, %dma_wait3A_500] : memref<4096x56x128xf32, #tpu.memory_space<hbm>> -> memref<1x50x64xf32, #tpu.memory_space<hbm>>
    %dma_wait3A_502 = tpu.memref_squeeze %dma_wait3A_501 : memref<1x50x64xf32, #tpu.memory_space<hbm>> -> memref<50x64xf32, #tpu.memory_space<hbm>>
    %dma_wait3A_503 = arith.constant 650 : i32
    %dma_wait3A_504 = arith.constant 0 : i32
    %dma_wait3A_505 = tpu.memref_slice %arg6[%dma_wait3A_503, %dma_wait3A_504] : memref<800x64xf32, #tpu.memory_space<vmem>> -> memref<50x64xf32, #tpu.memory_space<vmem>>
    tpu.wait_dma2 semaphore(%arg10 : memref<!tpu.dma_semaphore, #tpu.memory_space<semaphore_mem>>) src(%dma_wait3A_505 : memref<50x64xf32, #tpu.memory_space<vmem>>) dst(%dma_wait3A_502 : memref<50x64xf32, #tpu.memory_space<hbm>>)
    %dma_wait3A_506 = arith.constant 700 : i32
    %dma_wait3A_507 = arith.constant 0 : i32
    %dma_wait3A_508 = tpu.memref_slice %arg6[%dma_wait3A_506, %dma_wait3A_507] : memref<800x64xf32, #tpu.memory_space<vmem>> -> memref<50x64xf32, #tpu.memory_space<vmem>>
    %dma_wait3A_509 = arith.constant 0 : i32
    %dma_wait3A_510 = arith.constant 0 : i32
    %dma_wait3A_511 = tpu.memref_slice %arg4[%mul3A_4, %dma_wait3A_509, %dma_wait3A_510] : memref<4096x56x128xf32, #tpu.memory_space<hbm>> -> memref<1x50x64xf32, #tpu.memory_space<hbm>>
    %dma_wait3A_512 = tpu.memref_squeeze %dma_wait3A_511 : memref<1x50x64xf32, #tpu.memory_space<hbm>> -> memref<50x64xf32, #tpu.memory_space<hbm>>
    %dma_wait3A_513 = arith.constant 0 : i32
    %dma_wait3A_514 = arith.constant 0 : i32
    %dma_wait3A_515 = tpu.memref_slice %arg4[%mul3A_4, %dma_wait3A_513, %dma_wait3A_514] : memref<4096x56x128xf32, #tpu.memory_space<hbm>> -> memref<1x50x64xf32, #tpu.memory_space<hbm>>
    %dma_wait3A_516 = tpu.memref_squeeze %dma_wait3A_515 : memref<1x50x64xf32, #tpu.memory_space<hbm>> -> memref<50x64xf32, #tpu.memory_space<hbm>>
    %dma_wait3A_517 = arith.constant 700 : i32
    %dma_wait3A_518 = arith.constant 0 : i32
    %dma_wait3A_519 = tpu.memref_slice %arg6[%dma_wait3A_517, %dma_wait3A_518] : memref<800x64xf32, #tpu.memory_space<vmem>> -> memref<50x64xf32, #tpu.memory_space<vmem>>
    tpu.wait_dma2 semaphore(%arg10 : memref<!tpu.dma_semaphore, #tpu.memory_space<semaphore_mem>>) src(%dma_wait3A_519 : memref<50x64xf32, #tpu.memory_space<vmem>>) dst(%dma_wait3A_516 : memref<50x64xf32, #tpu.memory_space<hbm>>)
    %dma_wait3A_520 = arith.constant 750 : i32
    %dma_wait3A_521 = arith.constant 0 : i32
    %dma_wait3A_522 = tpu.memref_slice %arg6[%dma_wait3A_520, %dma_wait3A_521] : memref<800x64xf32, #tpu.memory_space<vmem>> -> memref<50x64xf32, #tpu.memory_space<vmem>>
    %dma_wait3A_523 = arith.constant 0 : i32
    %dma_wait3A_524 = arith.constant 0 : i32
    %dma_wait3A_525 = tpu.memref_slice %arg4[%mul3A_4, %dma_wait3A_523, %dma_wait3A_524] : memref<4096x56x128xf32, #tpu.memory_space<hbm>> -> memref<1x50x64xf32, #tpu.memory_space<hbm>>
    %dma_wait3A_526 = tpu.memref_squeeze %dma_wait3A_525 : memref<1x50x64xf32, #tpu.memory_space<hbm>> -> memref<50x64xf32, #tpu.memory_space<hbm>>
    %dma_wait3A_527 = arith.constant 0 : i32
    %dma_wait3A_528 = arith.constant 0 : i32
    %dma_wait3A_529 = tpu.memref_slice %arg4[%mul3A_4, %dma_wait3A_527, %dma_wait3A_528] : memref<4096x56x128xf32, #tpu.memory_space<hbm>> -> memref<1x50x64xf32, #tpu.memory_space<hbm>>
    %dma_wait3A_530 = tpu.memref_squeeze %dma_wait3A_529 : memref<1x50x64xf32, #tpu.memory_space<hbm>> -> memref<50x64xf32, #tpu.memory_space<hbm>>
    %dma_wait3A_531 = arith.constant 750 : i32
    %dma_wait3A_532 = arith.constant 0 : i32
    %dma_wait3A_533 = tpu.memref_slice %arg6[%dma_wait3A_531, %dma_wait3A_532] : memref<800x64xf32, #tpu.memory_space<vmem>> -> memref<50x64xf32, #tpu.memory_space<vmem>>
    tpu.wait_dma2 semaphore(%arg10 : memref<!tpu.dma_semaphore, #tpu.memory_space<semaphore_mem>>) src(%dma_wait3A_533 : memref<50x64xf32, #tpu.memory_space<vmem>>) dst(%dma_wait3A_530 : memref<50x64xf32, #tpu.memory_space<hbm>>)
    %dma_wait3A_534 = arith.constant 0 : i32
    %dma_wait3A_535 = tpu.memref_slice %arg5[%dma_wait3A_534] : memref<6400xi32, #tpu.memory_space<vmem>> -> memref<800xi32, #tpu.memory_space<vmem>>
    %dma_wait3A_536 = arith.constant 0 : i32
    %dma_wait3A_537 = arith.constant 0 : i32
    %dma_wait3A_538 = tpu.memref_slice %arg2[%dma_wait3A_536, %dma_wait3A_537] : memref<1000000x64xf32, #tpu.memory_space<hbm>> -> memref<1000000x64xf32, #tpu.memory_space<hbm>>
    tpu.wait_indirect_dma semaphore(%arg9 : memref<!tpu.dma_semaphore, #tpu.memory_space<semaphore_mem>>) src(%dma_wait3A_538 : memref<1000000x64xf32, #tpu.memory_space<hbm>>) dst(%arg7 : memref<800x64xf32, #tpu.memory_space<vmem>>)
    %add3A_539 = arith.constant 112 : i32
    %add3A_540 = arith.addi %mul3A_4, %add3A_539 : i32
    %add3A_541 = arith.constant 0 : i32
    %add3A_542 = arith.addi %add3A_540, %add3A_541 : i32
    %dma_start3A_543 = arith.constant 0 : i32
    %dma_start3A_544 = arith.constant 0 : i32
    %dma_start3A_545 = tpu.memref_slice %arg7[%dma_start3A_543, %dma_start3A_544] : memref<800x64xf32, #tpu.memory_space<vmem>> -> memref<50x64xf32, #tpu.memory_space<vmem>>
    %dma_start3A_546 = arith.constant 0 : i32
    %dma_start3A_547 = arith.constant 0 : i32
    %dma_start3A_548 = tpu.memref_slice %arg4[%add3A_542, %dma_start3A_546, %dma_start3A_547] : memref<4096x56x128xf32, #tpu.memory_space<hbm>> -> memref<1x50x64xf32, #tpu.memory_space<hbm>>
    %dma_start3A_549 = tpu.memref_squeeze %dma_start3A_548 : memref<1x50x64xf32, #tpu.memory_space<hbm>> -> memref<50x64xf32, #tpu.memory_space<hbm>>
    %dma_start3A_550 = arith.constant 0 : i32
    %dma_start3A_551 = arith.constant 0 : i32
    %dma_start3A_552 = tpu.memref_slice %arg4[%add3A_542, %dma_start3A_550, %dma_start3A_551] : memref<4096x56x128xf32, #tpu.memory_space<hbm>> -> memref<1x50x64xf32, #tpu.memory_space<hbm>>
    %dma_start3A_553 = tpu.memref_squeeze %dma_start3A_552 : memref<1x50x64xf32, #tpu.memory_space<hbm>> -> memref<50x64xf32, #tpu.memory_space<hbm>>
    %dma_start3A_554 = arith.constant 0 : i32
    %dma_start3A_555 = arith.constant 0 : i32
    %dma_start3A_556 = tpu.memref_slice %arg7[%dma_start3A_554, %dma_start3A_555] : memref<800x64xf32, #tpu.memory_space<vmem>> -> memref<50x64xf32, #tpu.memory_space<vmem>>
    tpu.enqueue_dma source(%dma_start3A_556 : memref<50x64xf32, #tpu.memory_space<vmem>>) target(%dma_start3A_553 : memref<50x64xf32, #tpu.memory_space<hbm>>) target_semaphore(%arg11 : memref<!tpu.dma_semaphore, #tpu.memory_space<semaphore_mem>>)
    %add3A_557 = arith.constant 112 : i32
    %add3A_558 = arith.addi %mul3A_4, %add3A_557 : i32
    %add3A_559 = arith.constant 1 : i32
    %add3A_560 = arith.addi %add3A_558, %add3A_559 : i32
    %dma_start3A_561 = arith.constant 50 : i32
    %dma_start3A_562 = arith.constant 0 : i32
    %dma_start3A_563 = tpu.memref_slice %arg7[%dma_start3A_561, %dma_start3A_562] : memref<800x64xf32, #tpu.memory_space<vmem>> -> memref<50x64xf32, #tpu.memory_space<vmem>>
    %dma_start3A_564 = arith.constant 0 : i32
    %dma_start3A_565 = arith.constant 0 : i32
    %dma_start3A_566 = tpu.memref_slice %arg4[%add3A_560, %dma_start3A_564, %dma_start3A_565] : memref<4096x56x128xf32, #tpu.memory_space<hbm>> -> memref<1x50x64xf32, #tpu.memory_space<hbm>>
    %dma_start3A_567 = tpu.memref_squeeze %dma_start3A_566 : memref<1x50x64xf32, #tpu.memory_space<hbm>> -> memref<50x64xf32, #tpu.memory_space<hbm>>
    %dma_start3A_568 = arith.constant 0 : i32
    %dma_start3A_569 = arith.constant 0 : i32
    %dma_start3A_570 = tpu.memref_slice %arg4[%add3A_560, %dma_start3A_568, %dma_start3A_569] : memref<4096x56x128xf32, #tpu.memory_space<hbm>> -> memref<1x50x64xf32, #tpu.memory_space<hbm>>
    %dma_start3A_571 = tpu.memref_squeeze %dma_start3A_570 : memref<1x50x64xf32, #tpu.memory_space<hbm>> -> memref<50x64xf32, #tpu.memory_space<hbm>>
    %dma_start3A_572 = arith.constant 50 : i32
    %dma_start3A_573 = arith.constant 0 : i32
    %dma_start3A_574 = tpu.memref_slice %arg7[%dma_start3A_572, %dma_start3A_573] : memref<800x64xf32, #tpu.memory_space<vmem>> -> memref<50x64xf32, #tpu.memory_space<vmem>>
    tpu.enqueue_dma source(%dma_start3A_574 : memref<50x64xf32, #tpu.memory_space<vmem>>) target(%dma_start3A_571 : memref<50x64xf32, #tpu.memory_space<hbm>>) target_semaphore(%arg11 : memref<!tpu.dma_semaphore, #tpu.memory_space<semaphore_mem>>)
    %add3A_575 = arith.constant 112 : i32
    %add3A_576 = arith.addi %mul3A_4, %add3A_575 : i32
    %add3A_577 = arith.constant 2 : i32
    %add3A_578 = arith.addi %add3A_576, %add3A_577 : i32
    %dma_start3A_579 = arith.constant 100 : i32
    %dma_start3A_580 = arith.constant 0 : i32
    %dma_start3A_581 = tpu.memref_slice %arg7[%dma_start3A_579, %dma_start3A_580] : memref<800x64xf32, #tpu.memory_space<vmem>> -> memref<50x64xf32, #tpu.memory_space<vmem>>
    %dma_start3A_582 = arith.constant 0 : i32
    %dma_start3A_583 = arith.constant 0 : i32
    %dma_start3A_584 = tpu.memref_slice %arg4[%add3A_578, %dma_start3A_582, %dma_start3A_583] : memref<4096x56x128xf32, #tpu.memory_space<hbm>> -> memref<1x50x64xf32, #tpu.memory_space<hbm>>
    %dma_start3A_585 = tpu.memref_squeeze %dma_start3A_584 : memref<1x50x64xf32, #tpu.memory_space<hbm>> -> memref<50x64xf32, #tpu.memory_space<hbm>>
    %dma_start3A_586 = arith.constant 0 : i32
    %dma_start3A_587 = arith.constant 0 : i32
    %dma_start3A_588 = tpu.memref_slice %arg4[%add3A_578, %dma_start3A_586, %dma_start3A_587] : memref<4096x56x128xf32, #tpu.memory_space<hbm>> -> memref<1x50x64xf32, #tpu.memory_space<hbm>>
    %dma_start3A_589 = tpu.memref_squeeze %dma_start3A_588 : memref<1x50x64xf32, #tpu.memory_space<hbm>> -> memref<50x64xf32, #tpu.memory_space<hbm>>
    %dma_start3A_590 = arith.constant 100 : i32
    %dma_start3A_591 = arith.constant 0 : i32
    %dma_start3A_592 = tpu.memref_slice %arg7[%dma_start3A_590, %dma_start3A_591] : memref<800x64xf32, #tpu.memory_space<vmem>> -> memref<50x64xf32, #tpu.memory_space<vmem>>
    tpu.enqueue_dma source(%dma_start3A_592 : memref<50x64xf32, #tpu.memory_space<vmem>>) target(%dma_start3A_589 : memref<50x64xf32, #tpu.memory_space<hbm>>) target_semaphore(%arg11 : memref<!tpu.dma_semaphore, #tpu.memory_space<semaphore_mem>>)
    %add3A_593 = arith.constant 112 : i32
    %add3A_594 = arith.addi %mul3A_4, %add3A_593 : i32
    %add3A_595 = arith.constant 3 : i32
    %add3A_596 = arith.addi %add3A_594, %add3A_595 : i32
    %dma_start3A_597 = arith.constant 150 : i32
    %dma_start3A_598 = arith.constant 0 : i32
    %dma_start3A_599 = tpu.memref_slice %arg7[%dma_start3A_597, %dma_start3A_598] : memref<800x64xf32, #tpu.memory_space<vmem>> -> memref<50x64xf32, #tpu.memory_space<vmem>>
    %dma_start3A_600 = arith.constant 0 : i32
    %dma_start3A_601 = arith.constant 0 : i32
    %dma_start3A_602 = tpu.memref_slice %arg4[%add3A_596, %dma_start3A_600, %dma_start3A_601] : memref<4096x56x128xf32, #tpu.memory_space<hbm>> -> memref<1x50x64xf32, #tpu.memory_space<hbm>>
    %dma_start3A_603 = tpu.memref_squeeze %dma_start3A_602 : memref<1x50x64xf32, #tpu.memory_space<hbm>> -> memref<50x64xf32, #tpu.memory_space<hbm>>
    %dma_start3A_604 = arith.constant 0 : i32
    %dma_start3A_605 = arith.constant 0 : i32
    %dma_start3A_606 = tpu.memref_slice %arg4[%add3A_596, %dma_start3A_604, %dma_start3A_605] : memref<4096x56x128xf32, #tpu.memory_space<hbm>> -> memref<1x50x64xf32, #tpu.memory_space<hbm>>
    %dma_start3A_607 = tpu.memref_squeeze %dma_start3A_606 : memref<1x50x64xf32, #tpu.memory_space<hbm>> -> memref<50x64xf32, #tpu.memory_space<hbm>>
    %dma_start3A_608 = arith.constant 150 : i32
    %dma_start3A_609 = arith.constant 0 : i32
    %dma_start3A_610 = tpu.memref_slice %arg7[%dma_start3A_608, %dma_start3A_609] : memref<800x64xf32, #tpu.memory_space<vmem>> -> memref<50x64xf32, #tpu.memory_space<vmem>>
    tpu.enqueue_dma source(%dma_start3A_610 : memref<50x64xf32, #tpu.memory_space<vmem>>) target(%dma_start3A_607 : memref<50x64xf32, #tpu.memory_space<hbm>>) target_semaphore(%arg11 : memref<!tpu.dma_semaphore, #tpu.memory_space<semaphore_mem>>)
    %add3A_611 = arith.constant 112 : i32
    %add3A_612 = arith.addi %mul3A_4, %add3A_611 : i32
    %add3A_613 = arith.constant 4 : i32
    %add3A_614 = arith.addi %add3A_612, %add3A_613 : i32
    %dma_start3A_615 = arith.constant 200 : i32
    %dma_start3A_616 = arith.constant 0 : i32
    %dma_start3A_617 = tpu.memref_slice %arg7[%dma_start3A_615, %dma_start3A_616] : memref<800x64xf32, #tpu.memory_space<vmem>> -> memref<50x64xf32, #tpu.memory_space<vmem>>
    %dma_start3A_618 = arith.constant 0 : i32
    %dma_start3A_619 = arith.constant 0 : i32
    %dma_start3A_620 = tpu.memref_slice %arg4[%add3A_614, %dma_start3A_618, %dma_start3A_619] : memref<4096x56x128xf32, #tpu.memory_space<hbm>> -> memref<1x50x64xf32, #tpu.memory_space<hbm>>
    %dma_start3A_621 = tpu.memref_squeeze %dma_start3A_620 : memref<1x50x64xf32, #tpu.memory_space<hbm>> -> memref<50x64xf32, #tpu.memory_space<hbm>>
    %dma_start3A_622 = arith.constant 0 : i32
    %dma_start3A_623 = arith.constant 0 : i32
    %dma_start3A_624 = tpu.memref_slice %arg4[%add3A_614, %dma_start3A_622, %dma_start3A_623] : memref<4096x56x128xf32, #tpu.memory_space<hbm>> -> memref<1x50x64xf32, #tpu.memory_space<hbm>>
    %dma_start3A_625 = tpu.memref_squeeze %dma_start3A_624 : memref<1x50x64xf32, #tpu.memory_space<hbm>> -> memref<50x64xf32, #tpu.memory_space<hbm>>
    %dma_start3A_626 = arith.constant 200 : i32
    %dma_start3A_627 = arith.constant 0 : i32
    %dma_start3A_628 = tpu.memref_slice %arg7[%dma_start3A_626, %dma_start3A_627] : memref<800x64xf32, #tpu.memory_space<vmem>> -> memref<50x64xf32, #tpu.memory_space<vmem>>
    tpu.enqueue_dma source(%dma_start3A_628 : memref<50x64xf32, #tpu.memory_space<vmem>>) target(%dma_start3A_625 : memref<50x64xf32, #tpu.memory_space<hbm>>) target_semaphore(%arg11 : memref<!tpu.dma_semaphore, #tpu.memory_space<semaphore_mem>>)
    %add3A_629 = arith.constant 112 : i32
    %add3A_630 = arith.addi %mul3A_4, %add3A_629 : i32
    %add3A_631 = arith.constant 5 : i32
    %add3A_632 = arith.addi %add3A_630, %add3A_631 : i32
    %dma_start3A_633 = arith.constant 250 : i32
    %dma_start3A_634 = arith.constant 0 : i32
    %dma_start3A_635 = tpu.memref_slice %arg7[%dma_start3A_633, %dma_start3A_634] : memref<800x64xf32, #tpu.memory_space<vmem>> -> memref<50x64xf32, #tpu.memory_space<vmem>>
    %dma_start3A_636 = arith.constant 0 : i32
    %dma_start3A_637 = arith.constant 0 : i32
    %dma_start3A_638 = tpu.memref_slice %arg4[%add3A_632, %dma_start3A_636, %dma_start3A_637] : memref<4096x56x128xf32, #tpu.memory_space<hbm>> -> memref<1x50x64xf32, #tpu.memory_space<hbm>>
    %dma_start3A_639 = tpu.memref_squeeze %dma_start3A_638 : memref<1x50x64xf32, #tpu.memory_space<hbm>> -> memref<50x64xf32, #tpu.memory_space<hbm>>
    %dma_start3A_640 = arith.constant 0 : i32
    %dma_start3A_641 = arith.constant 0 : i32
    %dma_start3A_642 = tpu.memref_slice %arg4[%add3A_632, %dma_start3A_640, %dma_start3A_641] : memref<4096x56x128xf32, #tpu.memory_space<hbm>> -> memref<1x50x64xf32, #tpu.memory_space<hbm>>
    %dma_start3A_643 = tpu.memref_squeeze %dma_start3A_642 : memref<1x50x64xf32, #tpu.memory_space<hbm>> -> memref<50x64xf32, #tpu.memory_space<hbm>>
    %dma_start3A_644 = arith.constant 250 : i32
    %dma_start3A_645 = arith.constant 0 : i32
    %dma_start3A_646 = tpu.memref_slice %arg7[%dma_start3A_644, %dma_start3A_645] : memref<800x64xf32, #tpu.memory_space<vmem>> -> memref<50x64xf32, #tpu.memory_space<vmem>>
    tpu.enqueue_dma source(%dma_start3A_646 : memref<50x64xf32, #tpu.memory_space<vmem>>) target(%dma_start3A_643 : memref<50x64xf32, #tpu.memory_space<hbm>>) target_semaphore(%arg11 : memref<!tpu.dma_semaphore, #tpu.memory_space<semaphore_mem>>)
    %add3A_647 = arith.constant 112 : i32
    %add3A_648 = arith.addi %mul3A_4, %add3A_647 : i32
    %add3A_649 = arith.constant 6 : i32
    %add3A_650 = arith.addi %add3A_648, %add3A_649 : i32
    %dma_start3A_651 = arith.constant 300 : i32
    %dma_start3A_652 = arith.constant 0 : i32
    %dma_start3A_653 = tpu.memref_slice %arg7[%dma_start3A_651, %dma_start3A_652] : memref<800x64xf32, #tpu.memory_space<vmem>> -> memref<50x64xf32, #tpu.memory_space<vmem>>
    %dma_start3A_654 = arith.constant 0 : i32
    %dma_start3A_655 = arith.constant 0 : i32
    %dma_start3A_656 = tpu.memref_slice %arg4[%add3A_650, %dma_start3A_654, %dma_start3A_655] : memref<4096x56x128xf32, #tpu.memory_space<hbm>> -> memref<1x50x64xf32, #tpu.memory_space<hbm>>
    %dma_start3A_657 = tpu.memref_squeeze %dma_start3A_656 : memref<1x50x64xf32, #tpu.memory_space<hbm>> -> memref<50x64xf32, #tpu.memory_space<hbm>>
    %dma_start3A_658 = arith.constant 0 : i32
    %dma_start3A_659 = arith.constant 0 : i32
    %dma_start3A_660 = tpu.memref_slice %arg4[%add3A_650, %dma_start3A_658, %dma_start3A_659] : memref<4096x56x128xf32, #tpu.memory_space<hbm>> -> memref<1x50x64xf32, #tpu.memory_space<hbm>>
    %dma_start3A_661 = tpu.memref_squeeze %dma_start3A_660 : memref<1x50x64xf32, #tpu.memory_space<hbm>> -> memref<50x64xf32, #tpu.memory_space<hbm>>
    %dma_start3A_662 = arith.constant 300 : i32
    %dma_start3A_663 = arith.constant 0 : i32
    %dma_start3A_664 = tpu.memref_slice %arg7[%dma_start3A_662, %dma_start3A_663] : memref<800x64xf32, #tpu.memory_space<vmem>> -> memref<50x64xf32, #tpu.memory_space<vmem>>
    tpu.enqueue_dma source(%dma_start3A_664 : memref<50x64xf32, #tpu.memory_space<vmem>>) target(%dma_start3A_661 : memref<50x64xf32, #tpu.memory_space<hbm>>) target_semaphore(%arg11 : memref<!tpu.dma_semaphore, #tpu.memory_space<semaphore_mem>>)
    %add3A_665 = arith.constant 112 : i32
    %add3A_666 = arith.addi %mul3A_4, %add3A_665 : i32
    %add3A_667 = arith.constant 7 : i32
    %add3A_668 = arith.addi %add3A_666, %add3A_667 : i32
    %dma_start3A_669 = arith.constant 350 : i32
    %dma_start3A_670 = arith.constant 0 : i32
    %dma_start3A_671 = tpu.memref_slice %arg7[%dma_start3A_669, %dma_start3A_670] : memref<800x64xf32, #tpu.memory_space<vmem>> -> memref<50x64xf32, #tpu.memory_space<vmem>>
    %dma_start3A_672 = arith.constant 0 : i32
    %dma_start3A_673 = arith.constant 0 : i32
    %dma_start3A_674 = tpu.memref_slice %arg4[%add3A_668, %dma_start3A_672, %dma_start3A_673] : memref<4096x56x128xf32, #tpu.memory_space<hbm>> -> memref<1x50x64xf32, #tpu.memory_space<hbm>>
    %dma_start3A_675 = tpu.memref_squeeze %dma_start3A_674 : memref<1x50x64xf32, #tpu.memory_space<hbm>> -> memref<50x64xf32, #tpu.memory_space<hbm>>
    %dma_start3A_676 = arith.constant 0 : i32
    %dma_start3A_677 = arith.constant 0 : i32
    %dma_start3A_678 = tpu.memref_slice %arg4[%add3A_668, %dma_start3A_676, %dma_start3A_677] : memref<4096x56x128xf32, #tpu.memory_space<hbm>> -> memref<1x50x64xf32, #tpu.memory_space<hbm>>
    %dma_start3A_679 = tpu.memref_squeeze %dma_start3A_678 : memref<1x50x64xf32, #tpu.memory_space<hbm>> -> memref<50x64xf32, #tpu.memory_space<hbm>>
    %dma_start3A_680 = arith.constant 350 : i32
    %dma_start3A_681 = arith.constant 0 : i32
    %dma_start3A_682 = tpu.memref_slice %arg7[%dma_start3A_680, %dma_start3A_681] : memref<800x64xf32, #tpu.memory_space<vmem>> -> memref<50x64xf32, #tpu.memory_space<vmem>>
    tpu.enqueue_dma source(%dma_start3A_682 : memref<50x64xf32, #tpu.memory_space<vmem>>) target(%dma_start3A_679 : memref<50x64xf32, #tpu.memory_space<hbm>>) target_semaphore(%arg11 : memref<!tpu.dma_semaphore, #tpu.memory_space<semaphore_mem>>)
    %add3A_683 = arith.constant 112 : i32
    %add3A_684 = arith.addi %mul3A_4, %add3A_683 : i32
    %add3A_685 = arith.constant 8 : i32
    %add3A_686 = arith.addi %add3A_684, %add3A_685 : i32
    %dma_start3A_687 = arith.constant 400 : i32
    %dma_start3A_688 = arith.constant 0 : i32
    %dma_start3A_689 = tpu.memref_slice %arg7[%dma_start3A_687, %dma_start3A_688] : memref<800x64xf32, #tpu.memory_space<vmem>> -> memref<50x64xf32, #tpu.memory_space<vmem>>
    %dma_start3A_690 = arith.constant 0 : i32
    %dma_start3A_691 = arith.constant 0 : i32
    %dma_start3A_692 = tpu.memref_slice %arg4[%add3A_686, %dma_start3A_690, %dma_start3A_691] : memref<4096x56x128xf32, #tpu.memory_space<hbm>> -> memref<1x50x64xf32, #tpu.memory_space<hbm>>
    %dma_start3A_693 = tpu.memref_squeeze %dma_start3A_692 : memref<1x50x64xf32, #tpu.memory_space<hbm>> -> memref<50x64xf32, #tpu.memory_space<hbm>>
    %dma_start3A_694 = arith.constant 0 : i32
    %dma_start3A_695 = arith.constant 0 : i32
    %dma_start3A_696 = tpu.memref_slice %arg4[%add3A_686, %dma_start3A_694, %dma_start3A_695] : memref<4096x56x128xf32, #tpu.memory_space<hbm>> -> memref<1x50x64xf32, #tpu.memory_space<hbm>>
    %dma_start3A_697 = tpu.memref_squeeze %dma_start3A_696 : memref<1x50x64xf32, #tpu.memory_space<hbm>> -> memref<50x64xf32, #tpu.memory_space<hbm>>
    %dma_start3A_698 = arith.constant 400 : i32
    %dma_start3A_699 = arith.constant 0 : i32
    %dma_start3A_700 = tpu.memref_slice %arg7[%dma_start3A_698, %dma_start3A_699] : memref<800x64xf32, #tpu.memory_space<vmem>> -> memref<50x64xf32, #tpu.memory_space<vmem>>
    tpu.enqueue_dma source(%dma_start3A_700 : memref<50x64xf32, #tpu.memory_space<vmem>>) target(%dma_start3A_697 : memref<50x64xf32, #tpu.memory_space<hbm>>) target_semaphore(%arg11 : memref<!tpu.dma_semaphore, #tpu.memory_space<semaphore_mem>>)
    %add3A_701 = arith.constant 112 : i32
    %add3A_702 = arith.addi %mul3A_4, %add3A_701 : i32
    %add3A_703 = arith.constant 9 : i32
    %add3A_704 = arith.addi %add3A_702, %add3A_703 : i32
    %dma_start3A_705 = arith.constant 450 : i32
    %dma_start3A_706 = arith.constant 0 : i32
    %dma_start3A_707 = tpu.memref_slice %arg7[%dma_start3A_705, %dma_start3A_706] : memref<800x64xf32, #tpu.memory_space<vmem>> -> memref<50x64xf32, #tpu.memory_space<vmem>>
    %dma_start3A_708 = arith.constant 0 : i32
    %dma_start3A_709 = arith.constant 0 : i32
    %dma_start3A_710 = tpu.memref_slice %arg4[%add3A_704, %dma_start3A_708, %dma_start3A_709] : memref<4096x56x128xf32, #tpu.memory_space<hbm>> -> memref<1x50x64xf32, #tpu.memory_space<hbm>>
    %dma_start3A_711 = tpu.memref_squeeze %dma_start3A_710 : memref<1x50x64xf32, #tpu.memory_space<hbm>> -> memref<50x64xf32, #tpu.memory_space<hbm>>
    %dma_start3A_712 = arith.constant 0 : i32
    %dma_start3A_713 = arith.constant 0 : i32
    %dma_start3A_714 = tpu.memref_slice %arg4[%add3A_704, %dma_start3A_712, %dma_start3A_713] : memref<4096x56x128xf32, #tpu.memory_space<hbm>> -> memref<1x50x64xf32, #tpu.memory_space<hbm>>
    %dma_start3A_715 = tpu.memref_squeeze %dma_start3A_714 : memref<1x50x64xf32, #tpu.memory_space<hbm>> -> memref<50x64xf32, #tpu.memory_space<hbm>>
    %dma_start3A_716 = arith.constant 450 : i32
    %dma_start3A_717 = arith.constant 0 : i32
    %dma_start3A_718 = tpu.memref_slice %arg7[%dma_start3A_716, %dma_start3A_717] : memref<800x64xf32, #tpu.memory_space<vmem>> -> memref<50x64xf32, #tpu.memory_space<vmem>>
    tpu.enqueue_dma source(%dma_start3A_718 : memref<50x64xf32, #tpu.memory_space<vmem>>) target(%dma_start3A_715 : memref<50x64xf32, #tpu.memory_space<hbm>>) target_semaphore(%arg11 : memref<!tpu.dma_semaphore, #tpu.memory_space<semaphore_mem>>)
    %add3A_719 = arith.constant 112 : i32
    %add3A_720 = arith.addi %mul3A_4, %add3A_719 : i32
    %add3A_721 = arith.constant 10 : i32
    %add3A_722 = arith.addi %add3A_720, %add3A_721 : i32
    %dma_start3A_723 = arith.constant 500 : i32
    %dma_start3A_724 = arith.constant 0 : i32
    %dma_start3A_725 = tpu.memref_slice %arg7[%dma_start3A_723, %dma_start3A_724] : memref<800x64xf32, #tpu.memory_space<vmem>> -> memref<50x64xf32, #tpu.memory_space<vmem>>
    %dma_start3A_726 = arith.constant 0 : i32
    %dma_start3A_727 = arith.constant 0 : i32
    %dma_start3A_728 = tpu.memref_slice %arg4[%add3A_722, %dma_start3A_726, %dma_start3A_727] : memref<4096x56x128xf32, #tpu.memory_space<hbm>> -> memref<1x50x64xf32, #tpu.memory_space<hbm>>
    %dma_start3A_729 = tpu.memref_squeeze %dma_start3A_728 : memref<1x50x64xf32, #tpu.memory_space<hbm>> -> memref<50x64xf32, #tpu.memory_space<hbm>>
    %dma_start3A_730 = arith.constant 0 : i32
    %dma_start3A_731 = arith.constant 0 : i32
    %dma_start3A_732 = tpu.memref_slice %arg4[%add3A_722, %dma_start3A_730, %dma_start3A_731] : memref<4096x56x128xf32, #tpu.memory_space<hbm>> -> memref<1x50x64xf32, #tpu.memory_space<hbm>>
    %dma_start3A_733 = tpu.memref_squeeze %dma_start3A_732 : memref<1x50x64xf32, #tpu.memory_space<hbm>> -> memref<50x64xf32, #tpu.memory_space<hbm>>
    %dma_start3A_734 = arith.constant 500 : i32
    %dma_start3A_735 = arith.constant 0 : i32
    %dma_start3A_736 = tpu.memref_slice %arg7[%dma_start3A_734, %dma_start3A_735] : memref<800x64xf32, #tpu.memory_space<vmem>> -> memref<50x64xf32, #tpu.memory_space<vmem>>
    tpu.enqueue_dma source(%dma_start3A_736 : memref<50x64xf32, #tpu.memory_space<vmem>>) target(%dma_start3A_733 : memref<50x64xf32, #tpu.memory_space<hbm>>) target_semaphore(%arg11 : memref<!tpu.dma_semaphore, #tpu.memory_space<semaphore_mem>>)
    %add3A_737 = arith.constant 112 : i32
    %add3A_738 = arith.addi %mul3A_4, %add3A_737 : i32
    %add3A_739 = arith.constant 11 : i32
    %add3A_740 = arith.addi %add3A_738, %add3A_739 : i32
    %dma_start3A_741 = arith.constant 550 : i32
    %dma_start3A_742 = arith.constant 0 : i32
    %dma_start3A_743 = tpu.memref_slice %arg7[%dma_start3A_741, %dma_start3A_742] : memref<800x64xf32, #tpu.memory_space<vmem>> -> memref<50x64xf32, #tpu.memory_space<vmem>>
    %dma_start3A_744 = arith.constant 0 : i32
    %dma_start3A_745 = arith.constant 0 : i32
    %dma_start3A_746 = tpu.memref_slice %arg4[%add3A_740, %dma_start3A_744, %dma_start3A_745] : memref<4096x56x128xf32, #tpu.memory_space<hbm>> -> memref<1x50x64xf32, #tpu.memory_space<hbm>>
    %dma_start3A_747 = tpu.memref_squeeze %dma_start3A_746 : memref<1x50x64xf32, #tpu.memory_space<hbm>> -> memref<50x64xf32, #tpu.memory_space<hbm>>
    %dma_start3A_748 = arith.constant 0 : i32
    %dma_start3A_749 = arith.constant 0 : i32
    %dma_start3A_750 = tpu.memref_slice %arg4[%add3A_740, %dma_start3A_748, %dma_start3A_749] : memref<4096x56x128xf32, #tpu.memory_space<hbm>> -> memref<1x50x64xf32, #tpu.memory_space<hbm>>
    %dma_start3A_751 = tpu.memref_squeeze %dma_start3A_750 : memref<1x50x64xf32, #tpu.memory_space<hbm>> -> memref<50x64xf32, #tpu.memory_space<hbm>>
    %dma_start3A_752 = arith.constant 550 : i32
    %dma_start3A_753 = arith.constant 0 : i32
    %dma_start3A_754 = tpu.memref_slice %arg7[%dma_start3A_752, %dma_start3A_753] : memref<800x64xf32, #tpu.memory_space<vmem>> -> memref<50x64xf32, #tpu.memory_space<vmem>>
    tpu.enqueue_dma source(%dma_start3A_754 : memref<50x64xf32, #tpu.memory_space<vmem>>) target(%dma_start3A_751 : memref<50x64xf32, #tpu.memory_space<hbm>>) target_semaphore(%arg11 : memref<!tpu.dma_semaphore, #tpu.memory_space<semaphore_mem>>)
    %add3A_755 = arith.constant 112 : i32
    %add3A_756 = arith.addi %mul3A_4, %add3A_755 : i32
    %add3A_757 = arith.constant 12 : i32
    %add3A_758 = arith.addi %add3A_756, %add3A_757 : i32
    %dma_start3A_759 = arith.constant 600 : i32
    %dma_start3A_760 = arith.constant 0 : i32
    %dma_start3A_761 = tpu.memref_slice %arg7[%dma_start3A_759, %dma_start3A_760] : memref<800x64xf32, #tpu.memory_space<vmem>> -> memref<50x64xf32, #tpu.memory_space<vmem>>
    %dma_start3A_762 = arith.constant 0 : i32
    %dma_start3A_763 = arith.constant 0 : i32
    %dma_start3A_764 = tpu.memref_slice %arg4[%add3A_758, %dma_start3A_762, %dma_start3A_763] : memref<4096x56x128xf32, #tpu.memory_space<hbm>> -> memref<1x50x64xf32, #tpu.memory_space<hbm>>
    %dma_start3A_765 = tpu.memref_squeeze %dma_start3A_764 : memref<1x50x64xf32, #tpu.memory_space<hbm>> -> memref<50x64xf32, #tpu.memory_space<hbm>>
    %dma_start3A_766 = arith.constant 0 : i32
    %dma_start3A_767 = arith.constant 0 : i32
    %dma_start3A_768 = tpu.memref_slice %arg4[%add3A_758, %dma_start3A_766, %dma_start3A_767] : memref<4096x56x128xf32, #tpu.memory_space<hbm>> -> memref<1x50x64xf32, #tpu.memory_space<hbm>>
    %dma_start3A_769 = tpu.memref_squeeze %dma_start3A_768 : memref<1x50x64xf32, #tpu.memory_space<hbm>> -> memref<50x64xf32, #tpu.memory_space<hbm>>
    %dma_start3A_770 = arith.constant 600 : i32
    %dma_start3A_771 = arith.constant 0 : i32
    %dma_start3A_772 = tpu.memref_slice %arg7[%dma_start3A_770, %dma_start3A_771] : memref<800x64xf32, #tpu.memory_space<vmem>> -> memref<50x64xf32, #tpu.memory_space<vmem>>
    tpu.enqueue_dma source(%dma_start3A_772 : memref<50x64xf32, #tpu.memory_space<vmem>>) target(%dma_start3A_769 : memref<50x64xf32, #tpu.memory_space<hbm>>) target_semaphore(%arg11 : memref<!tpu.dma_semaphore, #tpu.memory_space<semaphore_mem>>)
    %add3A_773 = arith.constant 112 : i32
    %add3A_774 = arith.addi %mul3A_4, %add3A_773 : i32
    %add3A_775 = arith.constant 13 : i32
    %add3A_776 = arith.addi %add3A_774, %add3A_775 : i32
    %dma_start3A_777 = arith.constant 650 : i32
    %dma_start3A_778 = arith.constant 0 : i32
    %dma_start3A_779 = tpu.memref_slice %arg7[%dma_start3A_777, %dma_start3A_778] : memref<800x64xf32, #tpu.memory_space<vmem>> -> memref<50x64xf32, #tpu.memory_space<vmem>>
    %dma_start3A_780 = arith.constant 0 : i32
    %dma_start3A_781 = arith.constant 0 : i32
    %dma_start3A_782 = tpu.memref_slice %arg4[%add3A_776, %dma_start3A_780, %dma_start3A_781] : memref<4096x56x128xf32, #tpu.memory_space<hbm>> -> memref<1x50x64xf32, #tpu.memory_space<hbm>>
    %dma_start3A_783 = tpu.memref_squeeze %dma_start3A_782 : memref<1x50x64xf32, #tpu.memory_space<hbm>> -> memref<50x64xf32, #tpu.memory_space<hbm>>
    %dma_start3A_784 = arith.constant 0 : i32
    %dma_start3A_785 = arith.constant 0 : i32
    %dma_start3A_786 = tpu.memref_slice %arg4[%add3A_776, %dma_start3A_784, %dma_start3A_785] : memref<4096x56x128xf32, #tpu.memory_space<hbm>> -> memref<1x50x64xf32, #tpu.memory_space<hbm>>
    %dma_start3A_787 = tpu.memref_squeeze %dma_start3A_786 : memref<1x50x64xf32, #tpu.memory_space<hbm>> -> memref<50x64xf32, #tpu.memory_space<hbm>>
    %dma_start3A_788 = arith.constant 650 : i32
    %dma_start3A_789 = arith.constant 0 : i32
    %dma_start3A_790 = tpu.memref_slice %arg7[%dma_start3A_788, %dma_start3A_789] : memref<800x64xf32, #tpu.memory_space<vmem>> -> memref<50x64xf32, #tpu.memory_space<vmem>>
    tpu.enqueue_dma source(%dma_start3A_790 : memref<50x64xf32, #tpu.memory_space<vmem>>) target(%dma_start3A_787 : memref<50x64xf32, #tpu.memory_space<hbm>>) target_semaphore(%arg11 : memref<!tpu.dma_semaphore, #tpu.memory_space<semaphore_mem>>)
    %add3A_791 = arith.constant 112 : i32
    %add3A_792 = arith.addi %mul3A_4, %add3A_791 : i32
    %add3A_793 = arith.constant 14 : i32
    %add3A_794 = arith.addi %add3A_792, %add3A_793 : i32
    %dma_start3A_795 = arith.constant 700 : i32
    %dma_start3A_796 = arith.constant 0 : i32
    %dma_start3A_797 = tpu.memref_slice %arg7[%dma_start3A_795, %dma_start3A_796] : memref<800x64xf32, #tpu.memory_space<vmem>> -> memref<50x64xf32, #tpu.memory_space<vmem>>
    %dma_start3A_798 = arith.constant 0 : i32
    %dma_start3A_799 = arith.constant 0 : i32
    %dma_start3A_800 = tpu.memref_slice %arg4[%add3A_794, %dma_start3A_798, %dma_start3A_799] : memref<4096x56x128xf32, #tpu.memory_space<hbm>> -> memref<1x50x64xf32, #tpu.memory_space<hbm>>
    %dma_start3A_801 = tpu.memref_squeeze %dma_start3A_800 : memref<1x50x64xf32, #tpu.memory_space<hbm>> -> memref<50x64xf32, #tpu.memory_space<hbm>>
    %dma_start3A_802 = arith.constant 0 : i32
    %dma_start3A_803 = arith.constant 0 : i32
    %dma_start3A_804 = tpu.memref_slice %arg4[%add3A_794, %dma_start3A_802, %dma_start3A_803] : memref<4096x56x128xf32, #tpu.memory_space<hbm>> -> memref<1x50x64xf32, #tpu.memory_space<hbm>>
    %dma_start3A_805 = tpu.memref_squeeze %dma_start3A_804 : memref<1x50x64xf32, #tpu.memory_space<hbm>> -> memref<50x64xf32, #tpu.memory_space<hbm>>
    %dma_start3A_806 = arith.constant 700 : i32
    %dma_start3A_807 = arith.constant 0 : i32
    %dma_start3A_808 = tpu.memref_slice %arg7[%dma_start3A_806, %dma_start3A_807] : memref<800x64xf32, #tpu.memory_space<vmem>> -> memref<50x64xf32, #tpu.memory_space<vmem>>
    tpu.enqueue_dma source(%dma_start3A_808 : memref<50x64xf32, #tpu.memory_space<vmem>>) target(%dma_start3A_805 : memref<50x64xf32, #tpu.memory_space<hbm>>) target_semaphore(%arg11 : memref<!tpu.dma_semaphore, #tpu.memory_space<semaphore_mem>>)
    %add3A_809 = arith.constant 112 : i32
    %add3A_810 = arith.addi %mul3A_4, %add3A_809 : i32
    %add3A_811 = arith.constant 15 : i32
    %add3A_812 = arith.addi %add3A_810, %add3A_811 : i32
    %dma_start3A_813 = arith.constant 750 : i32
    %dma_start3A_814 = arith.constant 0 : i32
    %dma_start3A_815 = tpu.memref_slice %arg7[%dma_start3A_813, %dma_start3A_814] : memref<800x64xf32, #tpu.memory_space<vmem>> -> memref<50x64xf32, #tpu.memory_space<vmem>>
    %dma_start3A_816 = arith.constant 0 : i32
    %dma_start3A_817 = arith.constant 0 : i32
    %dma_start3A_818 = tpu.memref_slice %arg4[%add3A_812, %dma_start3A_816, %dma_start3A_817] : memref<4096x56x128xf32, #tpu.memory_space<hbm>> -> memref<1x50x64xf32, #tpu.memory_space<hbm>>
    %dma_start3A_819 = tpu.memref_squeeze %dma_start3A_818 : memref<1x50x64xf32, #tpu.memory_space<hbm>> -> memref<50x64xf32, #tpu.memory_space<hbm>>
    %dma_start3A_820 = arith.constant 0 : i32
    %dma_start3A_821 = arith.constant 0 : i32
    %dma_start3A_822 = tpu.memref_slice %arg4[%add3A_812, %dma_start3A_820, %dma_start3A_821] : memref<4096x56x128xf32, #tpu.memory_space<hbm>> -> memref<1x50x64xf32, #tpu.memory_space<hbm>>
    %dma_start3A_823 = tpu.memref_squeeze %dma_start3A_822 : memref<1x50x64xf32, #tpu.memory_space<hbm>> -> memref<50x64xf32, #tpu.memory_space<hbm>>
    %dma_start3A_824 = arith.constant 750 : i32
    %dma_start3A_825 = arith.constant 0 : i32
    %dma_start3A_826 = tpu.memref_slice %arg7[%dma_start3A_824, %dma_start3A_825] : memref<800x64xf32, #tpu.memory_space<vmem>> -> memref<50x64xf32, #tpu.memory_space<vmem>>
    tpu.enqueue_dma source(%dma_start3A_826 : memref<50x64xf32, #tpu.memory_space<vmem>>) target(%dma_start3A_823 : memref<50x64xf32, #tpu.memory_space<hbm>>) target_semaphore(%arg11 : memref<!tpu.dma_semaphore, #tpu.memory_space<semaphore_mem>>)
    %dma_wait3A_827 = arith.constant 0 : i32
    %dma_wait3A_828 = arith.constant 0 : i32
    %dma_wait3A_829 = tpu.memref_slice %arg7[%dma_wait3A_827, %dma_wait3A_828] : memref<800x64xf32, #tpu.memory_space<vmem>> -> memref<50x64xf32, #tpu.memory_space<vmem>>
    %dma_wait3A_830 = arith.constant 0 : i32
    %dma_wait3A_831 = arith.constant 0 : i32
    %dma_wait3A_832 = tpu.memref_slice %arg4[%mul3A_4, %dma_wait3A_830, %dma_wait3A_831] : memref<4096x56x128xf32, #tpu.memory_space<hbm>> -> memref<1x50x64xf32, #tpu.memory_space<hbm>>
    %dma_wait3A_833 = tpu.memref_squeeze %dma_wait3A_832 : memref<1x50x64xf32, #tpu.memory_space<hbm>> -> memref<50x64xf32, #tpu.memory_space<hbm>>
    %dma_wait3A_834 = arith.constant 0 : i32
    %dma_wait3A_835 = arith.constant 0 : i32
    %dma_wait3A_836 = tpu.memref_slice %arg4[%mul3A_4, %dma_wait3A_834, %dma_wait3A_835] : memref<4096x56x128xf32, #tpu.memory_space<hbm>> -> memref<1x50x64xf32, #tpu.memory_space<hbm>>
    %dma_wait3A_837 = tpu.memref_squeeze %dma_wait3A_836 : memref<1x50x64xf32, #tpu.memory_space<hbm>> -> memref<50x64xf32, #tpu.memory_space<hbm>>
    %dma_wait3A_838 = arith.constant 0 : i32
    %dma_wait3A_839 = arith.constant 0 : i32
    %dma_wait3A_840 = tpu.memref_slice %arg7[%dma_wait3A_838, %dma_wait3A_839] : memref<800x64xf32, #tpu.memory_space<vmem>> -> memref<50x64xf32, #tpu.memory_space<vmem>>
    tpu.wait_dma2 semaphore(%arg11 : memref<!tpu.dma_semaphore, #tpu.memory_space<semaphore_mem>>) src(%dma_wait3A_840 : memref<50x64xf32, #tpu.memory_space<vmem>>) dst(%dma_wait3A_837 : memref<50x64xf32, #tpu.memory_space<hbm>>)
    %dma_wait3A_841 = arith.constant 50 : i32
    %dma_wait3A_842 = arith.constant 0 : i32
    %dma_wait3A_843 = tpu.memref_slice %arg7[%dma_wait3A_841, %dma_wait3A_842] : memref<800x64xf32, #tpu.memory_space<vmem>> -> memref<50x64xf32, #tpu.memory_space<vmem>>
    %dma_wait3A_844 = arith.constant 0 : i32
    %dma_wait3A_845 = arith.constant 0 : i32
    %dma_wait3A_846 = tpu.memref_slice %arg4[%mul3A_4, %dma_wait3A_844, %dma_wait3A_845] : memref<4096x56x128xf32, #tpu.memory_space<hbm>> -> memref<1x50x64xf32, #tpu.memory_space<hbm>>
    %dma_wait3A_847 = tpu.memref_squeeze %dma_wait3A_846 : memref<1x50x64xf32, #tpu.memory_space<hbm>> -> memref<50x64xf32, #tpu.memory_space<hbm>>
    %dma_wait3A_848 = arith.constant 0 : i32
    %dma_wait3A_849 = arith.constant 0 : i32
    %dma_wait3A_850 = tpu.memref_slice %arg4[%mul3A_4, %dma_wait3A_848, %dma_wait3A_849] : memref<4096x56x128xf32, #tpu.memory_space<hbm>> -> memref<1x50x64xf32, #tpu.memory_space<hbm>>
    %dma_wait3A_851 = tpu.memref_squeeze %dma_wait3A_850 : memref<1x50x64xf32, #tpu.memory_space<hbm>> -> memref<50x64xf32, #tpu.memory_space<hbm>>
    %dma_wait3A_852 = arith.constant 50 : i32
    %dma_wait3A_853 = arith.constant 0 : i32
    %dma_wait3A_854 = tpu.memref_slice %arg7[%dma_wait3A_852, %dma_wait3A_853] : memref<800x64xf32, #tpu.memory_space<vmem>> -> memref<50x64xf32, #tpu.memory_space<vmem>>
    tpu.wait_dma2 semaphore(%arg11 : memref<!tpu.dma_semaphore, #tpu.memory_space<semaphore_mem>>) src(%dma_wait3A_854 : memref<50x64xf32, #tpu.memory_space<vmem>>) dst(%dma_wait3A_851 : memref<50x64xf32, #tpu.memory_space<hbm>>)
    %dma_wait3A_855 = arith.constant 100 : i32
    %dma_wait3A_856 = arith.constant 0 : i32
    %dma_wait3A_857 = tpu.memref_slice %arg7[%dma_wait3A_855, %dma_wait3A_856] : memref<800x64xf32, #tpu.memory_space<vmem>> -> memref<50x64xf32, #tpu.memory_space<vmem>>
    %dma_wait3A_858 = arith.constant 0 : i32
    %dma_wait3A_859 = arith.constant 0 : i32
    %dma_wait3A_860 = tpu.memref_slice %arg4[%mul3A_4, %dma_wait3A_858, %dma_wait3A_859] : memref<4096x56x128xf32, #tpu.memory_space<hbm>> -> memref<1x50x64xf32, #tpu.memory_space<hbm>>
    %dma_wait3A_861 = tpu.memref_squeeze %dma_wait3A_860 : memref<1x50x64xf32, #tpu.memory_space<hbm>> -> memref<50x64xf32, #tpu.memory_space<hbm>>
    %dma_wait3A_862 = arith.constant 0 : i32
    %dma_wait3A_863 = arith.constant 0 : i32
    %dma_wait3A_864 = tpu.memref_slice %arg4[%mul3A_4, %dma_wait3A_862, %dma_wait3A_863] : memref<4096x56x128xf32, #tpu.memory_space<hbm>> -> memref<1x50x64xf32, #tpu.memory_space<hbm>>
    %dma_wait3A_865 = tpu.memref_squeeze %dma_wait3A_864 : memref<1x50x64xf32, #tpu.memory_space<hbm>> -> memref<50x64xf32, #tpu.memory_space<hbm>>
    %dma_wait3A_866 = arith.constant 100 : i32
    %dma_wait3A_867 = arith.constant 0 : i32
    %dma_wait3A_868 = tpu.memref_slice %arg7[%dma_wait3A_866, %dma_wait3A_867] : memref<800x64xf32, #tpu.memory_space<vmem>> -> memref<50x64xf32, #tpu.memory_space<vmem>>
    tpu.wait_dma2 semaphore(%arg11 : memref<!tpu.dma_semaphore, #tpu.memory_space<semaphore_mem>>) src(%dma_wait3A_868 : memref<50x64xf32, #tpu.memory_space<vmem>>) dst(%dma_wait3A_865 : memref<50x64xf32, #tpu.memory_space<hbm>>)
    %dma_wait3A_869 = arith.constant 150 : i32
    %dma_wait3A_870 = arith.constant 0 : i32
    %dma_wait3A_871 = tpu.memref_slice %arg7[%dma_wait3A_869, %dma_wait3A_870] : memref<800x64xf32, #tpu.memory_space<vmem>> -> memref<50x64xf32, #tpu.memory_space<vmem>>
    %dma_wait3A_872 = arith.constant 0 : i32
    %dma_wait3A_873 = arith.constant 0 : i32
    %dma_wait3A_874 = tpu.memref_slice %arg4[%mul3A_4, %dma_wait3A_872, %dma_wait3A_873] : memref<4096x56x128xf32, #tpu.memory_space<hbm>> -> memref<1x50x64xf32, #tpu.memory_space<hbm>>
    %dma_wait3A_875 = tpu.memref_squeeze %dma_wait3A_874 : memref<1x50x64xf32, #tpu.memory_space<hbm>> -> memref<50x64xf32, #tpu.memory_space<hbm>>
    %dma_wait3A_876 = arith.constant 0 : i32
    %dma_wait3A_877 = arith.constant 0 : i32
    %dma_wait3A_878 = tpu.memref_slice %arg4[%mul3A_4, %dma_wait3A_876, %dma_wait3A_877] : memref<4096x56x128xf32, #tpu.memory_space<hbm>> -> memref<1x50x64xf32, #tpu.memory_space<hbm>>
    %dma_wait3A_879 = tpu.memref_squeeze %dma_wait3A_878 : memref<1x50x64xf32, #tpu.memory_space<hbm>> -> memref<50x64xf32, #tpu.memory_space<hbm>>
    %dma_wait3A_880 = arith.constant 150 : i32
    %dma_wait3A_881 = arith.constant 0 : i32
    %dma_wait3A_882 = tpu.memref_slice %arg7[%dma_wait3A_880, %dma_wait3A_881] : memref<800x64xf32, #tpu.memory_space<vmem>> -> memref<50x64xf32, #tpu.memory_space<vmem>>
    tpu.wait_dma2 semaphore(%arg11 : memref<!tpu.dma_semaphore, #tpu.memory_space<semaphore_mem>>) src(%dma_wait3A_882 : memref<50x64xf32, #tpu.memory_space<vmem>>) dst(%dma_wait3A_879 : memref<50x64xf32, #tpu.memory_space<hbm>>)
    %dma_wait3A_883 = arith.constant 200 : i32
    %dma_wait3A_884 = arith.constant 0 : i32
    %dma_wait3A_885 = tpu.memref_slice %arg7[%dma_wait3A_883, %dma_wait3A_884] : memref<800x64xf32, #tpu.memory_space<vmem>> -> memref<50x64xf32, #tpu.memory_space<vmem>>
    %dma_wait3A_886 = arith.constant 0 : i32
    %dma_wait3A_887 = arith.constant 0 : i32
    %dma_wait3A_888 = tpu.memref_slice %arg4[%mul3A_4, %dma_wait3A_886, %dma_wait3A_887] : memref<4096x56x128xf32, #tpu.memory_space<hbm>> -> memref<1x50x64xf32, #tpu.memory_space<hbm>>
    %dma_wait3A_889 = tpu.memref_squeeze %dma_wait3A_888 : memref<1x50x64xf32, #tpu.memory_space<hbm>> -> memref<50x64xf32, #tpu.memory_space<hbm>>
    %dma_wait3A_890 = arith.constant 0 : i32
    %dma_wait3A_891 = arith.constant 0 : i32
    %dma_wait3A_892 = tpu.memref_slice %arg4[%mul3A_4, %dma_wait3A_890, %dma_wait3A_891] : memref<4096x56x128xf32, #tpu.memory_space<hbm>> -> memref<1x50x64xf32, #tpu.memory_space<hbm>>
    %dma_wait3A_893 = tpu.memref_squeeze %dma_wait3A_892 : memref<1x50x64xf32, #tpu.memory_space<hbm>> -> memref<50x64xf32, #tpu.memory_space<hbm>>
    %dma_wait3A_894 = arith.constant 200 : i32
    %dma_wait3A_895 = arith.constant 0 : i32
    %dma_wait3A_896 = tpu.memref_slice %arg7[%dma_wait3A_894, %dma_wait3A_895] : memref<800x64xf32, #tpu.memory_space<vmem>> -> memref<50x64xf32, #tpu.memory_space<vmem>>
    tpu.wait_dma2 semaphore(%arg11 : memref<!tpu.dma_semaphore, #tpu.memory_space<semaphore_mem>>) src(%dma_wait3A_896 : memref<50x64xf32, #tpu.memory_space<vmem>>) dst(%dma_wait3A_893 : memref<50x64xf32, #tpu.memory_space<hbm>>)
    %dma_wait3A_897 = arith.constant 250 : i32
    %dma_wait3A_898 = arith.constant 0 : i32
    %dma_wait3A_899 = tpu.memref_slice %arg7[%dma_wait3A_897, %dma_wait3A_898] : memref<800x64xf32, #tpu.memory_space<vmem>> -> memref<50x64xf32, #tpu.memory_space<vmem>>
    %dma_wait3A_900 = arith.constant 0 : i32
    %dma_wait3A_901 = arith.constant 0 : i32
    %dma_wait3A_902 = tpu.memref_slice %arg4[%mul3A_4, %dma_wait3A_900, %dma_wait3A_901] : memref<4096x56x128xf32, #tpu.memory_space<hbm>> -> memref<1x50x64xf32, #tpu.memory_space<hbm>>
    %dma_wait3A_903 = tpu.memref_squeeze %dma_wait3A_902 : memref<1x50x64xf32, #tpu.memory_space<hbm>> -> memref<50x64xf32, #tpu.memory_space<hbm>>
    %dma_wait3A_904 = arith.constant 0 : i32
    %dma_wait3A_905 = arith.constant 0 : i32
    %dma_wait3A_906 = tpu.memref_slice %arg4[%mul3A_4, %dma_wait3A_904, %dma_wait3A_905] : memref<4096x56x128xf32, #tpu.memory_space<hbm>> -> memref<1x50x64xf32, #tpu.memory_space<hbm>>
    %dma_wait3A_907 = tpu.memref_squeeze %dma_wait3A_906 : memref<1x50x64xf32, #tpu.memory_space<hbm>> -> memref<50x64xf32, #tpu.memory_space<hbm>>
    %dma_wait3A_908 = arith.constant 250 : i32
    %dma_wait3A_909 = arith.constant 0 : i32
    %dma_wait3A_910 = tpu.memref_slice %arg7[%dma_wait3A_908, %dma_wait3A_909] : memref<800x64xf32, #tpu.memory_space<vmem>> -> memref<50x64xf32, #tpu.memory_space<vmem>>
    tpu.wait_dma2 semaphore(%arg11 : memref<!tpu.dma_semaphore, #tpu.memory_space<semaphore_mem>>) src(%dma_wait3A_910 : memref<50x64xf32, #tpu.memory_space<vmem>>) dst(%dma_wait3A_907 : memref<50x64xf32, #tpu.memory_space<hbm>>)
    %dma_wait3A_911 = arith.constant 300 : i32
    %dma_wait3A_912 = arith.constant 0 : i32
    %dma_wait3A_913 = tpu.memref_slice %arg7[%dma_wait3A_911, %dma_wait3A_912] : memref<800x64xf32, #tpu.memory_space<vmem>> -> memref<50x64xf32, #tpu.memory_space<vmem>>
    %dma_wait3A_914 = arith.constant 0 : i32
    %dma_wait3A_915 = arith.constant 0 : i32
    %dma_wait3A_916 = tpu.memref_slice %arg4[%mul3A_4, %dma_wait3A_914, %dma_wait3A_915] : memref<4096x56x128xf32, #tpu.memory_space<hbm>> -> memref<1x50x64xf32, #tpu.memory_space<hbm>>
    %dma_wait3A_917 = tpu.memref_squeeze %dma_wait3A_916 : memref<1x50x64xf32, #tpu.memory_space<hbm>> -> memref<50x64xf32, #tpu.memory_space<hbm>>
    %dma_wait3A_918 = arith.constant 0 : i32
    %dma_wait3A_919 = arith.constant 0 : i32
    %dma_wait3A_920 = tpu.memref_slice %arg4[%mul3A_4, %dma_wait3A_918, %dma_wait3A_919] : memref<4096x56x128xf32, #tpu.memory_space<hbm>> -> memref<1x50x64xf32, #tpu.memory_space<hbm>>
    %dma_wait3A_921 = tpu.memref_squeeze %dma_wait3A_920 : memref<1x50x64xf32, #tpu.memory_space<hbm>> -> memref<50x64xf32, #tpu.memory_space<hbm>>
    %dma_wait3A_922 = arith.constant 300 : i32
    %dma_wait3A_923 = arith.constant 0 : i32
    %dma_wait3A_924 = tpu.memref_slice %arg7[%dma_wait3A_922, %dma_wait3A_923] : memref<800x64xf32, #tpu.memory_space<vmem>> -> memref<50x64xf32, #tpu.memory_space<vmem>>
    tpu.wait_dma2 semaphore(%arg11 : memref<!tpu.dma_semaphore, #tpu.memory_space<semaphore_mem>>) src(%dma_wait3A_924 : memref<50x64xf32, #tpu.memory_space<vmem>>) dst(%dma_wait3A_921 : memref<50x64xf32, #tpu.memory_space<hbm>>)
    %dma_wait3A_925 = arith.constant 350 : i32
    %dma_wait3A_926 = arith.constant 0 : i32
    %dma_wait3A_927 = tpu.memref_slice %arg7[%dma_wait3A_925, %dma_wait3A_926] : memref<800x64xf32, #tpu.memory_space<vmem>> -> memref<50x64xf32, #tpu.memory_space<vmem>>
    %dma_wait3A_928 = arith.constant 0 : i32
    %dma_wait3A_929 = arith.constant 0 : i32
    %dma_wait3A_930 = tpu.memref_slice %arg4[%mul3A_4, %dma_wait3A_928, %dma_wait3A_929] : memref<4096x56x128xf32, #tpu.memory_space<hbm>> -> memref<1x50x64xf32, #tpu.memory_space<hbm>>
    %dma_wait3A_931 = tpu.memref_squeeze %dma_wait3A_930 : memref<1x50x64xf32, #tpu.memory_space<hbm>> -> memref<50x64xf32, #tpu.memory_space<hbm>>
    %dma_wait3A_932 = arith.constant 0 : i32
    %dma_wait3A_933 = arith.constant 0 : i32
    %dma_wait3A_934 = tpu.memref_slice %arg4[%mul3A_4, %dma_wait3A_932, %dma_wait3A_933] : memref<4096x56x128xf32, #tpu.memory_space<hbm>> -> memref<1x50x64xf32, #tpu.memory_space<hbm>>
    %dma_wait3A_935 = tpu.memref_squeeze %dma_wait3A_934 : memref<1x50x64xf32, #tpu.memory_space<hbm>> -> memref<50x64xf32, #tpu.memory_space<hbm>>
    %dma_wait3A_936 = arith.constant 350 : i32
    %dma_wait3A_937 = arith.constant 0 : i32
    %dma_wait3A_938 = tpu.memref_slice %arg7[%dma_wait3A_936, %dma_wait3A_937] : memref<800x64xf32, #tpu.memory_space<vmem>> -> memref<50x64xf32, #tpu.memory_space<vmem>>
    tpu.wait_dma2 semaphore(%arg11 : memref<!tpu.dma_semaphore, #tpu.memory_space<semaphore_mem>>) src(%dma_wait3A_938 : memref<50x64xf32, #tpu.memory_space<vmem>>) dst(%dma_wait3A_935 : memref<50x64xf32, #tpu.memory_space<hbm>>)
    %dma_wait3A_939 = arith.constant 400 : i32
    %dma_wait3A_940 = arith.constant 0 : i32
    %dma_wait3A_941 = tpu.memref_slice %arg7[%dma_wait3A_939, %dma_wait3A_940] : memref<800x64xf32, #tpu.memory_space<vmem>> -> memref<50x64xf32, #tpu.memory_space<vmem>>
    %dma_wait3A_942 = arith.constant 0 : i32
    %dma_wait3A_943 = arith.constant 0 : i32
    %dma_wait3A_944 = tpu.memref_slice %arg4[%mul3A_4, %dma_wait3A_942, %dma_wait3A_943] : memref<4096x56x128xf32, #tpu.memory_space<hbm>> -> memref<1x50x64xf32, #tpu.memory_space<hbm>>
    %dma_wait3A_945 = tpu.memref_squeeze %dma_wait3A_944 : memref<1x50x64xf32, #tpu.memory_space<hbm>> -> memref<50x64xf32, #tpu.memory_space<hbm>>
    %dma_wait3A_946 = arith.constant 0 : i32
    %dma_wait3A_947 = arith.constant 0 : i32
    %dma_wait3A_948 = tpu.memref_slice %arg4[%mul3A_4, %dma_wait3A_946, %dma_wait3A_947] : memref<4096x56x128xf32, #tpu.memory_space<hbm>> -> memref<1x50x64xf32, #tpu.memory_space<hbm>>
    %dma_wait3A_949 = tpu.memref_squeeze %dma_wait3A_948 : memref<1x50x64xf32, #tpu.memory_space<hbm>> -> memref<50x64xf32, #tpu.memory_space<hbm>>
    %dma_wait3A_950 = arith.constant 400 : i32
    %dma_wait3A_951 = arith.constant 0 : i32
    %dma_wait3A_952 = tpu.memref_slice %arg7[%dma_wait3A_950, %dma_wait3A_951] : memref<800x64xf32, #tpu.memory_space<vmem>> -> memref<50x64xf32, #tpu.memory_space<vmem>>
    tpu.wait_dma2 semaphore(%arg11 : memref<!tpu.dma_semaphore, #tpu.memory_space<semaphore_mem>>) src(%dma_wait3A_952 : memref<50x64xf32, #tpu.memory_space<vmem>>) dst(%dma_wait3A_949 : memref<50x64xf32, #tpu.memory_space<hbm>>)
    %dma_wait3A_953 = arith.constant 450 : i32
    %dma_wait3A_954 = arith.constant 0 : i32
    %dma_wait3A_955 = tpu.memref_slice %arg7[%dma_wait3A_953, %dma_wait3A_954] : memref<800x64xf32, #tpu.memory_space<vmem>> -> memref<50x64xf32, #tpu.memory_space<vmem>>
    %dma_wait3A_956 = arith.constant 0 : i32
    %dma_wait3A_957 = arith.constant 0 : i32
    %dma_wait3A_958 = tpu.memref_slice %arg4[%mul3A_4, %dma_wait3A_956, %dma_wait3A_957] : memref<4096x56x128xf32, #tpu.memory_space<hbm>> -> memref<1x50x64xf32, #tpu.memory_space<hbm>>
    %dma_wait3A_959 = tpu.memref_squeeze %dma_wait3A_958 : memref<1x50x64xf32, #tpu.memory_space<hbm>> -> memref<50x64xf32, #tpu.memory_space<hbm>>
    %dma_wait3A_960 = arith.constant 0 : i32
    %dma_wait3A_961 = arith.constant 0 : i32
    %dma_wait3A_962 = tpu.memref_slice %arg4[%mul3A_4, %dma_wait3A_960, %dma_wait3A_961] : memref<4096x56x128xf32, #tpu.memory_space<hbm>> -> memref<1x50x64xf32, #tpu.memory_space<hbm>>
    %dma_wait3A_963 = tpu.memref_squeeze %dma_wait3A_962 : memref<1x50x64xf32, #tpu.memory_space<hbm>> -> memref<50x64xf32, #tpu.memory_space<hbm>>
    %dma_wait3A_964 = arith.constant 450 : i32
    %dma_wait3A_965 = arith.constant 0 : i32
    %dma_wait3A_966 = tpu.memref_slice %arg7[%dma_wait3A_964, %dma_wait3A_965] : memref<800x64xf32, #tpu.memory_space<vmem>> -> memref<50x64xf32, #tpu.memory_space<vmem>>
    tpu.wait_dma2 semaphore(%arg11 : memref<!tpu.dma_semaphore, #tpu.memory_space<semaphore_mem>>) src(%dma_wait3A_966 : memref<50x64xf32, #tpu.memory_space<vmem>>) dst(%dma_wait3A_963 : memref<50x64xf32, #tpu.memory_space<hbm>>)
    %dma_wait3A_967 = arith.constant 500 : i32
    %dma_wait3A_968 = arith.constant 0 : i32
    %dma_wait3A_969 = tpu.memref_slice %arg7[%dma_wait3A_967, %dma_wait3A_968] : memref<800x64xf32, #tpu.memory_space<vmem>> -> memref<50x64xf32, #tpu.memory_space<vmem>>
    %dma_wait3A_970 = arith.constant 0 : i32
    %dma_wait3A_971 = arith.constant 0 : i32
    %dma_wait3A_972 = tpu.memref_slice %arg4[%mul3A_4, %dma_wait3A_970, %dma_wait3A_971] : memref<4096x56x128xf32, #tpu.memory_space<hbm>> -> memref<1x50x64xf32, #tpu.memory_space<hbm>>
    %dma_wait3A_973 = tpu.memref_squeeze %dma_wait3A_972 : memref<1x50x64xf32, #tpu.memory_space<hbm>> -> memref<50x64xf32, #tpu.memory_space<hbm>>
    %dma_wait3A_974 = arith.constant 0 : i32
    %dma_wait3A_975 = arith.constant 0 : i32
    %dma_wait3A_976 = tpu.memref_slice %arg4[%mul3A_4, %dma_wait3A_974, %dma_wait3A_975] : memref<4096x56x128xf32, #tpu.memory_space<hbm>> -> memref<1x50x64xf32, #tpu.memory_space<hbm>>
    %dma_wait3A_977 = tpu.memref_squeeze %dma_wait3A_976 : memref<1x50x64xf32, #tpu.memory_space<hbm>> -> memref<50x64xf32, #tpu.memory_space<hbm>>
    %dma_wait3A_978 = arith.constant 500 : i32
    %dma_wait3A_979 = arith.constant 0 : i32
    %dma_wait3A_980 = tpu.memref_slice %arg7[%dma_wait3A_978, %dma_wait3A_979] : memref<800x64xf32, #tpu.memory_space<vmem>> -> memref<50x64xf32, #tpu.memory_space<vmem>>
    tpu.wait_dma2 semaphore(%arg11 : memref<!tpu.dma_semaphore, #tpu.memory_space<semaphore_mem>>) src(%dma_wait3A_980 : memref<50x64xf32, #tpu.memory_space<vmem>>) dst(%dma_wait3A_977 : memref<50x64xf32, #tpu.memory_space<hbm>>)
    %dma_wait3A_981 = arith.constant 550 : i32
    %dma_wait3A_982 = arith.constant 0 : i32
    %dma_wait3A_983 = tpu.memref_slice %arg7[%dma_wait3A_981, %dma_wait3A_982] : memref<800x64xf32, #tpu.memory_space<vmem>> -> memref<50x64xf32, #tpu.memory_space<vmem>>
    %dma_wait3A_984 = arith.constant 0 : i32
    %dma_wait3A_985 = arith.constant 0 : i32
    %dma_wait3A_986 = tpu.memref_slice %arg4[%mul3A_4, %dma_wait3A_984, %dma_wait3A_985] : memref<4096x56x128xf32, #tpu.memory_space<hbm>> -> memref<1x50x64xf32, #tpu.memory_space<hbm>>
    %dma_wait3A_987 = tpu.memref_squeeze %dma_wait3A_986 : memref<1x50x64xf32, #tpu.memory_space<hbm>> -> memref<50x64xf32, #tpu.memory_space<hbm>>
    %dma_wait3A_988 = arith.constant 0 : i32
    %dma_wait3A_989 = arith.constant 0 : i32
    %dma_wait3A_990 = tpu.memref_slice %arg4[%mul3A_4, %dma_wait3A_988, %dma_wait3A_989] : memref<4096x56x128xf32, #tpu.memory_space<hbm>> -> memref<1x50x64xf32, #tpu.memory_space<hbm>>
    %dma_wait3A_991 = tpu.memref_squeeze %dma_wait3A_990 : memref<1x50x64xf32, #tpu.memory_space<hbm>> -> memref<50x64xf32, #tpu.memory_space<hbm>>
    %dma_wait3A_992 = arith.constant 550 : i32
    %dma_wait3A_993 = arith.constant 0 : i32
    %dma_wait3A_994 = tpu.memref_slice %arg7[%dma_wait3A_992, %dma_wait3A_993] : memref<800x64xf32, #tpu.memory_space<vmem>> -> memref<50x64xf32, #tpu.memory_space<vmem>>
    tpu.wait_dma2 semaphore(%arg11 : memref<!tpu.dma_semaphore, #tpu.memory_space<semaphore_mem>>) src(%dma_wait3A_994 : memref<50x64xf32, #tpu.memory_space<vmem>>) dst(%dma_wait3A_991 : memref<50x64xf32, #tpu.memory_space<hbm>>)
    %dma_wait3A_995 = arith.constant 600 : i32
    %dma_wait3A_996 = arith.constant 0 : i32
    %dma_wait3A_997 = tpu.memref_slice %arg7[%dma_wait3A_995, %dma_wait3A_996] : memref<800x64xf32, #tpu.memory_space<vmem>> -> memref<50x64xf32, #tpu.memory_space<vmem>>
    %dma_wait3A_998 = arith.constant 0 : i32
    %dma_wait3A_999 = arith.constant 0 : i32
    %dma_wait3A_1000 = tpu.memref_slice %arg4[%mul3A_4, %dma_wait3A_998, %dma_wait3A_999] : memref<4096x56x128xf32, #tpu.memory_space<hbm>> -> memref<1x50x64xf32, #tpu.memory_space<hbm>>
    %dma_wait3A_1001 = tpu.memref_squeeze %dma_wait3A_1000 : memref<1x50x64xf32, #tpu.memory_space<hbm>> -> memref<50x64xf32, #tpu.memory_space<hbm>>
    %dma_wait3A_1002 = arith.constant 0 : i32
    %dma_wait3A_1003 = arith.constant 0 : i32
    %dma_wait3A_1004 = tpu.memref_slice %arg4[%mul3A_4, %dma_wait3A_1002, %dma_wait3A_1003] : memref<4096x56x128xf32, #tpu.memory_space<hbm>> -> memref<1x50x64xf32, #tpu.memory_space<hbm>>
    %dma_wait3A_1005 = tpu.memref_squeeze %dma_wait3A_1004 : memref<1x50x64xf32, #tpu.memory_space<hbm>> -> memref<50x64xf32, #tpu.memory_space<hbm>>
    %dma_wait3A_1006 = arith.constant 600 : i32
    %dma_wait3A_1007 = arith.constant 0 : i32
    %dma_wait3A_1008 = tpu.memref_slice %arg7[%dma_wait3A_1006, %dma_wait3A_1007] : memref<800x64xf32, #tpu.memory_space<vmem>> -> memref<50x64xf32, #tpu.memory_space<vmem>>
    tpu.wait_dma2 semaphore(%arg11 : memref<!tpu.dma_semaphore, #tpu.memory_space<semaphore_mem>>) src(%dma_wait3A_1008 : memref<50x64xf32, #tpu.memory_space<vmem>>) dst(%dma_wait3A_1005 : memref<50x64xf32, #tpu.memory_space<hbm>>)
    %dma_wait3A_1009 = arith.constant 650 : i32
    %dma_wait3A_1010 = arith.constant 0 : i32
    %dma_wait3A_1011 = tpu.memref_slice %arg7[%dma_wait3A_1009, %dma_wait3A_1010] : memref<800x64xf32, #tpu.memory_space<vmem>> -> memref<50x64xf32, #tpu.memory_space<vmem>>
    %dma_wait3A_1012 = arith.constant 0 : i32
    %dma_wait3A_1013 = arith.constant 0 : i32
    %dma_wait3A_1014 = tpu.memref_slice %arg4[%mul3A_4, %dma_wait3A_1012, %dma_wait3A_1013] : memref<4096x56x128xf32, #tpu.memory_space<hbm>> -> memref<1x50x64xf32, #tpu.memory_space<hbm>>
    %dma_wait3A_1015 = tpu.memref_squeeze %dma_wait3A_1014 : memref<1x50x64xf32, #tpu.memory_space<hbm>> -> memref<50x64xf32, #tpu.memory_space<hbm>>
    %dma_wait3A_1016 = arith.constant 0 : i32
    %dma_wait3A_1017 = arith.constant 0 : i32
    %dma_wait3A_1018 = tpu.memref_slice %arg4[%mul3A_4, %dma_wait3A_1016, %dma_wait3A_1017] : memref<4096x56x128xf32, #tpu.memory_space<hbm>> -> memref<1x50x64xf32, #tpu.memory_space<hbm>>
    %dma_wait3A_1019 = tpu.memref_squeeze %dma_wait3A_1018 : memref<1x50x64xf32, #tpu.memory_space<hbm>> -> memref<50x64xf32, #tpu.memory_space<hbm>>
    %dma_wait3A_1020 = arith.constant 650 : i32
    %dma_wait3A_1021 = arith.constant 0 : i32
    %dma_wait3A_1022 = tpu.memref_slice %arg7[%dma_wait3A_1020, %dma_wait3A_1021] : memref<800x64xf32, #tpu.memory_space<vmem>> -> memref<50x64xf32, #tpu.memory_space<vmem>>
    tpu.wait_dma2 semaphore(%arg11 : memref<!tpu.dma_semaphore, #tpu.memory_space<semaphore_mem>>) src(%dma_wait3A_1022 : memref<50x64xf32, #tpu.memory_space<vmem>>) dst(%dma_wait3A_1019 : memref<50x64xf32, #tpu.memory_space<hbm>>)
    %dma_wait3A_1023 = arith.constant 700 : i32
    %dma_wait3A_1024 = arith.constant 0 : i32
    %dma_wait3A_1025 = tpu.memref_slice %arg7[%dma_wait3A_1023, %dma_wait3A_1024] : memref<800x64xf32, #tpu.memory_space<vmem>> -> memref<50x64xf32, #tpu.memory_space<vmem>>
    %dma_wait3A_1026 = arith.constant 0 : i32
    %dma_wait3A_1027 = arith.constant 0 : i32
    %dma_wait3A_1028 = tpu.memref_slice %arg4[%mul3A_4, %dma_wait3A_1026, %dma_wait3A_1027] : memref<4096x56x128xf32, #tpu.memory_space<hbm>> -> memref<1x50x64xf32, #tpu.memory_space<hbm>>
    %dma_wait3A_1029 = tpu.memref_squeeze %dma_wait3A_1028 : memref<1x50x64xf32, #tpu.memory_space<hbm>> -> memref<50x64xf32, #tpu.memory_space<hbm>>
    %dma_wait3A_1030 = arith.constant 0 : i32
    %dma_wait3A_1031 = arith.constant 0 : i32
    %dma_wait3A_1032 = tpu.memref_slice %arg4[%mul3A_4, %dma_wait3A_1030, %dma_wait3A_1031] : memref<4096x56x128xf32, #tpu.memory_space<hbm>> -> memref<1x50x64xf32, #tpu.memory_space<hbm>>
    %dma_wait3A_1033 = tpu.memref_squeeze %dma_wait3A_1032 : memref<1x50x64xf32, #tpu.memory_space<hbm>> -> memref<50x64xf32, #tpu.memory_space<hbm>>
    %dma_wait3A_1034 = arith.constant 700 : i32
    %dma_wait3A_1035 = arith.constant 0 : i32
    %dma_wait3A_1036 = tpu.memref_slice %arg7[%dma_wait3A_1034, %dma_wait3A_1035] : memref<800x64xf32, #tpu.memory_space<vmem>> -> memref<50x64xf32, #tpu.memory_space<vmem>>
    tpu.wait_dma2 semaphore(%arg11 : memref<!tpu.dma_semaphore, #tpu.memory_space<semaphore_mem>>) src(%dma_wait3A_1036 : memref<50x64xf32, #tpu.memory_space<vmem>>) dst(%dma_wait3A_1033 : memref<50x64xf32, #tpu.memory_space<hbm>>)
    %dma_wait3A_1037 = arith.constant 750 : i32
    %dma_wait3A_1038 = arith.constant 0 : i32
    %dma_wait3A_1039 = tpu.memref_slice %arg7[%dma_wait3A_1037, %dma_wait3A_1038] : memref<800x64xf32, #tpu.memory_space<vmem>> -> memref<50x64xf32, #tpu.memory_space<vmem>>
    %dma_wait3A_1040 = arith.constant 0 : i32
    %dma_wait3A_1041 = arith.constant 0 : i32
    %dma_wait3A_1042 = tpu.memref_slice %arg4[%mul3A_4, %dma_wait3A_1040, %dma_wait3A_1041] : memref<4096x56x128xf32, #tpu.memory_space<hbm>> -> memref<1x50x64xf32, #tpu.memory_space<hbm>>
    %dma_wait3A_1043 = tpu.memref_squeeze %dma_wait3A_1042 : memref<1x50x64xf32, #tpu.memory_space<hbm>> -> memref<50x64xf32, #tpu.memory_space<hbm>>
    %dma_wait3A_1044 = arith.constant 0 : i32
    %dma_wait3A_1045 = arith.constant 0 : i32
    %dma_wait3A_1046 = tpu.memref_slice %arg4[%mul3A_4, %dma_wait3A_1044, %dma_wait3A_1045] : memref<4096x56x128xf32, #tpu.memory_space<hbm>> -> memref<1x50x64xf32, #tpu.memory_space<hbm>>
    %dma_wait3A_1047 = tpu.memref_squeeze %dma_wait3A_1046 : memref<1x50x64xf32, #tpu.memory_space<hbm>> -> memref<50x64xf32, #tpu.memory_space<hbm>>
    %dma_wait3A_1048 = arith.constant 750 : i32
    %dma_wait3A_1049 = arith.constant 0 : i32
    %dma_wait3A_1050 = tpu.memref_slice %arg7[%dma_wait3A_1048, %dma_wait3A_1049] : memref<800x64xf32, #tpu.memory_space<vmem>> -> memref<50x64xf32, #tpu.memory_space<vmem>>
    tpu.wait_dma2 semaphore(%arg11 : memref<!tpu.dma_semaphore, #tpu.memory_space<semaphore_mem>>) src(%dma_wait3A_1050 : memref<50x64xf32, #tpu.memory_space<vmem>>) dst(%dma_wait3A_1047 : memref<50x64xf32, #tpu.memory_space<hbm>>)
    return
  }
}

</mosaic_0001>

<sc_bundles>
// kernel: _sc_gather.3.cloned.1.call-start
scs
__scs_entry_jumppad:
0x0: {  	(pc) =	sbr.rel $0x88, $3  }
0x1: {  	(tag) =	ssettag $0x0;
	lr =	simm.s32 $0x1  }
0x2: {  	[smem:$0x3F9F] =	sst lr;
	_ =	strace $0xD0000000  }
0x3: {  	_ = 	snop  }
0x4: {  	_ = 	snop  }
0x5: {  	_ = 	snop  }
0x6: {  	_ = 	snop  }
0x7: {  	_ = 	snop  }
__scs_overlays_trampoline_lowered:
0x8: {  	[smem:$0x3FAE] =	sst s0  }
0x9: {  	[smem:$0x3FAF] =	sst s1  }
0xa: {  	[smem:$0x3FB0] =	sst s2  }
0xb: {  	[smem:$0x3FB1] =	sst s3  }
0xc: {  	[smem:$0x3FB2] =	sst s4  }
0xd: {  	[smem:$0x3FB3] =	sst s5  }
0xe: {  	[smem:$0x3FB4] =	sst s6  }
0xf: {  	[smem:$0x3FB5] =	sst s7  }
0x10: {  	[smem:$0x3FB6] =	sst s8  }
0x11: {  	[smem:$0x3FB7] =	sst s9;
	s0 =	simm.s32 @!p0 $0x0  }
0x12: {  	s1 =	sld [smem:$0x3F9D];
	s0 =	simm.s32 @p0 $0x1  }
0x13: {  	[smem:$0x3FB8] =	sst s0;
	s0 =	simm.s32 @!p1 $0x0  }
0x14: {  	s2 =	sld [smem:$0x3F9C];
	s0 =	simm.s32 @p1 $0x1  }
0x15: {  	[smem:$0x3FB9] =	sst s0;
	s0 =	simm.s32 @!p2 $0x0  }
0x16: {  	s3 =	sld [smem:$0x3FDB];
	s0 =	simm.s32 @p2 $0x1  }
0x17: {  	s4 =	simm.s32 $0x1BF5;
	[smem:$0x3FBB] =	sst s0  }
0x18: {  	s0 =	sld [smem:$0x3F9E];
	_ =	swait.ge [sflag:s4], $0x0  }
0x19: {  	s7 =	sld [smem:$0x3F9F]  }
0x1a: {  	s8 =	sadd.s32 $0xFFFFE003, lr  }
0x1b: {  	s9 =	sadd.s32 $0xFFFFFEF7, lr;
	s5 =	simm.s32 $0xFFFFFFFF;
	p2 =	slt.u32 s8, $0xFFFFF086  }
0x1c: {  	p1 =	slt.u32 s9, $0xF7A;
	s5 =	simm.s32 @!p2 $0x0  }
0x1d: {  	s5 =	simm.s32 @p1 $0x1;
	p0 =	seq.s32 s7, s2  }
0x1e: {  	s7 =	smul.u32 @!p0 $0xF7A, s2;
	p2 =	seq.s32 @!p0 s5, $0x0  }
0x1f: {  	s9 =	smul.u32 $0xF7A, s1;
	s8 =	simm.s32 @!p0 $0x1BF5;
	p2 =	por !p2, p0  }
0x20: {  	[sflag:s8] =	ssyncset.s32 @!p0 $0xFFFFF086;
	s6 =	sadd.s32 @!p0 s3, s7;
	s7 =	simm.s32 @!p0 $0x108  }
0x21: {  	s3 =	sadd.s32 s3, s9;
	s6 =	sadd.s32 @!p0 $0x88, s6;
	s7 =	simm.s32 @p2 $0x1082  }
0x22: {  	[simem:s7], [sflag:s8] =	dma.local @!p0 [hbm:s6], $0xF7A  }
0x23: {  	s9 =	sor.u32 $0xD0000000, s2;
	s6 =	simm.s32 $0x108;
	_ =	swait.ge @!p0 [sflag:s8], $0x0  }
0x24: {  	s3 =	sadd.s32 $0x88, s3;
	s6 =	simm.s32 @!p1 $0x1082;
	[sflag:s4] =	ssyncset.s32 $0xFFFFF086  }
0x25: {  	[simem:s6], [sflag:s4] =	dma.local [hbm:s3], $0xF7A  }
0x26: {  	[smem:$0x3F9F] =	sst s1;
	(tag) =	ssettag s2;
	_ =	strace s9  }
0x27: {  	s1 =	sld [smem:$0x3FAF]  }
0x28: {  	s2 =	sld [smem:$0x3FB0]  }
0x29: {  	s4 =	sld [smem:$0x3FB2]  }
0x2a: {  	p0 =	seq.s32 s5, $0x0;
	s5 =	sld [smem:$0x3FB3]  }
0x2b: {  	s6 =	sld [smem:$0x3FB4]  }
0x2c: {  	s7 =	sld [smem:$0x3FB5]  }
0x2d: {  	s3 =	simm.s32 $0x108;
	s8 =	sld [smem:$0x3FB6]  }
0x2e: {  	s3 =	simm.s32 @!p0 $0x1082;
	s9 =	sld [smem:$0x3FB7]  }
0x2f: {  	lr =	sadd.s32 s0, s3;
	s0 =	sld [smem:$0x3FAE]  }
0x30: {  	s3 =	sld [smem:$0x3FB1]  }
0x31: {  	[smem:$0x3FBA] =	sst s10  }
0x32: {  	s10 =	sld [smem:$0x3FB8];
	_ =	sdelay $0x3  }
0x33: {  	p0 =	seq.s32 s10, $0x1;
	s10 =	sld [smem:$0x3FBA];
	_ =	sdelay $0x3  }
0x34: {  	[smem:$0x3FBA] =	sst s10  }
0x35: {  	s10 =	sld [smem:$0x3FB9];
	_ =	sdelay $0x3  }
0x36: {  	p1 =	seq.s32 s10, $0x1;
	s10 =	sld [smem:$0x3FBA];
	_ =	sdelay $0x3  }
0x37: {  	[smem:$0x3FBA] =	sst s10  }
0x38: {  	s10 =	sld [smem:$0x3FBB]  }
0x39: {  	_ = 	snop;
	(pc) =	sbr.ind lr, $3  }
0x3a: {  	_ = 	snop  }
0x3b: {  	_ = 	snop  }
0x3c: {  	p2 =	seq.s32 s10, $0x1;
	s10 =	sld [smem:$0x3FBA]  }
0x3d: {  	_ =	shalt  }
0x3e: {  	_ =	shalt  }
0x3f: {  	_ =	shalt  }
0x40: {  	_ =	shalt  }
0x41: {  	_ =	shalt  }
0x42: {  	_ =	shalt  }
0x43: {  	_ =	shalt  }
0x44: {  	_ =	shalt  }
0x45: {  	_ =	shalt  }
0x46: {  	_ =	shalt  }
0x47: {  	_ =	shalt  }
0x48: {  	_ =	shalt  }
0x49: {  	_ =	shalt  }
0x4a: {  	_ =	shalt  }
0x4b: {  	_ =	shalt  }
0x4c: {  	_ =	shalt  }
0x4d: {  	_ =	shalt  }
0x4e: {  	_ =	shalt  }
0x4f: {  	_ =	shalt  }
0x50: {  	_ =	shalt  }
0x51: {  	_ =	shalt  }
0x52: {  	_ =	shalt  }
0x53: {  	_ =	shalt  }
0x54: {  	_ =	shalt  }
0x55: {  	_ =	shalt  }
0x56: {  	_ =	shalt  }
0x57: {  	_ =	shalt  }
0x58: {  	_ =	shalt  }
0x59: {  	_ =	shalt  }
0x5a: {  	_ =	shalt  }
0x5b: {  	_ =	shalt  }
0x5c: {  	_ =	shalt  }
0x5d: {  	_ =	shalt  }
0x5e: {  	_ =	shalt  }
0x5f: {  	_ =	shalt  }
0x60: {  	_ =	shalt  }
0x61: {  	_ =	shalt  }
0x62: {  	_ =	shalt  }
0x63: {  	_ =	shalt  }
0x64: {  	_ =	shalt  }
0x65: {  	_ =	shalt  }
0x66: {  	_ =	shalt  }
0x67: {  	_ =	shalt  }
0x68: {  	_ =	shalt  }
0x69: {  	_ =	shalt  }
0x6a: {  	_ =	shalt  }
0x6b: {  	_ =	shalt  }
0x6c: {  	_ =	shalt  }
0x6d: {  	_ =	shalt  }
0x6e: {  	_ =	shalt  }
0x6f: {  	_ =	shalt  }
0x70: {  	_ =	shalt  }
0x71: {  	_ =	shalt  }
0x72: {  	_ =	shalt  }
0x73: {  	_ =	shalt  }
0x74: {  	_ =	shalt  }
0x75: {  	_ =	shalt  }
0x76: {  	_ =	shalt  }
0x77: {  	_ =	shalt  }
0x78: {  	_ =	shalt  }
0x79: {  	_ =	shalt  }
0x7a: {  	_ =	shalt  }
0x7b: {  	_ =	shalt  }
0x7c: {  	_ =	shalt  }
0x7d: {  	_ =	shalt  }
0x7e: {  	_ =	shalt  }
0x7f: {  	_ =	shalt  }
0x80: {  	_ =	shalt  }
0x81: {  	_ =	shalt  }
0x82: {  	_ =	shalt  }
0x83: {  	_ =	shalt  }
0x84: {  	_ =	shalt  }
0x85: {  	_ =	shalt  }
0x86: {  	_ =	shalt  }
0x87: {  	_ =	shalt  }
.Lfunc_end0:
.L_simem_size_0:
called_computation_lowered:
.L_overlay_start_0:
0x88: {  	s2 =	sld [smem:$0x3FD9]  }
0x89: {  	s3 =	sld [smem:$0x3FFE];
	_ =	sdelay $0x1  }
0x8a: {  	s1 =	srdreg.scid  }
0x8b: {  	s0 =	sand.u32 $0x1, s1  }
0x8c: {  	s17 =	sshll.u32 s0, $0xA;
	s2 =	sadd.s32 s3, s2  }
0x8d: {  	s2 =	sadd.s32 s2, s17  }
0x8e: {  	[smem:$0x3FC6] =	sst s2  }
0x8f: {  	_ = 	snop  }
0x90: {  	s2 =	sld [smem:$0x3FC8]  }
0x91: {  	s18 =	sld [smem:$0x3FD0];
	(tm) =	ssettm $0x1  }
0x92: {  	s4 =	sld [smem:$0x3FFB];
	_ =	sdelay $0x3  }
0x93: {  	_ =	strace s4  }
0x94: {  	s4 =	sld [smem:$0x3FFC];
	_ =	sdelay $0x3  }
0x95: {  	_ =	strace s4  }
0x96: {  	s4 =	sld [smem:$0x3FFD];
	_ =	sdelay $0x3  }
0x97: {  	_ =	strace s4  }
0x98: {  	_ =	strace $0x8FFFFFFF  }
0x99: {  	s19 =	sld [smem:$0x3FDB];
	_ =	sdelay $0x1  }
0x9a: {  	s5 =	simm.s32 $_scs_section_size  }
0x9b: {  	s6 =	simm.s32 $_size__tile_overlayer_lowered;
	s7 =	simm.s32 $_tile_overlayer_lowered  }
0x9c: {  	s22 =	simm.s32 $0x1BFF;
	s21 =	sshll.u32 s7, $0x1;
	s4 =	sadd.s32 s5, s19  }
0x9d: {  	s8 =	simm.s32 $0x0;
	s20 =	sshll.u32 s6, $0x1;
	s6 =	sadd.s32 s21, s4  }
0x9e: {  	[timem:s8], [sflag:s22] =	dma.local [hbm:s6], s20  }
0x9f: {  	_ =	swait.ge [sflag:s22], s20  }
0xa0: {  	s5 =	ssub.s32 $0x0, s20;
	[sflag:s22] =	ssyncset.done $0x0  }
0xa1: {  	[sflag:s22] =	ssyncadd.s32 s5;
	_ =	sdelay $0x1  }
0xa2: {  	s23 =	simm.s32 $0x1B8B  }
0xa3: {  	_ =	swait.ge [sflag:s23], $0x1  }
0xa4: {  	[sflag:s23] =	ssyncset.done $0x0  }
0xa5: {  	s25 =	simm.s32 $0x1B8E;
	s24 =	sld [smem:$0x3FFE];
	[sflag:s23] =	ssyncadd.s32 $0xFFFFFFFF  }
0xa6: {  	s26 =	simm.s32 $execute0_lowered;
	[smem:$0x3FD2] =	sst s25  }
0xa7: {  	s6 =	sshll.u32 s26, $0x1;
	_ =	strace $0x80000046;
	[dreg:$0x1] =	wrdreg $0xFFFFFFFF  }
0xa8: {  	s28 =	simm.s32 $_size_execute0_lowered;
	s4 =	sadd.s32 s4, s6;
	[dreg:$0x0] =	wrdreg $0x0  }
0xa9: {  	s6 =	sshll.u32 s28, $0x1;
	[dreg:$0x2] =	wrdreg s4  }
0xaa: {  	[dreg:$0x3] =	wrdreg s6  }
0xab: {  	[dreg:$0x4] =	wrdreg $0xC0  }
0xac: {  	_ =	task [dreg:s8], $0x5FFFF  }
0xad: {  	[dreg:$0x1] =	wrdreg $0xFFFFFFFF  }
0xae: {  	[dreg:$0x0] =	wrdreg $0x60  }
0xaf: {  	[dreg:$0x2] =	wrdreg s24  }
0xb0: {  	[dreg:$0x3] =	wrdreg s2  }
0xb1: {  	[dreg:$0x4] =	wrdreg s18  }
0xb2: {  	[dreg:$0x5] =	wrdreg $0x9  }
0xb3: {  	_ =	task.clear_ibuf [dreg:s8], $0x6FFFF;
	_ =	strace $0x90000046  }
0xb4: {  	s29 =	simm.s32 $0x9;
	_ =	strace $0x80000048  }
0xb5: {  	_ =	swait.ge [sflag:s29], $0x1  }
0xb6: {  	[sflag:s29] =	ssyncadd.s32 $0xFFFFFFFF  }
0xb7: {  	_ =	strace $0x90000048  }
0xb8: {  	_ =	sfence  }
0xb9: {  	s30 =	sld [smem:$0x0];
	_ =	sdelay $0x2  }
0xba: {  	s31 =	sshll.u32 s1, $0xD;
	s1 =	sshrl.u32 s1, $0x2  }
0xbb: {  	s3 =	sand.u32 $0x4000, s31;
	s1 =	sadd.s32 s1, s30  }
0xbc: {  	s0 =	sor.u32 s3, s0;
	s1 =	sshll.u32 s1, $0x11  }
0xbd: {  	s0 =	sor.u32 s1, s0  }
0xbe: {  	s0 =	sadd.s32 $0x8F2B, s0  }
0xbf: {  	[sflag:s0] =	ssyncadd.remote.s32 $0x1  }
0xc0: {  	_ =	sfence.sel $0xFFFF  }
0xc1: {  	[dreg:$0x0] =	wrdreg $0xFFFFFFFF;
	(pc) =	sbr.abs _section_cstart, $3  }
0xc2: {  	[dreg:$0x1] =	wrdreg $0xFFFFFFFF  }
0xc3: {  	_ =	task.clear_ibuf [dreg:s8], $0x2FFFF;
	_ =	strace $0x9FFFFFFF  }
0xc4: {  	(tm) =	ssettm $0x7FFFFFFF  }
0xc5: {  	_ =	shalt  }
tec
execute0_lowered:
.L_overlay_start_1:
0x0: {  	(tag) =	ssettag $0x1  }
0x1: {  	s1 =	srdreg.scid;
	s9 =	stileid.u32  }
0x2: {  	s0 =	rddreg [dreg:$0x0];
	s5 =	sand.u32 $0x1, s1;
	s26 =	sshll.u32 s9, $0x1  }
0x3: {  	s4 =	rddreg [dreg:$0x1];
	s1 =	sor.u32 s5, s26  }
0x4: {  	s2 =	rddreg [dreg:$0x2];
	s3 =	simm.s32 $0x0;
	s28 =	smul.u32 $0xE0000, s1  }
0x5: {  	[smem:$0x7FF] =	sst s3;
	s6 =	ssub.s32 $0x2, s5;
	s7 =	smul.u32 $0x320, s1  }
0x6: {  	s3 =	sadd.s32 $0xF42800, s0;
	_ =	strace $0x80000047;
	s30 =	sshrl.u32 s6, $0x1  }
0x7: {  	s0 =	ssub.s32 s6, s30;
	s29 =	sshrl.u32 s28, $0x3;
	s4 =	sadd.s32 s4, s7  }
0x8: {  	s0 =	smax.u32 s0, $0x1;
	s1 =	sadd.s32 s2, s29;
	[dreg:$0x1d] =	wrdreg s4  }
0x9: {  	[smem:$0x7FD] =	sst s0;
	s8 =	sadd.s32 $0x15000, s1  }
0xa: {  	s10 =	sadd.s32 $0x15380, s1;
	[dreg:$0x1e] =	wrdreg s8  }
0xb: {  	s11 =	sadd.s32 $0x15700, s1;
	[dreg:$0x1f] =	wrdreg s10  }
0xc: {  	s13 =	sadd.s32 $0x15A80, s1;
	[smem:$0x7DF] =	sst s11  }
0xd: {  	s31 =	simm.s32 $0x3;
	s14 =	sadd.s32 $0x15E00, s1;
	[smem:$0x7E0] =	sst s13  }
0xe: {  	s12 =	smul.u32 $0x1C0000, s9;
	s16 =	sadd.s32 $0x16180, s1;
	[smem:$0x7E1] =	sst s14  }
0xf: {  	s15 =	smul.u32 $0xE0000, s5;
	s17 =	sadd.s32 $0x16500, s1;
	[smem:$0x7E2] =	sst s16  }
0x10: {  	s5 =	smul.u32 $0x1C000, s5;
	s18 =	sadd.s32 $0x16880, s1;
	[smem:$0x7E3] =	sst s17  }
0x11: {  	s4 =	sadd.s32 s15, s12;
	s19 =	sadd.s32 $0x16C00, s1;
	[smem:$0x7E4] =	sst s18  }
0x12: {  	s20 =	sadd.s32 $0x16F80, s1;
	s21 =	sadd.s32 $0x17300, s1;
	[smem:$0x7E5] =	sst s19  }
0x13: {  	s22 =	sadd.s32 $0x17680, s1;
	s23 =	sadd.s32 $0x36400, s4;
	[smem:$0x7E6] =	sst s20  }
0x14: {  	s24 =	sadd.s32 $0x17A00, s1;
	s25 =	sadd.s32 $0x34800, s4;
	[smem:$0x7E7] =	sst s21  }
0x15: {  	s30 =	sadd.s32 $0x31000, s4;
	s15 =	sadd.s32 $0x2BC00, s4;
	[smem:$0x7E8] =	sst s22  }
0x16: {  	[smem:$0x7E9] =	sst s24;
	s6 =	sshrl.u32 s23, $0x3;
	s7 =	sshrl.u32 s25, $0x3  }
0x17: {  	s8 =	sadd.s32 $0x32C00, s4;
	s10 =	sadd.s32 $0x2F400, s4;
	s11 =	sadd.s32 $0x2D800, s4  }
0x18: {  	s16 =	sshrl.u32 s15, $0x3;
	s17 =	sadd.s32 $0x2A000, s4;
	s18 =	sadd.s32 $0x28400, s4  }
0x19: {  	s22 =	sadd.s32 $0x26800, s4;
	s24 =	sadd.s32 $0x24C00, s4;
	s25 =	sadd.s32 $0x23000, s4  }
0x1a: {  	s15 =	sor.u32 $0x18800, s4;
	s6 =	sadd.s32 s6, s2;
	s26 =	sadd.s32 s7, s2  }
0x1b: {  	s28 =	sshrl.u32 s8, $0x3;
	s8 =	sshrl.u32 s30, $0x3;
	s7 =	sshrl.u32 s10, $0x3  }
0x1c: {  	s13 =	sshrl.u32 s11, $0x3;
	s20 =	sshrl.u32 s18, $0x3;
	s23 =	sshrl.u32 s22, $0x3  }
0x1d: {  	s30 =	sadd.s32 $0x21400, s4;
	s10 =	smul.u32 $0x38000, s9;
	[dreg:$0x4] =	wrdreg s6  }
0x1e: {  	s11 =	sadd.s32 $0x17D80, s1;
	s22 =	sor.u32 $0x13400, s4;
	[dreg:$0x5] =	wrdreg s26  }
0x1f: {  	s9 =	sor.u32 $0xC400, s4;
	s29 =	sadd.s32 s28, s2;
	[smem:$0x7EA] =	sst s11  }
0x20: {  	s6 =	sadd.s32 s8, s2;
	s12 =	sadd.s32 s7, s2;
	[dreg:$0x6] =	wrdreg s29  }
0x21: {  	s14 =	sadd.s32 s13, s2;
	s7 =	sshrl.u32 s17, $0x3;
	[dreg:$0x7] =	wrdreg s6  }
0x22: {  	s21 =	sadd.s32 s20, s2;
	s28 =	sshrl.u32 s25, $0x3;
	[dreg:$0x8] =	wrdreg s12  }
0x23: {  	s13 =	sor.u32 $0x1A400, s4;
	s17 =	sshrl.u32 s15, $0x3;
	[dreg:$0x9] =	wrdreg s14  }
0x24: {  	s11 =	sor.u32 $0xA800, s4;
	s15 =	sadd.s32 $0x18800, s1;
	[dreg:$0xc] =	wrdreg s21  }
0x25: {  	s6 =	sadd.s32 s16, s2;
	s19 =	sadd.s32 s7, s2;
	[smem:$0x7ED] =	sst s15  }
0x26: {  	s7 =	sshrl.u32 s24, $0x3;
	s29 =	sadd.s32 s28, s2;
	[dreg:$0xa] =	wrdreg s6  }
0x27: {  	s12 =	sadd.s32 s10, s2;
	s14 =	sshrl.u32 s13, $0x3;
	[dreg:$0xb] =	wrdreg s19  }
0x28: {  	s18 =	sadd.s32 s17, s2;
	s21 =	sor.u32 $0x15000, s4;
	[dreg:$0xf] =	wrdreg s29  }
0x29: {  	s24 =	sshrl.u32 s22, $0x3;
	s17 =	sadd.s32 $0x18F00, s1;
	[dreg:$0x13] =	wrdreg s18  }
0x2a: {  	s10 =	sshrl.u32 s9, $0x3;
	s22 =	sadd.s32 $0x1A080, s1;
	[smem:$0x7EF] =	sst s17  }
0x2b: {  	s9 =	simm.s32 $0x320;
	s6 =	sadd.s32 s23, s2;
	[smem:$0x7F4] =	sst s22  }
0x2c: {  	s15 =	simm.s32 $0x14500;
	s26 =	sadd.s32 s7, s2;
	[dreg:$0xd] =	wrdreg s6  }
0x2d: {  	s7 =	sshrl.u32 s30, $0x3;
	s5 =	sadd.s32 s5, s12;
	[dreg:$0xe] =	wrdreg s26  }
0x2e: {  	s16 =	sadd.s32 s14, s2;
	s19 =	sor.u32 $0x16C00, s4;
	[dreg:$0x11] =	wrdreg s5  }
0x2f: {  	s25 =	sadd.s32 s24, s2;
	s29 =	sor.u32 $0xFC00, s4;
	[dreg:$0x12] =	wrdreg s16  }
0x30: {  	s30 =	sor.u32 $0xE000, s4;
	s12 =	sadd.s32 $0x18100, s1;
	[dreg:$0x16] =	wrdreg s25  }
0x31: {  	s14 =	sadd.s32 $0x18480, s1;
	s18 =	sadd.s32 $0x19280, s1;
	[smem:$0x7EB] =	sst s12  }
0x32: {  	s24 =	sadd.s32 $0x1A780, s1;
	s17 =	simm.s32 $0x15E00;
	[smem:$0x7EC] =	sst s14  }
0x33: {  	s22 =	simm.s32 $0x19C80;
	s6 =	sadd.s32 s7, s2;
	[smem:$0x7F0] =	sst s18  }
0x34: {  	s20 =	sshrl.u32 s19, $0x3;
	s26 =	sor.u32 $0x11800, s4;
	[smem:$0x7F6] =	sst s24  }
0x35: {  	s7 =	sshrl.u32 s30, $0x3;
	s16 =	sadd.s32 $0x18B80, s1;
	[dreg:$0x10] =	wrdreg s6  }
0x36: {  	s4 =	sor.u32 $0x8C00, s4;
	s19 =	sadd.s32 $0x19600, s1;
	[smem:$0x7EE] =	sst s16  }
0x37: {  	s25 =	sadd.s32 $0x1AB00, s1;
	s30 =	sadd.s32 $0x1B900, s1;
	[smem:$0x7F1] =	sst s19  }
0x38: {  	s12 =	simm.s32 $0x1;
	s14 =	simm.s32 $0x80;
	[smem:$0x7F7] =	sst s25  }
0x39: {  	s18 =	simm.s32 $0x16A80;
	s5 =	sadd.s32 s20, s2;
	[smem:$0x7FB] =	sst s30  }
0x3a: {  	s6 =	sshrl.u32 s21, $0x3;
	s8 =	sadd.s32 s7, s2;
	[dreg:$0x14] =	wrdreg s5  }
0x3b: {  	s28 =	sshrl.u32 s26, $0x3;
	s20 =	sadd.s32 $0x19980, s1;
	[dreg:$0x19] =	wrdreg s8  }
0x3c: {  	s4 =	sshrl.u32 s4, $0x3;
	s21 =	sadd.s32 $0x19D00, s1;
	[smem:$0x7F2] =	sst s20  }
0x3d: {  	s26 =	sadd.s32 $0x1AE80, s1;
	s7 =	simm.s32 $0x12C00;
	[smem:$0x7F3] =	sst s21  }
0x3e: {  	s16 =	simm.s32 $0x15180;
	s23 =	sadd.s32 s6, s2;
	[smem:$0x7F8] =	sst s26  }
0x3f: {  	s19 =	simm.s32 $0x17700;
	s5 =	sadd.s32 s28, s2;
	[dreg:$0x15] =	wrdreg s23  }
0x40: {  	s6 =	sshrl.u32 s29, $0x3;
	s28 =	sadd.s32 $0x1B200, s1;
	[dreg:$0x17] =	wrdreg s5  }
0x41: {  	s29 =	sadd.s32 $0x1B580, s1;
	s8 =	simm.s32 $0x13880;
	[smem:$0x7F9] =	sst s28  }
0x42: {  	s20 =	simm.s32 $0x18380;
	s6 =	sadd.s32 s6, s2;
	[smem:$0x7FA] =	sst s29  }
0x43: {  	s21 =	simm.s32 $0x19000;
	s5 =	sadd.s32 s10, s2;
	[dreg:$0x18] =	wrdreg s6  }
0x44: {  	s23 =	sadd.s32 $0x1A400, s1;
	s1 =	sadd.s32 $0x1BC80, s1;
	[dreg:$0x1a] =	wrdreg s5  }
0x45: {  	s10 =	simm.s32 $0x1900;
	s6 =	sshrl.u32 s11, $0x3;
	[smem:$0x7F5] =	sst s23  }
0x46: {  	[smem:$0x7FC] =	sst s1;
	s11 =	simm.s32 $0xE100;
	s1 =	simm.s32 $0x2  }
0x47: {  	s5 =	simm.s32 $0x11300;
	s23 =	simm.s32 $0x4;
	s13 =	sadd.s32 s6, s2  }
0x48: {  	s2 =	sadd.s32 s4, s2;
	s6 =	simm.s32 $0x11F80;
	[dreg:$0x1b] =	wrdreg s13  }
0x49: {  	[dreg:$0x1c] =	wrdreg s2;
	s13 =	simm.s32 $0x40;
	s2 =	simm.s32 $0x0  }
.LBB2_1:
0x4a: {  	[smem:$0x7DE] =	sst s2  }
0x4b: {  	s0 =	simm.s32 $0x0;
	s29 =	rddreg [dreg:$0x1d];
	s30 =	simm.s32 $0x5  }
0x4c: {  	[tilespmem:s0], [sflag:$0x5] =	stream.linear.gather [hbm4b:s29+s0], $0x1900, $0x38;
	[tilespmem:$0x1A900] =	vst v63  }
0x4d: {  	_ =	swait.ge [sflag:s30], $0x1900  }
0x4e: {  	[sflag:s30] =	ssyncset.done $0x0  }
0x4f: {  	[sflag:s30] =	ssyncadd.s32 $0xFFFFE700  }
0x50: {  	[tilespmem:s10], [sflag:$0x1] =	stream.indirect.gather [hbm4b:s3+s9], $0x40, s0, s9, $0xb8;
	[tilespmem:$0x1A900] =	vst v63  }
0x51: {  	_ = 	snop  }
0x52: {  	[tilespmem:s11], [sflag:$0x2] =	stream.indirect.gather [hbm4b:s3+s9], $0x40, s9, s9, $0xb8;
	[tilespmem:$0x1A900] =	vst v63  }
0x53: {  	_ =	swait.ge [sflag:s12], $0xC800  }
0x54: {  	s24 =	rddreg [dreg:$0x11];
	[sflag:s12] =	ssyncset.done $0x0  }
0x55: {  	[sflag:s12] =	ssyncadd.s32 $0xFFFF3800;
	s24 =	sadd.s32 $0x0, s24  }
0x56: {  	[hbm4b:s24+s13] =	stream.strided.scatter [tilespmem:s10], [sflag:$0x3], $0xC80, s14, s13, $0x38;
	[tilespmem:$0x1A900] =	vst v63  }
0x57: {  	s4 =	simm.s32 $0x2580;
	s25 =	sadd.s32 $0x380, s24  }
0x58: {  	[hbm4b:s25+s13] =	stream.strided.scatter [tilespmem:s4], [sflag:$0x3], $0xC80, s14, s13, $0x38;
	[tilespmem:$0x1A900] =	vst v63  }
0x59: {  	s28 =	simm.s32 $0x3200;
	s26 =	sadd.s32 $0x700, s24  }
0x5a: {  	[hbm4b:s26+s13] =	stream.strided.scatter [tilespmem:s28], [sflag:$0x3], $0xC80, s14, s13, $0x38;
	[tilespmem:$0x1A900] =	vst v63  }
0x5b: {  	s30 =	simm.s32 $0x3E80;
	s29 =	sadd.s32 $0xA80, s24  }
0x5c: {  	[hbm4b:s29+s13] =	stream.strided.scatter [tilespmem:s30], [sflag:$0x3], $0xC80, s14, s13, $0x38;
	[tilespmem:$0x1A900] =	vst v63  }
0x5d: {  	s2 =	sadd.s32 $0xE00, s24;
	s4 =	simm.s32 $0x4B00;
	s26 =	rddreg [dreg:$0x1c]  }
0x5e: {  	[hbm4b:s2+s13] =	stream.strided.scatter [tilespmem:s4], [sflag:$0x3], $0xC80, s14, s13, $0x38;
	[tilespmem:$0x1A900] =	vst v63  }
0x5f: {  	s28 =	rddreg [dreg:$0x1b];
	s26 =	sadd.s32 $0x0, s26;
	s29 =	simm.s32 $0x5780  }
0x60: {  	[hbm4b:s26+s13] =	stream.strided.scatter [tilespmem:s29], [sflag:$0x3], $0xC80, s14, s13, $0x38;
	[tilespmem:$0x1A900] =	vst v63  }
0x61: {  	s25 =	sadd.s32 $0x0, s28;
	s30 =	rddreg [dreg:$0x1a];
	s2 =	simm.s32 $0x6400  }
0x62: {  	[hbm4b:s25+s13] =	stream.strided.scatter [tilespmem:s2], [sflag:$0x3], $0xC80, s14, s13, $0x38;
	[tilespmem:$0x1A900] =	vst v63  }
0x63: {  	s28 =	simm.s32 $0x7080;
	s4 =	rddreg [dreg:$0x19];
	s26 =	sadd.s32 $0x0, s30  }
0x64: {  	[hbm4b:s26+s13] =	stream.strided.scatter [tilespmem:s28], [sflag:$0x3], $0xC80, s14, s13, $0x38;
	[tilespmem:$0x1A900] =	vst v63  }
0x65: {  	s29 =	rddreg [dreg:$0x18];
	s30 =	simm.s32 $0x7D00;
	s25 =	sadd.s32 $0x0, s4  }
0x66: {  	[hbm4b:s25+s13] =	stream.strided.scatter [tilespmem:s30], [sflag:$0x3], $0xC80, s14, s13, $0x38;
	[tilespmem:$0x1A900] =	vst v63  }
0x67: {  	s2 =	rddreg [dreg:$0x17];
	s4 =	simm.s32 $0x8980;
	s26 =	sadd.s32 $0x0, s29  }
0x68: {  	[hbm4b:s26+s13] =	stream.strided.scatter [tilespmem:s4], [sflag:$0x3], $0xC80, s14, s13, $0x38;
	[tilespmem:$0x1A900] =	vst v63  }
0x69: {  	s28 =	rddreg [dreg:$0x16];
	s29 =	simm.s32 $0x9600;
	s25 =	sadd.s32 $0x0, s2  }
0x6a: {  	[hbm4b:s25+s13] =	stream.strided.scatter [tilespmem:s29], [sflag:$0x3], $0xC80, s14, s13, $0x38;
	[tilespmem:$0x1A900] =	vst v63  }
0x6b: {  	s30 =	rddreg [dreg:$0x15];
	s2 =	simm.s32 $0xA280;
	s26 =	sadd.s32 $0x0, s28  }
0x6c: {  	[hbm4b:s26+s13] =	stream.strided.scatter [tilespmem:s2], [sflag:$0x3], $0xC80, s14, s13, $0x38;
	[tilespmem:$0x1A900] =	vst v63  }
0x6d: {  	s4 =	rddreg [dreg:$0x14];
	s28 =	simm.s32 $0xAF00;
	s25 =	sadd.s32 $0x0, s30  }
0x6e: {  	[hbm4b:s25+s13] =	stream.strided.scatter [tilespmem:s28], [sflag:$0x3], $0xC80, s14, s13, $0x38;
	[tilespmem:$0x1A900] =	vst v63  }
0x6f: {  	s29 =	rddreg [dreg:$0x13];
	s30 =	simm.s32 $0xBB80;
	s26 =	sadd.s32 $0x0, s4  }
0x70: {  	[hbm4b:s26+s13] =	stream.strided.scatter [tilespmem:s30], [sflag:$0x3], $0xC80, s14, s13, $0x38;
	[tilespmem:$0x1A900] =	vst v63  }
0x71: {  	s2 =	rddreg [dreg:$0x12];
	s4 =	simm.s32 $0xC800;
	s25 =	sadd.s32 $0x0, s29  }
0x72: {  	[hbm4b:s25+s13] =	stream.strided.scatter [tilespmem:s4], [sflag:$0x3], $0xC80, s14, s13, $0x38;
	[tilespmem:$0x1A900] =	vst v63  }
0x73: {  	s28 =	sadd.s32 $0x0, s2;
	s29 =	simm.s32 $0xD480  }
0x74: {  	[hbm4b:s28+s13] =	stream.strided.scatter [tilespmem:s29], [sflag:$0x3], $0xC80, s14, s13, $0x38;
	[tilespmem:$0x1A900] =	vst v63  }
0x75: {  	_ =	swait.ge [sflag:s31], $0xC80  }
0x76: {  	[sflag:s31] =	ssyncset.done $0x0  }
0x77: {  	[sflag:s31] =	ssyncadd.s32 $0xFFFFF380  }
0x78: {  	_ =	swait.ge [sflag:s31], $0xC80  }
0x79: {  	[sflag:s31] =	ssyncset.done $0x0  }
0x7a: {  	[sflag:s31] =	ssyncadd.s32 $0xFFFFF380  }
0x7b: {  	_ =	swait.ge [sflag:s31], $0xC80  }
0x7c: {  	[sflag:s31] =	ssyncset.done $0x0  }
0x7d: {  	[sflag:s31] =	ssyncadd.s32 $0xFFFFF380  }
0x7e: {  	_ =	swait.ge [sflag:s31], $0xC80  }
0x7f: {  	[sflag:s31] =	ssyncset.done $0x0  }
0x80: {  	[sflag:s31] =	ssyncadd.s32 $0xFFFFF380  }
0x81: {  	_ =	swait.ge [sflag:s31], $0xC80  }
0x82: {  	[sflag:s31] =	ssyncset.done $0x0  }
0x83: {  	[sflag:s31] =	ssyncadd.s32 $0xFFFFF380  }
0x84: {  	_ =	swait.ge [sflag:s31], $0xC80  }
0x85: {  	[sflag:s31] =	ssyncset.done $0x0  }
0x86: {  	[sflag:s31] =	ssyncadd.s32 $0xFFFFF380  }
0x87: {  	_ =	swait.ge [sflag:s31], $0xC80  }
0x88: {  	[sflag:s31] =	ssyncset.done $0x0  }
0x89: {  	[sflag:s31] =	ssyncadd.s32 $0xFFFFF380  }
0x8a: {  	_ =	swait.ge [sflag:s31], $0xC80  }
0x8b: {  	[sflag:s31] =	ssyncset.done $0x0  }
0x8c: {  	[sflag:s31] =	ssyncadd.s32 $0xFFFFF380  }
0x8d: {  	_ =	swait.ge [sflag:s31], $0xC80  }
0x8e: {  	[sflag:s31] =	ssyncset.done $0x0  }
0x8f: {  	[sflag:s31] =	ssyncadd.s32 $0xFFFFF380  }
0x90: {  	_ =	swait.ge [sflag:s31], $0xC80  }
0x91: {  	[sflag:s31] =	ssyncset.done $0x0  }
0x92: {  	[sflag:s31] =	ssyncadd.s32 $0xFFFFF380  }
0x93: {  	_ =	swait.ge [sflag:s31], $0xC80  }
0x94: {  	[sflag:s31] =	ssyncset.done $0x0  }
0x95: {  	[sflag:s31] =	ssyncadd.s32 $0xFFFFF380  }
0x96: {  	_ =	swait.ge [sflag:s31], $0xC80  }
0x97: {  	[sflag:s31] =	ssyncset.done $0x0  }
0x98: {  	[sflag:s31] =	ssyncadd.s32 $0xFFFFF380  }
0x99: {  	_ =	swait.ge [sflag:s31], $0xC80  }
0x9a: {  	[sflag:s31] =	ssyncset.done $0x0  }
0x9b: {  	[sflag:s31] =	ssyncadd.s32 $0xFFFFF380  }
0x9c: {  	_ =	swait.ge [sflag:s31], $0xC80  }
0x9d: {  	[sflag:s31] =	ssyncset.done $0x0  }
0x9e: {  	[sflag:s31] =	ssyncadd.s32 $0xFFFFF380  }
0x9f: {  	_ =	swait.ge [sflag:s31], $0xC80  }
0xa0: {  	[sflag:s31] =	ssyncset.done $0x0  }
0xa1: {  	[sflag:s31] =	ssyncadd.s32 $0xFFFFF380  }
0xa2: {  	_ =	swait.ge [sflag:s31], $0xC80  }
0xa3: {  	[sflag:s31] =	ssyncset.done $0x0  }
0xa4: {  	s30 =	simm.s32 $0x640;
	[sflag:s31] =	ssyncadd.s32 $0xFFFFF380  }
0xa5: {  	[tilespmem:s10], [sflag:$0x1] =	stream.indirect.gather [hbm4b:s3+s9], $0x40, s30, s9, $0xb8;
	[tilespmem:$0x1A900] =	vst v63  }
0xa6: {  	_ =	swait.ge [sflag:s1], $0xC800  }
0xa7: {  	[sflag:s1] =	ssyncset.done $0x0  }
0xa8: {  	s0 =	sadd.s32 $0x3800, s24;
	[sflag:s1] =	ssyncadd.s32 $0xFFFF3800  }
0xa9: {  	[hbm4b:s0+s13] =	stream.strided.scatter [tilespmem:s11], [sflag:$0x4], $0xC80, s14, s13, $0x38;
	[tilespmem:$0x1A900] =	vst v63  }
0xaa: {  	s2 =	sadd.s32 $0x3B80, s24;
	s28 =	simm.s32 $0xED80  }
0xab: {  	[hbm4b:s2+s13] =	stream.strided.scatter [tilespmem:s28], [sflag:$0x4], $0xC80, s14, s13, $0x38;
	[tilespmem:$0x1A900] =	vst v63  }
0xac: {  	s24 =	sadd.s32 $0x3F00, s24;
	s30 =	simm.s32 $0xFA00;
	s4 =	rddreg [dreg:$0x10]  }
0xad: {  	[hbm4b:s24+s13] =	stream.strided.scatter [tilespmem:s30], [sflag:$0x4], $0xC80, s14, s13, $0x38;
	[tilespmem:$0x1A900] =	vst v63  }
0xae: {  	s29 =	rddreg [dreg:$0xf];
	s0 =	sadd.s32 $0x0, s4;
	s4 =	simm.s32 $0x10680  }
0xaf: {  	[hbm4b:s0+s13] =	stream.strided.scatter [tilespmem:s4], [sflag:$0x4], $0xC80, s14, s13, $0x38;
	[tilespmem:$0x1A900] =	vst v63  }
0xb0: {  	s2 =	rddreg [dreg:$0xe];
	s28 =	sadd.s32 $0x0, s29  }
0xb1: {  	[hbm4b:s28+s13] =	stream.strided.scatter [tilespmem:s5], [sflag:$0x4], $0xC80, s14, s13, $0x38;
	[tilespmem:$0x1A900] =	vst v63  }
0xb2: {  	s29 =	rddreg [dreg:$0xd];
	s30 =	sadd.s32 $0x0, s2  }
0xb3: {  	[hbm4b:s30+s13] =	stream.strided.scatter [tilespmem:s6], [sflag:$0x4], $0xC80, s14, s13, $0x38;
	[tilespmem:$0x1A900] =	vst v63  }
0xb4: {  	s2 =	sadd.s32 $0x0, s29;
	s0 =	rddreg [dreg:$0xc]  }
0xb5: {  	[hbm4b:s2+s13] =	stream.strided.scatter [tilespmem:s7], [sflag:$0x4], $0xC80, s14, s13, $0x38;
	[tilespmem:$0x1A900] =	vst v63  }
0xb6: {  	s4 =	rddreg [dreg:$0xb];
	s28 =	sadd.s32 $0x0, s0  }
0xb7: {  	[hbm4b:s28+s13] =	stream.strided.scatter [tilespmem:s8], [sflag:$0x4], $0xC80, s14, s13, $0x38;
	[tilespmem:$0x1A900] =	vst v63  }
0xb8: {  	s29 =	rddreg [dreg:$0xa];
	s30 =	sadd.s32 $0x0, s4  }
0xb9: {  	[hbm4b:s30+s13] =	stream.strided.scatter [tilespmem:s15], [sflag:$0x4], $0xC80, s14, s13, $0x38;
	[tilespmem:$0x1A900] =	vst v63  }
0xba: {  	s0 =	rddreg [dreg:$0x9];
	s2 =	sadd.s32 $0x0, s29  }
0xbb: {  	[hbm4b:s2+s13] =	stream.strided.scatter [tilespmem:s16], [sflag:$0x4], $0xC80, s14, s13, $0x38;
	[tilespmem:$0x1A900] =	vst v63  }
0xbc: {  	s4 =	rddreg [dreg:$0x8];
	s28 =	sadd.s32 $0x0, s0  }
0xbd: {  	[hbm4b:s28+s13] =	stream.strided.scatter [tilespmem:s17], [sflag:$0x4], $0xC80, s14, s13, $0x38;
	[tilespmem:$0x1A900] =	vst v63  }
0xbe: {  	s29 =	rddreg [dreg:$0x7];
	s30 =	sadd.s32 $0x0, s4  }
0xbf: {  	[hbm4b:s30+s13] =	stream.strided.scatter [tilespmem:s18], [sflag:$0x4], $0xC80, s14, s13, $0x38;
	[tilespmem:$0x1A900] =	vst v63  }
0xc0: {  	s0 =	rddreg [dreg:$0x6];
	s2 =	sadd.s32 $0x0, s29  }
0xc1: {  	[hbm4b:s2+s13] =	stream.strided.scatter [tilespmem:s19], [sflag:$0x4], $0xC80, s14, s13, $0x38;
	[tilespmem:$0x1A900] =	vst v63  }
0xc2: {  	s26 =	sadd.s32 $0x0, s0;
	s4 =	rddreg [dreg:$0x5]  }
0xc3: {  	[hbm4b:s26+s13] =	stream.strided.scatter [tilespmem:s20], [sflag:$0x4], $0xC80, s14, s13, $0x38;
	[tilespmem:$0x1A900] =	vst v63  }
0xc4: {  	s29 =	sadd.s32 $0x0, s4;
	s28 =	rddreg [dreg:$0x4]  }
0xc5: {  	[hbm4b:s29+s13] =	stream.strided.scatter [tilespmem:s21], [sflag:$0x4], $0xC80, s14, s13, $0x38;
	[tilespmem:$0x1A900] =	vst v63  }
0xc6: {  	s30 =	sadd.s32 $0x0, s28  }
0xc7: {  	[hbm4b:s30+s13] =	stream.strided.scatter [tilespmem:s22], [sflag:$0x4], $0xC80, s14, s13, $0x38;
	[tilespmem:$0x1A900] =	vst v63  }
0xc8: {  	_ =	swait.ge [sflag:s23], $0xC80  }
0xc9: {  	[sflag:s23] =	ssyncset.done $0x0  }
0xca: {  	[sflag:s23] =	ssyncadd.s32 $0xFFFFF380  }
0xcb: {  	_ =	swait.ge [sflag:s23], $0xC80  }
0xcc: {  	[sflag:s23] =	ssyncset.done $0x0  }
0xcd: {  	[sflag:s23] =	ssyncadd.s32 $0xFFFFF380  }
0xce: {  	_ =	swait.ge [sflag:s23], $0xC80  }
0xcf: {  	[sflag:s23] =	ssyncset.done $0x0  }
0xd0: {  	[sflag:s23] =	ssyncadd.s32 $0xFFFFF380  }
0xd1: {  	_ =	swait.ge [sflag:s23], $0xC80  }
0xd2: {  	[sflag:s23] =	ssyncset.done $0x0  }
0xd3: {  	[sflag:s23] =	ssyncadd.s32 $0xFFFFF380  }
0xd4: {  	_ =	swait.ge [sflag:s23], $0xC80  }
0xd5: {  	[sflag:s23] =	ssyncset.done $0x0  }
0xd6: {  	[sflag:s23] =	ssyncadd.s32 $0xFFFFF380  }
0xd7: {  	_ =	swait.ge [sflag:s23], $0xC80  }
0xd8: {  	[sflag:s23] =	ssyncset.done $0x0  }
0xd9: {  	[sflag:s23] =	ssyncadd.s32 $0xFFFFF380  }
0xda: {  	_ =	swait.ge [sflag:s23], $0xC80  }
0xdb: {  	[sflag:s23] =	ssyncset.done $0x0  }
0xdc: {  	[sflag:s23] =	ssyncadd.s32 $0xFFFFF380  }
0xdd: {  	_ =	swait.ge [sflag:s23], $0xC80  }
0xde: {  	[sflag:s23] =	ssyncset.done $0x0  }
0xdf: {  	[sflag:s23] =	ssyncadd.s32 $0xFFFFF380  }
0xe0: {  	_ =	swait.ge [sflag:s23], $0xC80  }
0xe1: {  	[sflag:s23] =	ssyncset.done $0x0  }
0xe2: {  	[sflag:s23] =	ssyncadd.s32 $0xFFFFF380  }
0xe3: {  	_ =	swait.ge [sflag:s23], $0xC80  }
0xe4: {  	[sflag:s23] =	ssyncset.done $0x0  }
0xe5: {  	[sflag:s23] =	ssyncadd.s32 $0xFFFFF380  }
0xe6: {  	_ =	swait.ge [sflag:s23], $0xC80  }
0xe7: {  	[sflag:s23] =	ssyncset.done $0x0  }
0xe8: {  	[sflag:s23] =	ssyncadd.s32 $0xFFFFF380  }
0xe9: {  	_ =	swait.ge [sflag:s23], $0xC80  }
0xea: {  	[sflag:s23] =	ssyncset.done $0x0  }
0xeb: {  	[sflag:s23] =	ssyncadd.s32 $0xFFFFF380  }
0xec: {  	_ =	swait.ge [sflag:s23], $0xC80  }
0xed: {  	[sflag:s23] =	ssyncset.done $0x0  }
0xee: {  	[sflag:s23] =	ssyncadd.s32 $0xFFFFF380  }
0xef: {  	_ =	swait.ge [sflag:s23], $0xC80  }
0xf0: {  	[sflag:s23] =	ssyncset.done $0x0  }
0xf1: {  	[sflag:s23] =	ssyncadd.s32 $0xFFFFF380  }
0xf2: {  	_ =	swait.ge [sflag:s23], $0xC80  }
0xf3: {  	[sflag:s23] =	ssyncset.done $0x0  }
0xf4: {  	[sflag:s23] =	ssyncadd.s32 $0xFFFFF380  }
0xf5: {  	_ =	swait.ge [sflag:s23], $0xC80  }
0xf6: {  	s25 =	simm.s32 $0x7000;
	[sflag:s23] =	ssyncset.done $0x0  }
0xf7: {  	s24 =	simm.s32 $0x960;
	s26 =	simm.s32 $0xFA0;
	[sflag:s23] =	ssyncadd.s32 $0xFFFFF380  }
.LBB2_2:
0xf8: {  	[tilespmem:s11], [sflag:$0x2] =	stream.indirect.gather [hbm4b:s3+s9], $0x40, s24, s9, $0xb8;
	[tilespmem:$0x1A900] =	vst v63  }
0xf9: {  	_ =	swait.ge [sflag:s12], $0xC800  }
0xfa: {  	s28 =	smov.u32 s25;
	s29 =	rddreg [dreg:$0x11];
	[sflag:s12] =	ssyncset.done $0x0  }
0xfb: {  	[sflag:s12] =	ssyncadd.s32 $0xFFFF3800;
	s29 =	sadd.s32 s28, s29  }
0xfc: {  	[hbm4b:s29+s13] =	stream.strided.scatter [tilespmem:s10], [sflag:$0x3], $0xC80, s14, s13, $0x38;
	[tilespmem:$0x1A900] =	vst v63  }
0xfd: {  	s0 =	simm.s32 $0x2580;
	s30 =	sadd.s32 $0x380, s29  }
0xfe: {  	[hbm4b:s30+s13] =	stream.strided.scatter [tilespmem:s0], [sflag:$0x3], $0xC80, s14, s13, $0x38;
	[tilespmem:$0x1A900] =	vst v63  }
0xff: {  	s2 =	simm.s32 $0x3200;
	s0 =	sadd.s32 $0x700, s29  }
0x100: {  	[hbm4b:s0+s13] =	stream.strided.scatter [tilespmem:s2], [sflag:$0x3], $0xC80, s14, s13, $0x38;
	[tilespmem:$0x1A900] =	vst v63  }
0x101: {  	s4 =	sadd.s32 $0xA80, s29;
	s2 =	simm.s32 $0x3E80  }
0x102: {  	[hbm4b:s4+s13] =	stream.strided.scatter [tilespmem:s2], [sflag:$0x3], $0xC80, s14, s13, $0x38;
	[tilespmem:$0x1A900] =	vst v63  }
0x103: {  	s30 =	sadd.s32 $0xE00, s29;
	s0 =	rddreg [dreg:$0x1c];
	s4 =	simm.s32 $0x4B00  }
0x104: {  	[hbm4b:s30+s13] =	stream.strided.scatter [tilespmem:s4], [sflag:$0x3], $0xC80, s14, s13, $0x38;
	[tilespmem:$0x1A900] =	vst v63  }
0x105: {  	s0 =	sadd.s32 s28, s0;
	s2 =	rddreg [dreg:$0x1b];
	s4 =	simm.s32 $0x5780  }
0x106: {  	[hbm4b:s0+s13] =	stream.strided.scatter [tilespmem:s4], [sflag:$0x3], $0xC80, s14, s13, $0x38;
	[tilespmem:$0x1A900] =	vst v63  }
0x107: {  	s30 =	rddreg [dreg:$0x1a];
	s0 =	sadd.s32 s28, s2;
	s4 =	simm.s32 $0x6400  }
0x108: {  	[hbm4b:s0+s13] =	stream.strided.scatter [tilespmem:s4], [sflag:$0x3], $0xC80, s14, s13, $0x38;
	[tilespmem:$0x1A900] =	vst v63  }
0x109: {  	s2 =	rddreg [dreg:$0x19];
	s0 =	sadd.s32 s28, s30;
	s4 =	simm.s32 $0x7080  }
0x10a: {  	[hbm4b:s0+s13] =	stream.strided.scatter [tilespmem:s4], [sflag:$0x3], $0xC80, s14, s13, $0x38;
	[tilespmem:$0x1A900] =	vst v63  }
0x10b: {  	s30 =	rddreg [dreg:$0x18];
	s0 =	sadd.s32 s28, s2;
	s4 =	simm.s32 $0x7D00  }
0x10c: {  	[hbm4b:s0+s13] =	stream.strided.scatter [tilespmem:s4], [sflag:$0x3], $0xC80, s14, s13, $0x38;
	[tilespmem:$0x1A900] =	vst v63  }
0x10d: {  	s2 =	rddreg [dreg:$0x17];
	s0 =	sadd.s32 s28, s30;
	s4 =	simm.s32 $0x8980  }
0x10e: {  	[hbm4b:s0+s13] =	stream.strided.scatter [tilespmem:s4], [sflag:$0x3], $0xC80, s14, s13, $0x38;
	[tilespmem:$0x1A900] =	vst v63  }
0x10f: {  	s30 =	rddreg [dreg:$0x16];
	s0 =	sadd.s32 s28, s2;
	s4 =	simm.s32 $0x9600  }
0x110: {  	[hbm4b:s0+s13] =	stream.strided.scatter [tilespmem:s4], [sflag:$0x3], $0xC80, s14, s13, $0x38;
	[tilespmem:$0x1A900] =	vst v63  }
0x111: {  	s2 =	rddreg [dreg:$0x15];
	s0 =	sadd.s32 s28, s30;
	s4 =	simm.s32 $0xA280  }
0x112: {  	[hbm4b:s0+s13] =	stream.strided.scatter [tilespmem:s4], [sflag:$0x3], $0xC80, s14, s13, $0x38;
	[tilespmem:$0x1A900] =	vst v63  }
0x113: {  	s30 =	rddreg [dreg:$0x14];
	s0 =	sadd.s32 s28, s2;
	s4 =	simm.s32 $0xAF00  }
0x114: {  	[hbm4b:s0+s13] =	stream.strided.scatter [tilespmem:s4], [sflag:$0x3], $0xC80, s14, s13, $0x38;
	[tilespmem:$0x1A900] =	vst v63  }
0x115: {  	s2 =	rddreg [dreg:$0x13];
	s0 =	sadd.s32 s28, s30;
	s4 =	simm.s32 $0xBB80  }
0x116: {  	[hbm4b:s0+s13] =	stream.strided.scatter [tilespmem:s4], [sflag:$0x3], $0xC80, s14, s13, $0x38;
	[tilespmem:$0x1A900] =	vst v63  }
0x117: {  	s2 =	sadd.s32 s28, s2;
	s30 =	rddreg [dreg:$0x12];
	s4 =	simm.s32 $0xC800  }
0x118: {  	[hbm4b:s2+s13] =	stream.strided.scatter [tilespmem:s4], [sflag:$0x3], $0xC80, s14, s13, $0x38;
	[tilespmem:$0x1A900] =	vst v63  }
0x119: {  	s2 =	sadd.s32 s28, s30;
	s4 =	simm.s32 $0xD480  }
0x11a: {  	[hbm4b:s2+s13] =	stream.strided.scatter [tilespmem:s4], [sflag:$0x3], $0xC80, s14, s13, $0x38;
	[tilespmem:$0x1A900] =	vst v63  }
0x11b: {  	_ =	swait.ge [sflag:s31], $0xC80  }
0x11c: {  	[sflag:s31] =	ssyncset.done $0x0  }
0x11d: {  	[sflag:s31] =	ssyncadd.s32 $0xFFFFF380  }
0x11e: {  	_ =	swait.ge [sflag:s31], $0xC80  }
0x11f: {  	[sflag:s31] =	ssyncset.done $0x0  }
0x120: {  	[sflag:s31] =	ssyncadd.s32 $0xFFFFF380  }
0x121: {  	_ =	swait.ge [sflag:s31], $0xC80  }
0x122: {  	[sflag:s31] =	ssyncset.done $0x0  }
0x123: {  	[sflag:s31] =	ssyncadd.s32 $0xFFFFF380  }
0x124: {  	_ =	swait.ge [sflag:s31], $0xC80  }
0x125: {  	[sflag:s31] =	ssyncset.done $0x0  }
0x126: {  	[sflag:s31] =	ssyncadd.s32 $0xFFFFF380  }
0x127: {  	_ =	swait.ge [sflag:s31], $0xC80  }
0x128: {  	[sflag:s31] =	ssyncset.done $0x0  }
0x129: {  	[sflag:s31] =	ssyncadd.s32 $0xFFFFF380  }
0x12a: {  	_ =	swait.ge [sflag:s31], $0xC80  }
0x12b: {  	[sflag:s31] =	ssyncset.done $0x0  }
0x12c: {  	[sflag:s31] =	ssyncadd.s32 $0xFFFFF380  }
0x12d: {  	_ =	swait.ge [sflag:s31], $0xC80  }
0x12e: {  	[sflag:s31] =	ssyncset.done $0x0  }
0x12f: {  	[sflag:s31] =	ssyncadd.s32 $0xFFFFF380  }
0x130: {  	_ =	swait.ge [sflag:s31], $0xC80  }
0x131: {  	[sflag:s31] =	ssyncset.done $0x0  }
0x132: {  	[sflag:s31] =	ssyncadd.s32 $0xFFFFF380  }
0x133: {  	_ =	swait.ge [sflag:s31], $0xC80  }
0x134: {  	[sflag:s31] =	ssyncset.done $0x0  }
0x135: {  	[sflag:s31] =	ssyncadd.s32 $0xFFFFF380  }
0x136: {  	_ =	swait.ge [sflag:s31], $0xC80  }
0x137: {  	[sflag:s31] =	ssyncset.done $0x0  }
0x138: {  	[sflag:s31] =	ssyncadd.s32 $0xFFFFF380  }
0x139: {  	_ =	swait.ge [sflag:s31], $0xC80  }
0x13a: {  	[sflag:s31] =	ssyncset.done $0x0  }
0x13b: {  	[sflag:s31] =	ssyncadd.s32 $0xFFFFF380  }
0x13c: {  	_ =	swait.ge [sflag:s31], $0xC80  }
0x13d: {  	[sflag:s31] =	ssyncset.done $0x0  }
0x13e: {  	[sflag:s31] =	ssyncadd.s32 $0xFFFFF380  }
0x13f: {  	_ =	swait.ge [sflag:s31], $0xC80  }
0x140: {  	[sflag:s31] =	ssyncset.done $0x0  }
0x141: {  	[sflag:s31] =	ssyncadd.s32 $0xFFFFF380  }
0x142: {  	_ =	swait.ge [sflag:s31], $0xC80  }
0x143: {  	[sflag:s31] =	ssyncset.done $0x0  }
0x144: {  	[sflag:s31] =	ssyncadd.s32 $0xFFFFF380  }
0x145: {  	_ =	swait.ge [sflag:s31], $0xC80  }
0x146: {  	[sflag:s31] =	ssyncset.done $0x0  }
0x147: {  	[sflag:s31] =	ssyncadd.s32 $0xFFFFF380  }
0x148: {  	_ =	swait.ge [sflag:s31], $0xC80  }
0x149: {  	[sflag:s31] =	ssyncset.done $0x0  }
0x14a: {  	s30 =	sadd.s32 $0xFFFFFCE0, s26;
	[sflag:s31] =	ssyncadd.s32 $0xFFFFF380  }
0x14b: {  	[tilespmem:s10], [sflag:$0x1] =	stream.indirect.gather [hbm4b:s3+s9], $0x40, s30, s9, $0xb8;
	[tilespmem:$0x1A900] =	vst v63  }
0x14c: {  	_ =	swait.ge [sflag:s1], $0xC800  }
0x14d: {  	[sflag:s1] =	ssyncset.done $0x0  }
0x14e: {  	s2 =	sadd.s32 $0x3800, s29;
	[sflag:s1] =	ssyncadd.s32 $0xFFFF3800  }
0x14f: {  	[hbm4b:s2+s13] =	stream.strided.scatter [tilespmem:s11], [sflag:$0x4], $0xC80, s14, s13, $0x38;
	[tilespmem:$0x1A900] =	vst v63  }
0x150: {  	s4 =	sadd.s32 $0x3B80, s29;
	s30 =	simm.s32 $0xED80  }
0x151: {  	[hbm4b:s4+s13] =	stream.strided.scatter [tilespmem:s30], [sflag:$0x4], $0xC80, s14, s13, $0x38;
	[tilespmem:$0x1A900] =	vst v63  }
0x152: {  	s2 =	rddreg [dreg:$0x10];
	s4 =	sadd.s32 $0x3F00, s29;
	s30 =	simm.s32 $0xFA00  }
0x153: {  	[hbm4b:s4+s13] =	stream.strided.scatter [tilespmem:s30], [sflag:$0x4], $0xC80, s14, s13, $0x38;
	[tilespmem:$0x1A900] =	vst v63  }
0x154: {  	s29 =	rddreg [dreg:$0xf];
	s4 =	sadd.s32 s28, s2;
	s30 =	simm.s32 $0x10680  }
0x155: {  	[hbm4b:s4+s13] =	stream.strided.scatter [tilespmem:s30], [sflag:$0x4], $0xC80, s14, s13, $0x38;
	[tilespmem:$0x1A900] =	vst v63  }
0x156: {  	s2 =	rddreg [dreg:$0xe];
	s4 =	sadd.s32 s28, s29  }
0x157: {  	[hbm4b:s4+s13] =	stream.strided.scatter [tilespmem:s5], [sflag:$0x4], $0xC80, s14, s13, $0x38;
	[tilespmem:$0x1A900] =	vst v63  }
0x158: {  	s30 =	rddreg [dreg:$0xd];
	s4 =	sadd.s32 s28, s2  }
0x159: {  	[hbm4b:s4+s13] =	stream.strided.scatter [tilespmem:s6], [sflag:$0x4], $0xC80, s14, s13, $0x38;
	[tilespmem:$0x1A900] =	vst v63  }
0x15a: {  	s30 =	sadd.s32 s28, s30;
	s2 =	rddreg [dreg:$0xc]  }
0x15b: {  	[hbm4b:s30+s13] =	stream.strided.scatter [tilespmem:s7], [sflag:$0x4], $0xC80, s14, s13, $0x38;
	[tilespmem:$0x1A900] =	vst v63  }
0x15c: {  	s4 =	rddreg [dreg:$0xb];
	s30 =	sadd.s32 s28, s2  }
0x15d: {  	[hbm4b:s30+s13] =	stream.strided.scatter [tilespmem:s8], [sflag:$0x4], $0xC80, s14, s13, $0x38;
	[tilespmem:$0x1A900] =	vst v63  }
0x15e: {  	s4 =	sadd.s32 s28, s4;
	s2 =	rddreg [dreg:$0xa]  }
0x15f: {  	[hbm4b:s4+s13] =	stream.strided.scatter [tilespmem:s15], [sflag:$0x4], $0xC80, s14, s13, $0x38;
	[tilespmem:$0x1A900] =	vst v63  }
0x160: {  	s30 =	rddreg [dreg:$0x9];
	s4 =	sadd.s32 s28, s2  }
0x161: {  	[hbm4b:s4+s13] =	stream.strided.scatter [tilespmem:s16], [sflag:$0x4], $0xC80, s14, s13, $0x38;
	[tilespmem:$0x1A900] =	vst v63  }
0x162: {  	s30 =	sadd.s32 s28, s30;
	s2 =	rddreg [dreg:$0x8]  }
0x163: {  	[hbm4b:s30+s13] =	stream.strided.scatter [tilespmem:s17], [sflag:$0x4], $0xC80, s14, s13, $0x38;
	[tilespmem:$0x1A900] =	vst v63  }
0x164: {  	s4 =	rddreg [dreg:$0x7];
	s30 =	sadd.s32 s28, s2  }
0x165: {  	[hbm4b:s30+s13] =	stream.strided.scatter [tilespmem:s18], [sflag:$0x4], $0xC80, s14, s13, $0x38;
	[tilespmem:$0x1A900] =	vst v63  }
0x166: {  	s4 =	sadd.s32 s28, s4;
	s2 =	rddreg [dreg:$0x6]  }
0x167: {  	[hbm4b:s4+s13] =	stream.strided.scatter [tilespmem:s19], [sflag:$0x4], $0xC80, s14, s13, $0x38;
	[tilespmem:$0x1A900] =	vst v63  }
0x168: {  	s2 =	sadd.s32 s28, s2;
	s30 =	rddreg [dreg:$0x5]  }
0x169: {  	[hbm4b:s2+s13] =	stream.strided.scatter [tilespmem:s20], [sflag:$0x4], $0xC80, s14, s13, $0x38;
	[tilespmem:$0x1A900] =	vst v63  }
0x16a: {  	s29 =	sadd.s32 s28, s30;
	s4 =	rddreg [dreg:$0x4]  }
0x16b: {  	[hbm4b:s29+s13] =	stream.strided.scatter [tilespmem:s21], [sflag:$0x4], $0xC80, s14, s13, $0x38;
	[tilespmem:$0x1A900] =	vst v63  }
0x16c: {  	s30 =	sadd.s32 s28, s4  }
0x16d: {  	[hbm4b:s30+s13] =	stream.strided.scatter [tilespmem:s22], [sflag:$0x4], $0xC80, s14, s13, $0x38;
	[tilespmem:$0x1A900] =	vst v63  }
0x16e: {  	_ =	swait.ge [sflag:s23], $0xC80  }
0x16f: {  	[sflag:s23] =	ssyncset.done $0x0  }
0x170: {  	[sflag:s23] =	ssyncadd.s32 $0xFFFFF380  }
0x171: {  	_ =	swait.ge [sflag:s23], $0xC80  }
0x172: {  	[sflag:s23] =	ssyncset.done $0x0  }
0x173: {  	[sflag:s23] =	ssyncadd.s32 $0xFFFFF380  }
0x174: {  	_ =	swait.ge [sflag:s23], $0xC80  }
0x175: {  	[sflag:s23] =	ssyncset.done $0x0  }
0x176: {  	[sflag:s23] =	ssyncadd.s32 $0xFFFFF380  }
0x177: {  	_ =	swait.ge [sflag:s23], $0xC80  }
0x178: {  	[sflag:s23] =	ssyncset.done $0x0  }
0x179: {  	[sflag:s23] =	ssyncadd.s32 $0xFFFFF380  }
0x17a: {  	_ =	swait.ge [sflag:s23], $0xC80  }
0x17b: {  	[sflag:s23] =	ssyncset.done $0x0  }
0x17c: {  	[sflag:s23] =	ssyncadd.s32 $0xFFFFF380  }
0x17d: {  	_ =	swait.ge [sflag:s23], $0xC80  }
0x17e: {  	[sflag:s23] =	ssyncset.done $0x0  }
0x17f: {  	[sflag:s23] =	ssyncadd.s32 $0xFFFFF380  }
0x180: {  	_ =	swait.ge [sflag:s23], $0xC80  }
0x181: {  	[sflag:s23] =	ssyncset.done $0x0  }
0x182: {  	[sflag:s23] =	ssyncadd.s32 $0xFFFFF380  }
0x183: {  	_ =	swait.ge [sflag:s23], $0xC80  }
0x184: {  	[sflag:s23] =	ssyncset.done $0x0  }
0x185: {  	[sflag:s23] =	ssyncadd.s32 $0xFFFFF380  }
0x186: {  	_ =	swait.ge [sflag:s23], $0xC80  }
0x187: {  	[sflag:s23] =	ssyncset.done $0x0  }
0x188: {  	[sflag:s23] =	ssyncadd.s32 $0xFFFFF380  }
0x189: {  	_ =	swait.ge [sflag:s23], $0xC80  }
0x18a: {  	[sflag:s23] =	ssyncset.done $0x0  }
0x18b: {  	[sflag:s23] =	ssyncadd.s32 $0xFFFFF380  }
0x18c: {  	_ =	swait.ge [sflag:s23], $0xC80  }
0x18d: {  	[sflag:s23] =	ssyncset.done $0x0  }
0x18e: {  	[sflag:s23] =	ssyncadd.s32 $0xFFFFF380  }
0x18f: {  	_ =	swait.ge [sflag:s23], $0xC80  }
0x190: {  	[sflag:s23] =	ssyncset.done $0x0  }
0x191: {  	[sflag:s23] =	ssyncadd.s32 $0xFFFFF380  }
0x192: {  	_ =	swait.ge [sflag:s23], $0xC80  }
0x193: {  	[sflag:s23] =	ssyncset.done $0x0  }
0x194: {  	[sflag:s23] =	ssyncadd.s32 $0xFFFFF380  }
0x195: {  	_ =	swait.ge [sflag:s23], $0xC80  }
0x196: {  	[sflag:s23] =	ssyncset.done $0x0  }
0x197: {  	[sflag:s23] =	ssyncadd.s32 $0xFFFFF380  }
0x198: {  	p0 =	sne.s32 s25, $0xE000;
	_ =	swait.ge [sflag:s23], $0xC80  }
.Ltmp0:
0x199: {  	[sflag:s23] =	ssyncset.done $0x0;
	(pc) =	sbr.rel @p0 .LBB2_2-.Ltmp0, $4  }
0x19a: {  	[sflag:s23] =	ssyncadd.s32 $0xFFFFF380  }
0x19b: {  	_ =	swait.ge [sflag:s23], $0xC80  }
0x19c: {  	s24 =	smov.u32 s26;
	[sflag:s23] =	ssyncset.done $0x0  }
0x19d: {  	s25 =	sadd.s32 $0x7000, s25;
	s26 =	sadd.s32 $0x640, s26;
	[sflag:s23] =	ssyncadd.s32 $0xFFFFF380  }
0x19e: {  	[tilespmem:s11], [sflag:$0x2] =	stream.indirect.gather [hbm4b:s3+s9], $0x40, s24, s9, $0xb8;
	[tilespmem:$0x1A900] =	vst v63  }
0x19f: {  	_ =	swait.ge [sflag:s12], $0xC800  }
0x1a0: {  	[sflag:s12] =	ssyncset.done $0x0;
	s0 =	rddreg [dreg:$0x1e]  }
0x1a1: {  	s28 =	rddreg [dreg:$0x1f];
	[sflag:s12] =	ssyncadd.s32 $0xFFFF3800  }
0x1a2: {  	[hbm4b:s0+s13] =	stream.strided.scatter [tilespmem:s10], [sflag:$0x3], $0xC80, s14, s13, $0x38;
	[tilespmem:$0x1A900] =	vst v63  }
0x1a3: {  	s2 =	simm.s32 $0x2580;
	s29 =	sld [smem:$0x7DF]  }
0x1a4: {  	[hbm4b:s28+s13] =	stream.strided.scatter [tilespmem:s2], [sflag:$0x3], $0xC80, s14, s13, $0x38;
	[tilespmem:$0x1A900] =	vst v63  }
0x1a5: {  	s30 =	simm.s32 $0x3200;
	s2 =	sld [smem:$0x7E0]  }
0x1a6: {  	[hbm4b:s29+s13] =	stream.strided.scatter [tilespmem:s30], [sflag:$0x3], $0xC80, s14, s13, $0x38;
	[tilespmem:$0x1A900] =	vst v63  }
0x1a7: {  	s4 =	simm.s32 $0x3E80;
	s24 =	sld [smem:$0x7E1]  }
0x1a8: {  	[hbm4b:s2+s13] =	stream.strided.scatter [tilespmem:s4], [sflag:$0x3], $0xC80, s14, s13, $0x38;
	[tilespmem:$0x1A900] =	vst v63  }
0x1a9: {  	s25 =	simm.s32 $0x4B00;
	s26 =	sld [smem:$0x7E2]  }
0x1aa: {  	[hbm4b:s24+s13] =	stream.strided.scatter [tilespmem:s25], [sflag:$0x3], $0xC80, s14, s13, $0x38;
	[tilespmem:$0x1A900] =	vst v63  }
0x1ab: {  	s28 =	simm.s32 $0x5780;
	s29 =	sld [smem:$0x7E3]  }
0x1ac: {  	[hbm4b:s26+s13] =	stream.strided.scatter [tilespmem:s28], [sflag:$0x3], $0xC80, s14, s13, $0x38;
	[tilespmem:$0x1A900] =	vst v63  }
0x1ad: {  	s30 =	simm.s32 $0x6400;
	s2 =	sld [smem:$0x7E4]  }
0x1ae: {  	[hbm4b:s29+s13] =	stream.strided.scatter [tilespmem:s30], [sflag:$0x3], $0xC80, s14, s13, $0x38;
	[tilespmem:$0x1A900] =	vst v63  }
0x1af: {  	s4 =	simm.s32 $0x7080;
	s24 =	sld [smem:$0x7E5]  }
0x1b0: {  	[hbm4b:s2+s13] =	stream.strided.scatter [tilespmem:s4], [sflag:$0x3], $0xC80, s14, s13, $0x38;
	[tilespmem:$0x1A900] =	vst v63  }
0x1b1: {  	s25 =	simm.s32 $0x7D00;
	s26 =	sld [smem:$0x7E6]  }
0x1b2: {  	[hbm4b:s24+s13] =	stream.strided.scatter [tilespmem:s25], [sflag:$0x3], $0xC80, s14, s13, $0x38;
	[tilespmem:$0x1A900] =	vst v63  }
0x1b3: {  	s28 =	simm.s32 $0x8980;
	s29 =	sld [smem:$0x7E7]  }
0x1b4: {  	[hbm4b:s26+s13] =	stream.strided.scatter [tilespmem:s28], [sflag:$0x3], $0xC80, s14, s13, $0x38;
	[tilespmem:$0x1A900] =	vst v63  }
0x1b5: {  	s30 =	simm.s32 $0x9600;
	s2 =	sld [smem:$0x7E8]  }
0x1b6: {  	[hbm4b:s29+s13] =	stream.strided.scatter [tilespmem:s30], [sflag:$0x3], $0xC80, s14, s13, $0x38;
	[tilespmem:$0x1A900] =	vst v63  }
0x1b7: {  	s4 =	simm.s32 $0xA280;
	s24 =	sld [smem:$0x7E9]  }
0x1b8: {  	[hbm4b:s2+s13] =	stream.strided.scatter [tilespmem:s4], [sflag:$0x3], $0xC80, s14, s13, $0x38;
	[tilespmem:$0x1A900] =	vst v63  }
0x1b9: {  	s25 =	simm.s32 $0xAF00;
	s26 =	sld [smem:$0x7EA]  }
0x1ba: {  	[hbm4b:s24+s13] =	stream.strided.scatter [tilespmem:s25], [sflag:$0x3], $0xC80, s14, s13, $0x38;
	[tilespmem:$0x1A900] =	vst v63  }
0x1bb: {  	s28 =	simm.s32 $0xBB80;
	s29 =	sld [smem:$0x7EB]  }
0x1bc: {  	[hbm4b:s26+s13] =	stream.strided.scatter [tilespmem:s28], [sflag:$0x3], $0xC80, s14, s13, $0x38;
	[tilespmem:$0x1A900] =	vst v63  }
0x1bd: {  	s30 =	simm.s32 $0xC800;
	s4 =	sld [smem:$0x7EC]  }
0x1be: {  	[hbm4b:s29+s13] =	stream.strided.scatter [tilespmem:s30], [sflag:$0x3], $0xC80, s14, s13, $0x38;
	[tilespmem:$0x1A900] =	vst v63  }
0x1bf: {  	s24 =	simm.s32 $0xD480  }
0x1c0: {  	[hbm4b:s4+s13] =	stream.strided.scatter [tilespmem:s24], [sflag:$0x3], $0xC80, s14, s13, $0x38;
	[tilespmem:$0x1A900] =	vst v63  }
0x1c1: {  	_ =	swait.ge [sflag:s31], $0xC80  }
0x1c2: {  	[sflag:s31] =	ssyncset.done $0x0  }
0x1c3: {  	[sflag:s31] =	ssyncadd.s32 $0xFFFFF380  }
0x1c4: {  	_ =	swait.ge [sflag:s31], $0xC80  }
0x1c5: {  	[sflag:s31] =	ssyncset.done $0x0  }
0x1c6: {  	[sflag:s31] =	ssyncadd.s32 $0xFFFFF380  }
0x1c7: {  	_ =	swait.ge [sflag:s31], $0xC80  }
0x1c8: {  	[sflag:s31] =	ssyncset.done $0x0  }
0x1c9: {  	[sflag:s31] =	ssyncadd.s32 $0xFFFFF380  }
0x1ca: {  	_ =	swait.ge [sflag:s31], $0xC80  }
0x1cb: {  	[sflag:s31] =	ssyncset.done $0x0  }
0x1cc: {  	[sflag:s31] =	ssyncadd.s32 $0xFFFFF380  }
0x1cd: {  	_ =	swait.ge [sflag:s31], $0xC80  }
0x1ce: {  	[sflag:s31] =	ssyncset.done $0x0  }
0x1cf: {  	[sflag:s31] =	ssyncadd.s32 $0xFFFFF380  }
0x1d0: {  	_ =	swait.ge [sflag:s31], $0xC80  }
0x1d1: {  	[sflag:s31] =	ssyncset.done $0x0  }
0x1d2: {  	[sflag:s31] =	ssyncadd.s32 $0xFFFFF380  }
0x1d3: {  	_ =	swait.ge [sflag:s31], $0xC80  }
0x1d4: {  	[sflag:s31] =	ssyncset.done $0x0  }
0x1d5: {  	[sflag:s31] =	ssyncadd.s32 $0xFFFFF380  }
0x1d6: {  	_ =	swait.ge [sflag:s31], $0xC80  }
0x1d7: {  	[sflag:s31] =	ssyncset.done $0x0  }
0x1d8: {  	[sflag:s31] =	ssyncadd.s32 $0xFFFFF380  }
0x1d9: {  	_ =	swait.ge [sflag:s31], $0xC80  }
0x1da: {  	[sflag:s31] =	ssyncset.done $0x0  }
0x1db: {  	[sflag:s31] =	ssyncadd.s32 $0xFFFFF380  }
0x1dc: {  	_ =	swait.ge [sflag:s31], $0xC80  }
0x1dd: {  	[sflag:s31] =	ssyncset.done $0x0  }
0x1de: {  	[sflag:s31] =	ssyncadd.s32 $0xFFFFF380  }
0x1df: {  	_ =	swait.ge [sflag:s31], $0xC80  }
0x1e0: {  	[sflag:s31] =	ssyncset.done $0x0  }
0x1e1: {  	[sflag:s31] =	ssyncadd.s32 $0xFFFFF380  }
0x1e2: {  	_ =	swait.ge [sflag:s31], $0xC80  }
0x1e3: {  	[sflag:s31] =	ssyncset.done $0x0  }
0x1e4: {  	[sflag:s31] =	ssyncadd.s32 $0xFFFFF380  }
0x1e5: {  	_ =	swait.ge [sflag:s31], $0xC80  }
0x1e6: {  	[sflag:s31] =	ssyncset.done $0x0  }
0x1e7: {  	[sflag:s31] =	ssyncadd.s32 $0xFFFFF380  }
0x1e8: {  	_ =	swait.ge [sflag:s31], $0xC80  }
0x1e9: {  	[sflag:s31] =	ssyncset.done $0x0  }
0x1ea: {  	[sflag:s31] =	ssyncadd.s32 $0xFFFFF380  }
0x1eb: {  	_ =	swait.ge [sflag:s31], $0xC80  }
0x1ec: {  	[sflag:s31] =	ssyncset.done $0x0  }
0x1ed: {  	[sflag:s31] =	ssyncadd.s32 $0xFFFFF380  }
0x1ee: {  	_ =	swait.ge [sflag:s31], $0xC80  }
0x1ef: {  	[sflag:s31] =	ssyncset.done $0x0  }
0x1f0: {  	[sflag:s31] =	ssyncadd.s32 $0xFFFFF380  }
0x1f1: {  	_ =	swait.ge [sflag:s1], $0xC800  }
0x1f2: {  	s25 =	sld [smem:$0x7ED]  }
0x1f3: {  	[sflag:s1] =	ssyncset.done $0x0  }
0x1f4: {  	s26 =	sld [smem:$0x7EE];
	[sflag:s1] =	ssyncadd.s32 $0xFFFF3800  }
0x1f5: {  	[hbm4b:s25+s13] =	stream.strided.scatter [tilespmem:s11], [sflag:$0x4], $0xC80, s14, s13, $0x38;
	[tilespmem:$0x1A900] =	vst v63  }
0x1f6: {  	s28 =	simm.s32 $0xED80;
	s29 =	sld [smem:$0x7EF]  }
0x1f7: {  	[hbm4b:s26+s13] =	stream.strided.scatter [tilespmem:s28], [sflag:$0x4], $0xC80, s14, s13, $0x38;
	[tilespmem:$0x1A900] =	vst v63  }
0x1f8: {  	s30 =	simm.s32 $0xFA00;
	s2 =	sld [smem:$0x7F0]  }
0x1f9: {  	[hbm4b:s29+s13] =	stream.strided.scatter [tilespmem:s30], [sflag:$0x4], $0xC80, s14, s13, $0x38;
	[tilespmem:$0x1A900] =	vst v63  }
0x1fa: {  	s4 =	simm.s32 $0x10680;
	s24 =	sld [smem:$0x7F1]  }
0x1fb: {  	[hbm4b:s2+s13] =	stream.strided.scatter [tilespmem:s4], [sflag:$0x4], $0xC80, s14, s13, $0x38;
	[tilespmem:$0x1A900] =	vst v63  }
0x1fc: {  	s25 =	sld [smem:$0x7F2]  }
0x1fd: {  	[hbm4b:s24+s13] =	stream.strided.scatter [tilespmem:s5], [sflag:$0x4], $0xC80, s14, s13, $0x38;
	[tilespmem:$0x1A900] =	vst v63  }
0x1fe: {  	s26 =	sld [smem:$0x7F3]  }
0x1ff: {  	[hbm4b:s25+s13] =	stream.strided.scatter [tilespmem:s6], [sflag:$0x4], $0xC80, s14, s13, $0x38;
	[tilespmem:$0x1A900] =	vst v63  }
0x200: {  	s28 =	sld [smem:$0x7F4]  }
0x201: {  	[hbm4b:s26+s13] =	stream.strided.scatter [tilespmem:s7], [sflag:$0x4], $0xC80, s14, s13, $0x38;
	[tilespmem:$0x1A900] =	vst v63  }
0x202: {  	s29 =	sld [smem:$0x7F5]  }
0x203: {  	[hbm4b:s28+s13] =	stream.strided.scatter [tilespmem:s8], [sflag:$0x4], $0xC80, s14, s13, $0x38;
	[tilespmem:$0x1A900] =	vst v63  }
0x204: {  	s30 =	sld [smem:$0x7F6]  }
0x205: {  	[hbm4b:s29+s13] =	stream.strided.scatter [tilespmem:s15], [sflag:$0x4], $0xC80, s14, s13, $0x38;
	[tilespmem:$0x1A900] =	vst v63  }
0x206: {  	s2 =	sld [smem:$0x7F7]  }
0x207: {  	[hbm4b:s30+s13] =	stream.strided.scatter [tilespmem:s16], [sflag:$0x4], $0xC80, s14, s13, $0x38;
	[tilespmem:$0x1A900] =	vst v63  }
0x208: {  	s4 =	sld [smem:$0x7F8]  }
0x209: {  	[hbm4b:s2+s13] =	stream.strided.scatter [tilespmem:s17], [sflag:$0x4], $0xC80, s14, s13, $0x38;
	[tilespmem:$0x1A900] =	vst v63  }
0x20a: {  	s24 =	sld [smem:$0x7F9]  }
0x20b: {  	[hbm4b:s4+s13] =	stream.strided.scatter [tilespmem:s18], [sflag:$0x4], $0xC80, s14, s13, $0x38;
	[tilespmem:$0x1A900] =	vst v63  }
0x20c: {  	s25 =	sld [smem:$0x7FA]  }
0x20d: {  	[hbm4b:s24+s13] =	stream.strided.scatter [tilespmem:s19], [sflag:$0x4], $0xC80, s14, s13, $0x38;
	[tilespmem:$0x1A900] =	vst v63  }
0x20e: {  	s26 =	sld [smem:$0x7FB]  }
0x20f: {  	[hbm4b:s25+s13] =	stream.strided.scatter [tilespmem:s20], [sflag:$0x4], $0xC80, s14, s13, $0x38;
	[tilespmem:$0x1A900] =	vst v63  }
0x210: {  	s28 =	sld [smem:$0x7FC]  }
0x211: {  	[hbm4b:s26+s13] =	stream.strided.scatter [tilespmem:s21], [sflag:$0x4], $0xC80, s14, s13, $0x38;
	[tilespmem:$0x1A900] =	vst v63  }
0x212: {  	_ = 	snop  }
0x213: {  	[hbm4b:s28+s13] =	stream.strided.scatter [tilespmem:s22], [sflag:$0x4], $0xC80, s14, s13, $0x38;
	[tilespmem:$0x1A900] =	vst v63  }
0x214: {  	_ =	swait.ge [sflag:s23], $0xC80  }
0x215: {  	[sflag:s23] =	ssyncset.done $0x0  }
0x216: {  	[sflag:s23] =	ssyncadd.s32 $0xFFFFF380  }
0x217: {  	_ =	swait.ge [sflag:s23], $0xC80  }
0x218: {  	[sflag:s23] =	ssyncset.done $0x0  }
0x219: {  	[sflag:s23] =	ssyncadd.s32 $0xFFFFF380  }
0x21a: {  	_ =	swait.ge [sflag:s23], $0xC80  }
0x21b: {  	[sflag:s23] =	ssyncset.done $0x0  }
0x21c: {  	[sflag:s23] =	ssyncadd.s32 $0xFFFFF380  }
0x21d: {  	_ =	swait.ge [sflag:s23], $0xC80  }
0x21e: {  	[sflag:s23] =	ssyncset.done $0x0  }
0x21f: {  	[sflag:s23] =	ssyncadd.s32 $0xFFFFF380  }
0x220: {  	_ =	swait.ge [sflag:s23], $0xC80  }
0x221: {  	[sflag:s23] =	ssyncset.done $0x0  }
0x222: {  	[sflag:s23] =	ssyncadd.s32 $0xFFFFF380  }
0x223: {  	_ =	swait.ge [sflag:s23], $0xC80  }
0x224: {  	[sflag:s23] =	ssyncset.done $0x0  }
0x225: {  	[sflag:s23] =	ssyncadd.s32 $0xFFFFF380  }
0x226: {  	_ =	swait.ge [sflag:s23], $0xC80  }
0x227: {  	[sflag:s23] =	ssyncset.done $0x0  }
0x228: {  	[sflag:s23] =	ssyncadd.s32 $0xFFFFF380  }
0x229: {  	_ =	swait.ge [sflag:s23], $0xC80  }
0x22a: {  	[sflag:s23] =	ssyncset.done $0x0  }
0x22b: {  	[sflag:s23] =	ssyncadd.s32 $0xFFFFF380  }
0x22c: {  	_ =	swait.ge [sflag:s23], $0xC80  }
0x22d: {  	[sflag:s23] =	ssyncset.done $0x0  }
0x22e: {  	[sflag:s23] =	ssyncadd.s32 $0xFFFFF380  }
0x22f: {  	_ =	swait.ge [sflag:s23], $0xC80  }
0x230: {  	[sflag:s23] =	ssyncset.done $0x0  }
0x231: {  	[sflag:s23] =	ssyncadd.s32 $0xFFFFF380  }
0x232: {  	_ =	swait.ge [sflag:s23], $0xC80  }
0x233: {  	[sflag:s23] =	ssyncset.done $0x0  }
0x234: {  	[sflag:s23] =	ssyncadd.s32 $0xFFFFF380  }
0x235: {  	_ =	swait.ge [sflag:s23], $0xC80  }
0x236: {  	[sflag:s23] =	ssyncset.done $0x0  }
0x237: {  	[sflag:s23] =	ssyncadd.s32 $0xFFFFF380  }
0x238: {  	_ =	swait.ge [sflag:s23], $0xC80  }
0x239: {  	[sflag:s23] =	ssyncset.done $0x0  }
0x23a: {  	[sflag:s23] =	ssyncadd.s32 $0xFFFFF380  }
0x23b: {  	_ =	swait.ge [sflag:s23], $0xC80  }
0x23c: {  	[sflag:s23] =	ssyncset.done $0x0  }
0x23d: {  	[sflag:s23] =	ssyncadd.s32 $0xFFFFF380  }
0x23e: {  	_ =	swait.ge [sflag:s23], $0xC80  }
0x23f: {  	[sflag:s23] =	ssyncset.done $0x0  }
0x240: {  	[sflag:s23] =	ssyncadd.s32 $0xFFFFF380  }
0x241: {  	_ =	swait.ge [sflag:s23], $0xC80  }
0x242: {  	s29 =	sld [smem:$0x7DE]  }
0x243: {  	s30 =	sld [smem:$0x7FD];
	_ =	sdelay $0x1  }
0x244: {  	s2 =	sadd.s32 $0x1, s29  }
0x245: {  	p0 =	sne.s32 s2, s30  }
.Ltmp1:
0x246: {  	_ = 	snop;
	(pc) =	sbr.rel @p0 .LBB2_1-.Ltmp1, $3  }
0x247: {  	_ =	sdelay $0x1  }
0x248: {  	[sflag:s23] =	ssyncset.done $0x0  }
0x249: {  	[sflag:s23] =	ssyncadd.s32 $0xFFFFF380  }
0x24a: {  	_ =	sfence.sel $0x180000  }
0x24b: {  	[bflag:$0x0] =	sbarrier.arrive $0xFFFF  }
0x24c: {  	_ =	strace $0x90000047  }
0x24d: {  	s0 =	stileid.u32;
	[bflag:$0x2] =	sbarrier.arrive $0xFFFF  }
0x24e: {  	p0 =	sne.s32 s0, $0x0;
	s0 =	rddreg [dreg:$0x3]  }
0x24f: {  	s0 =	sadd.s32 @!p0 $0x100000, s0  }
0x250: {  	[sflag:s0] =	ssyncadd.tile.s32 @!p0 $0x1;
	_ =	shalt  }
.Lfunc_end2:
_tile_overlayer_lowered:
.L_overlay_start_2:
0x251: {  	(tag) =	ssettag $0x2  }
0x252: {  	s0 =	rddreg [dreg:$0x0];
	s2 =	stileid.u32  }
0x253: {  	s1 =	rddreg [dreg:$0x1];
	p0 =	sne.s32 s2, $0x0  }
0x254: {  	s3 =	rddreg [dreg:$0x2];
	[bflag:$0x3] =	sbarrier.arrive $0xFFFF;
	s2 =	simm.s32 @!p0 $0x1C05  }
0x255: {  	[timem:s3], [sflag:s2] =	dma.local @!p0 [hbm:s0], s1  }
0x256: {  	s0 =	simm.s32 @!p0 $0x5  }
0x257: {  	_ =	swait.ge @!p0 [sflag:s0], s1  }
0x258: {  	s1 =	ssub.s32 @!p0 $0x0, s1;
	[sflag:s0] =	ssyncset.done @!p0 $0x0  }
0x259: {  	[sflag:s0] =	ssyncadd.s32 @!p0 s1  }
0x25a: {  	[bflag:$0x3] =	sbarrier.arrive $0xFFFF  }
0x25b: {  	_ =	shalt  }

</sc_bundles>
